<compile_context>
chip_gen: v7x
topology: tpu7x:2x2x1
jax: 0.10.2.dev20260603
libtpu: 0.0.44.dev20260713+nightly
codegen_flags: <defaults>
</compile_context>

<pallas_src>
import dataclasses
import functools

import jax
import jax.numpy as jnp
from jax import lax
from jax.experimental import pallas as pl
from jax.experimental.pallas import tpu as pltpu
from jax.experimental.pallas import tpu_sc as plsc

N = 10000
NP = 10240
E = 320000
D = 128

NC = 2
NS = 16
NW = NC * NS
EPT = E // NW
EPT2 = 10240
NH = 2
EPH = EPT2 // NH
K = 80
NB = EPH // K
RPT = NP // NS

@functools.cache
def _vector_mesh():
    return plsc.VectorSubcoreMesh(
        core_axis_name="core", subcore_axis_name="subcore",
        num_cores=NC, num_subcores=NS)


def _sc_degree(dst2, zeros_v):

    @functools.partial(
        pl.kernel,
        out_type=jax.ShapeDtypeStruct((NW, NP), jnp.float32),
        mesh=_vector_mesh(),
        scratch_types=[
            pltpu.VMEM((EPT,), jnp.int32),
            pltpu.VMEM((NP,), jnp.float32),
        ],
        compiler_params=dataclasses.replace(
            pltpu.CompilerParams(), needs_layout_passes=False),
    )
    def deg_kernel(dst_hbm, zeros_hbm, out_hbm, idx_v, deg_v):
        c = lax.axis_index("core")
        s = lax.axis_index("subcore")
        w = c * NS + s
        pltpu.sync_copy(dst_hbm.at[w], idx_v)
        pltpu.sync_copy(zeros_hbm, deg_v)
        ones = jnp.ones((16,), jnp.float32)

        @pl.loop(0, EPT // 16)
        def _(i):
            idx = idx_v[pl.ds(i * 16, 16)]
            plsc.addupdate_scatter(deg_v, [idx], ones)

        pltpu.sync_copy(deg_v, out_hbm.at[w])

    return deg_kernel(dst2, zeros_v)


def _sc_scatter(g, src2, dst2, zeros_v):

    @functools.partial(
        pl.kernel,
        out_type=jax.ShapeDtypeStruct((NC, NP, D), jnp.float32),
        mesh=_vector_mesh(),
        scratch_types=[
            pltpu.VMEM((EPH,), jnp.int32),
            pltpu.VMEM((NB, K), jnp.int32),
            pltpu.VMEM((K, D), jnp.float32),
            pltpu.VMEM((K, D), jnp.float32),
            pltpu.VMEM((K, D), jnp.float32),
            pltpu.VMEM_SHARED((NP, D), jnp.float32),
            [pltpu.SemaphoreType.DMA] * 3,
            [pltpu.SemaphoreType.DMA] * 3,
        ],
    )
    def scat_kernel(g_hbm, src_hbm, dst_hbm, zeros_hbm, out_hbm, sidx, didx,
                    buf0, buf1, buf2, acc, gsems, ssems):
        c = lax.axis_index("core")
        s = lax.axis_index("subcore")
        w = c * NS + s
        bufs = (buf0, buf1, buf2)
        pltpu.sync_copy(zeros_hbm, acc.at[pl.ds(s * RPT, RPT)])
        plsc.subcore_barrier()

        def g_start(j, b):
            pltpu.async_copy(g_hbm.at[sidx.at[pl.ds(j * K, K)]], bufs[b],
                             gsems[b])

        def g_wait(j, b):
            pltpu.make_async_copy(g_hbm.at[sidx.at[pl.ds(j * K, K)]], bufs[b],
                                  gsems[b]).wait()

        def s_start(j, b):
            pltpu.async_copy(bufs[b], acc.at[didx.at[j]], ssems[b], add=True)

        def s_wait(j, b):
            pltpu.make_async_copy(bufs[b], acc.at[didx.at[j]],
                                  ssems[b]).wait()

        for h in range(NH):
            pltpu.sync_copy(src_hbm.at[w, pl.ds(h * EPH, EPH)], sidx)
            pltpu.sync_copy(dst_hbm.at[w, h], didx)

            g_start(0, 0)
            g_start(1, 1)
            g_start(2, 2)
            g_wait(0, 0)
            s_start(0, 0)

            @pl.loop(3, NB - 1, step=3)
            def _(jb):
                for b in range(3):
                    j = jb + b
                    s_wait(j - 3, b)
                    g_start(j, b)
                    g_wait(j - 2, (b + 1) % 3)
                    s_start(j - 2, (b + 1) % 3)

            jl = NB - 1
            s_wait(jl - 3, jl % 3)
            g_start(jl, jl % 3)
            g_wait(jl - 2, (jl - 2) % 3)
            s_start(jl - 2, (jl - 2) % 3)
            g_wait(jl - 1, (jl - 1) % 3)
            s_start(jl - 1, (jl - 1) % 3)
            g_wait(jl, jl % 3)
            s_start(jl, jl % 3)
            s_wait(jl - 2, (jl - 2) % 3)
            s_wait(jl - 1, (jl - 1) % 3)
            s_wait(jl, jl % 3)

        plsc.subcore_barrier()
        pltpu.sync_copy(acc.at[pl.ds(s * RPT, RPT)],
                        out_hbm.at[c, pl.ds(s * RPT, RPT)])

    return scat_kernel(g, src2, dst2, zeros_v)


_BR = 1024


def _dis_block(degp_ref):
    deg = jnp.sum(degp_ref[...], axis=0)[:, None] + 1.0
    return lax.rsqrt(deg)


def _tc_g1_body(x_ref, w_ref, degp_ref, g_ref):
    dis = _dis_block(degp_ref)
    g_ref[...] = jnp.dot(x_ref[...], w_ref[...],
                         preferred_element_type=jnp.float32) * dis


def _tc_g1(x, W1, degp):
    return pl.pallas_call(
        _tc_g1_body,
        grid=(NP // _BR,),
        in_specs=[
            pl.BlockSpec((_BR, D), lambda i: (i, 0)),
            pl.BlockSpec((D, D), lambda i: (0, 0)),
            pl.BlockSpec((NW, _BR), lambda i: (0, i)),
        ],
        out_specs=pl.BlockSpec((_BR, D), lambda i: (i, 0)),
        out_shape=jax.ShapeDtypeStruct((NP, D), jnp.float32),
    )(x, W1, degp)


def _tc_mid_body(acc_ref, g1_ref, degp_ref, w_ref, b_ref, g2_ref):
    dis = _dis_block(degp_ref)
    h = dis * (acc_ref[0] + acc_ref[1] + g1_ref[...]) + b_ref[...]
    h = jnp.maximum(h, 0.0)
    g2_ref[...] = jnp.dot(h, w_ref[...],
                          preferred_element_type=jnp.float32) * dis


def _tc_mid(acc1, g1, degp, W2, b1):
    return pl.pallas_call(
        _tc_mid_body,
        grid=(NP // _BR,),
        in_specs=[
            pl.BlockSpec((NC, _BR, D), lambda i: (0, i, 0)),
            pl.BlockSpec((_BR, D), lambda i: (i, 0)),
            pl.BlockSpec((NW, _BR), lambda i: (0, i)),
            pl.BlockSpec((D, D), lambda i: (0, 0)),
            pl.BlockSpec((1, D), lambda i: (0, 0)),
        ],
        out_specs=pl.BlockSpec((_BR, D), lambda i: (i, 0)),
        out_shape=jax.ShapeDtypeStruct((NP, D), jnp.float32),
    )(acc1, g1, degp, W2, b1)


def _tc_out_body(acc_ref, g2_ref, degp_ref, b_ref, o_ref):
    dis = _dis_block(degp_ref)
    o_ref[...] = dis * (acc_ref[0] + acc_ref[1] + g2_ref[...]) + b_ref[...]


def _tc_out(acc2, g2, degp, b2):
    return pl.pallas_call(
        _tc_out_body,
        grid=(NP // _BR,),
        in_specs=[
            pl.BlockSpec((NC, _BR, D), lambda i: (0, i, 0)),
            pl.BlockSpec((_BR, D), lambda i: (i, 0)),
            pl.BlockSpec((NW, _BR), lambda i: (0, i)),
            pl.BlockSpec((1, D), lambda i: (0, 0)),
        ],
        out_specs=pl.BlockSpec((_BR, D), lambda i: (i, 0)),
        out_shape=jax.ShapeDtypeStruct((NP, D), jnp.float32),
    )(acc2, g2, degp, b2)


def kernel(x, edge_index, W1, b1, W2, b2):
    ei = edge_index.astype(jnp.int32)
    src2 = ei[0].reshape(NW, EPT)
    dst2 = ei[1].reshape(NW, EPT)
    pad = jnp.full((NW, EPT2 - EPT), NP - 1, jnp.int32)
    src2p = jnp.concatenate([src2, pad], axis=1)
    dst4p = jnp.concatenate([dst2, pad], axis=1).reshape(NW, NH, NB, K)
    xp = jnp.zeros((NP, D), jnp.float32).at[:N].set(x)
    zer1 = jnp.zeros((NP,), jnp.float32)
    zer128 = jnp.zeros((RPT, D), jnp.float32)
    b1r = b1.reshape(1, D)
    b2r = b2.reshape(1, D)

    degp = _sc_degree(dst2, zer1)
    g1 = _tc_g1(xp, W1, degp)
    acc1 = _sc_scatter(g1, src2p, dst4p, zer128)
    g2 = _tc_mid(acc1, g1, degp, W2, b1r)
    acc2 = _sc_scatter(g2, src2p, dst4p, zer128)
    return _tc_out(acc2, g2, degp, b2r)[:N]

# --- scband reference (transcript-rebuilt; emitter-appended) ---
"""Pipeline reference for scband-gnn-33809982554815 (READ-ONLY COPY).

The authoritative reference and input builder live on the scoring server;
editing this copy changes nothing except your own understanding.
"""

import jax, jax.numpy as jnp
import numpy as np

N_NODES = 10000
N_EDGES = 320000
D_IN = 128
D_HID = 128
D_OUT = 128


def gcn_conv(x, edge_index, W, b, num_nodes):
    # GCNConv: out = D^{-1/2} (A + I) D^{-1/2} X W + b
    src = edge_index[0]
    dst = edge_index[1]
    loop = jnp.arange(num_nodes, dtype=edge_index.dtype)
    src = jnp.concatenate([src, loop])
    dst = jnp.concatenate([dst, loop])
    deg = jnp.zeros((num_nodes,), dtype=x.dtype).at[dst].add(1.0)
    deg_inv_sqrt = jnp.where(deg > 0, jax.lax.rsqrt(jnp.maximum(deg, 1e-12)), 0.0)
    norm = deg_inv_sqrt[src] * deg_inv_sqrt[dst]
    h = x @ W
    msg = h[src] * norm[:, None]
    out = jnp.zeros((num_nodes, h.shape[1]), dtype=h.dtype).at[dst].add(msg)
    return out + b


def setup_inputs(seed: int = 0) -> dict:
    key = jax.random.key(seed)
    k1, k2, k3, k4, k5, k6 = jax.random.split(key, 6)
    x = jax.random.normal(k1, (N_NODES, D_IN), dtype=jnp.float32)
    edge_index = jax.random.randint(k2, (2, N_EDGES), 0, N_NODES, dtype=jnp.int64)
    s1 = 1.0 / np.sqrt(D_IN)
    s2 = 1.0 / np.sqrt(D_HID)
    W1 = jax.random.uniform(k3, (D_IN, D_HID), dtype=jnp.float32, minval=-s1, maxval=s1)
    b1 = jax.random.uniform(k4, (D_HID,), dtype=jnp.float32, minval=-s1, maxval=s1)
    W2 = jax.random.uniform(k5, (D_HID, D_OUT), dtype=jnp.float32, minval=-s2, maxval=s2)
    b2 = jax.random.uniform(k6, (D_OUT,), dtype=jnp.float32, minval=-s2, maxval=s2)
    return {"x": x, "edge_index": edge_index, "W1": W1, "b1": b1, "W2": W2, "b2": b2}


def reference(x, edge_index, W1, b1, W2, b2):
    h = gcn_conv(x, edge_index, W1, b1, N_NODES)
    h = jax.nn.relu(h)
    out = gcn_conv(h, edge_index, W2, b2, N_NODES)
    return out

if __name__ == "__main__":
    import jax
    _d = setup_inputs()
    print(jax.jit(kernel)(*tuple(_d.values())))

</pallas_src>

<mosaic_0001>
#map = affine_map<(d0, d1) -> (0, 0)>
#map1 = affine_map<(d0, d1) -> (0)>
module attributes {stable_mosaic.version = 14 : i64} {
  func.func @deg_kernel(%arg0: i32, %arg1: i32, %arg2: memref<32x10000xi32, #tpu.memory_space<hbm>>, %arg3: memref<10240xf32, #tpu.memory_space<hbm>>, %arg4: memref<32x10240xf32, #tpu.memory_space<hbm>>, %arg5: memref<10000xi32, #tpu.memory_space<vmem>>, %arg6: memref<10240xf32, #tpu.memory_space<vmem>>) attributes {dimension_semantics = [#tpu.dimension_semantics<core_parallel>, #tpu.dimension_semantics<subcore_parallel>], iteration_bounds = array<i64: 2, 16>, scalar_prefetch = 0 : i64, scratch_operands = 2 : i64, tpu.core_type = #tpu.core_type<sc_vector_subcore>, window_params = [{transform_indices = #map}, {transform_indices = #map1}, {transform_indices = #map}]} {
    %mul3A = arith.constant 16 : i32
    %mul3A_0 = arith.muli %arg0, %mul3A : i32
    %add3A = arith.addi %mul3A_0, %arg1 : i32
    "tpu.region"() ({
      %run_scoped3A = tpu.sem_alloc : memref<!tpu.dma_semaphore, #tpu.memory_space<semaphore_mem>>
      %dma_start3A = arith.constant 0 : i32
      %dma_start3A_6 = tpu.memref_slice %arg2[%add3A, %dma_start3A] : memref<32x10000xi32, #tpu.memory_space<hbm>> -> memref<1x10000xi32, #tpu.memory_space<hbm>>
      %dma_start3A_7 = tpu.memref_squeeze %dma_start3A_6 : memref<1x10000xi32, #tpu.memory_space<hbm>> -> memref<10000xi32, #tpu.memory_space<hbm>>
      %dma_start3A_8 = arith.constant 0 : i32
      %dma_start3A_9 = tpu.memref_slice %arg2[%add3A, %dma_start3A_8] : memref<32x10000xi32, #tpu.memory_space<hbm>> -> memref<1x10000xi32, #tpu.memory_space<hbm>>
      %dma_start3A_10 = tpu.memref_squeeze %dma_start3A_9 : memref<1x10000xi32, #tpu.memory_space<hbm>> -> memref<10000xi32, #tpu.memory_space<hbm>>
      tpu.enqueue_dma source(%dma_start3A_10 : memref<10000xi32, #tpu.memory_space<hbm>>) target(%arg5 : memref<10000xi32, #tpu.memory_space<vmem>>) target_semaphore(%run_scoped3A : memref<!tpu.dma_semaphore, #tpu.memory_space<semaphore_mem>>)
      %dma_wait3A = arith.constant 0 : i32
      %dma_wait3A_11 = tpu.memref_slice %arg2[%add3A, %dma_wait3A] : memref<32x10000xi32, #tpu.memory_space<hbm>> -> memref<1x10000xi32, #tpu.memory_space<hbm>>
      %dma_wait3A_12 = tpu.memref_squeeze %dma_wait3A_11 : memref<1x10000xi32, #tpu.memory_space<hbm>> -> memref<10000xi32, #tpu.memory_space<hbm>>
      %dma_wait3A_13 = arith.constant 0 : i32
      %dma_wait3A_14 = tpu.memref_slice %arg2[%add3A, %dma_wait3A_13] : memref<32x10000xi32, #tpu.memory_space<hbm>> -> memref<1x10000xi32, #tpu.memory_space<hbm>>
      %dma_wait3A_15 = tpu.memref_squeeze %dma_wait3A_14 : memref<1x10000xi32, #tpu.memory_space<hbm>> -> memref<10000xi32, #tpu.memory_space<hbm>>
      tpu.wait_dma2 semaphore(%run_scoped3A : memref<!tpu.dma_semaphore, #tpu.memory_space<semaphore_mem>>) src(%dma_wait3A_15 : memref<10000xi32, #tpu.memory_space<hbm>>) dst(%arg5 : memref<10000xi32, #tpu.memory_space<vmem>>)
      tpu.yield
    }) : () -> ()
    "tpu.region"() ({
      %run_scoped3A = tpu.sem_alloc : memref<!tpu.dma_semaphore, #tpu.memory_space<semaphore_mem>>
      tpu.enqueue_dma source(%arg3 : memref<10240xf32, #tpu.memory_space<hbm>>) target(%arg6 : memref<10240xf32, #tpu.memory_space<vmem>>) target_semaphore(%run_scoped3A : memref<!tpu.dma_semaphore, #tpu.memory_space<semaphore_mem>>)
      tpu.wait_dma2 semaphore(%run_scoped3A : memref<!tpu.dma_semaphore, #tpu.memory_space<semaphore_mem>>) src(%arg3 : memref<10240xf32, #tpu.memory_space<hbm>>) dst(%arg6 : memref<10240xf32, #tpu.memory_space<vmem>>)
      tpu.yield
    }) : () -> ()
    %broadcast_in_dim3A = arith.constant 1.000000e+00 : f32
    %broadcast_in_dim3A_1 = vector.broadcast %broadcast_in_dim3A : f32 to vector<16xf32>
    %scan3A = arith.constant 0 : i32
    %scan3A_2 = arith.constant 625 : i32
    %scan3A_3 = arith.addi %scan3A, %scan3A_2 : i32
    %scan3A_4 = arith.constant 1 : i32
    scf.for %scan3A_6 = %scan3A to %scan3A_3 step %scan3A_4  : i32 {
      %mul3A_7 = arith.constant 1 : i32
      %mul3A_8 = arith.muli %scan3A_6, %mul3A_7 : i32
      %add3A_9 = arith.constant 0 : i32
      %add3A_10 = arith.addi %add3A_9, %mul3A_8 : i32
      %mul3A_11 = arith.constant 16 : i32
      %mul3A_12 = arith.muli %add3A_10, %mul3A_11 : i32
      %get3A = arith.index_cast %mul3A_12 : i32 to index
      %get3A_13 = tpu.vector_load %arg5[%get3A] {strides = array<i32>} : memref<10000xi32, #tpu.memory_space<vmem>>, vector<16xi32>,
      tpu.vector_store_idx %arg6[%get3A_13], %broadcast_in_dim3A_1 {add = true} : memref<10240xf32, #tpu.memory_space<vmem>>[vector<16xi32>], vector<16xf32>,
    }
    %scan3A_5 = arith.constant 625 : i32
    "tpu.region"() ({
      %run_scoped3A = tpu.sem_alloc : memref<!tpu.dma_semaphore, #tpu.memory_space<semaphore_mem>>
      %dma_start3A = arith.constant 0 : i32
      %dma_start3A_6 = tpu.memref_slice %arg4[%add3A, %dma_start3A] : memref<32x10240xf32, #tpu.memory_space<hbm>> -> memref<1x10240xf32, #tpu.memory_space<hbm>>
      %dma_start3A_7 = tpu.memref_squeeze %dma_start3A_6 : memref<1x10240xf32, #tpu.memory_space<hbm>> -> memref<10240xf32, #tpu.memory_space<hbm>>
      %dma_start3A_8 = arith.constant 0 : i32
      %dma_start3A_9 = tpu.memref_slice %arg4[%add3A, %dma_start3A_8] : memref<32x10240xf32, #tpu.memory_space<hbm>> -> memref<1x10240xf32, #tpu.memory_space<hbm>>
      %dma_start3A_10 = tpu.memref_squeeze %dma_start3A_9 : memref<1x10240xf32, #tpu.memory_space<hbm>> -> memref<10240xf32, #tpu.memory_space<hbm>>
      tpu.enqueue_dma source(%arg6 : memref<10240xf32, #tpu.memory_space<vmem>>) target(%dma_start3A_10 : memref<10240xf32, #tpu.memory_space<hbm>>) target_semaphore(%run_scoped3A : memref<!tpu.dma_semaphore, #tpu.memory_space<semaphore_mem>>)
      %dma_wait3A = arith.constant 0 : i32
      %dma_wait3A_11 = tpu.memref_slice %arg4[%add3A, %dma_wait3A] : memref<32x10240xf32, #tpu.memory_space<hbm>> -> memref<1x10240xf32, #tpu.memory_space<hbm>>
      %dma_wait3A_12 = tpu.memref_squeeze %dma_wait3A_11 : memref<1x10240xf32, #tpu.memory_space<hbm>> -> memref<10240xf32, #tpu.memory_space<hbm>>
      %dma_wait3A_13 = arith.constant 0 : i32
      %dma_wait3A_14 = tpu.memref_slice %arg4[%add3A, %dma_wait3A_13] : memref<32x10240xf32, #tpu.memory_space<hbm>> -> memref<1x10240xf32, #tpu.memory_space<hbm>>
      %dma_wait3A_15 = tpu.memref_squeeze %dma_wait3A_14 : memref<1x10240xf32, #tpu.memory_space<hbm>> -> memref<10240xf32, #tpu.memory_space<hbm>>
      tpu.wait_dma2 semaphore(%run_scoped3A : memref<!tpu.dma_semaphore, #tpu.memory_space<semaphore_mem>>) src(%arg6 : memref<10240xf32, #tpu.memory_space<vmem>>) dst(%dma_wait3A_15 : memref<10240xf32, #tpu.memory_space<hbm>>)
      tpu.yield
    }) : () -> ()
    return
  }
}

#map = affine_map<(d0, d1) -> (0, 0)>
#map1 = affine_map<(d0, d1) -> (0, 0, 0, 0)>
#map2 = affine_map<(d0, d1) -> (0, 0, 0)>
module attributes {stable_mosaic.version = 14 : i64} {
  func.func @scat_kernel(%arg0: i32, %arg1: i32, %arg2: memref<10240x128xf32, #tpu.memory_space<hbm>>, %arg3: memref<32x10240xi32, #tpu.memory_space<hbm>>, %arg4: memref<32x2x64x80xi32, #tpu.memory_space<hbm>>, %arg5: memref<640x128xf32, #tpu.memory_space<hbm>>, %arg6: memref<2x10240x128xf32, #tpu.memory_space<hbm>>, %arg7: memref<5120xi32, #tpu.memory_space<vmem>>, %arg8: memref<64x80xi32, #tpu.memory_space<vmem>>, %arg9: memref<80x128xf32, #tpu.memory_space<vmem>>, %arg10: memref<80x128xf32, #tpu.memory_space<vmem>>, %arg11: memref<80x128xf32, #tpu.memory_space<vmem>>, %arg12: memref<10240x128xf32, #tpu.memory_space<vmem_shared>>, %arg13: memref<!tpu.dma_semaphore, #tpu.memory_space<semaphore_mem>>, %arg14: memref<!tpu.dma_semaphore, #tpu.memory_space<semaphore_mem>>, %arg15: memref<!tpu.dma_semaphore, #tpu.memory_space<semaphore_mem>>, %arg16: memref<!tpu.dma_semaphore, #tpu.memory_space<semaphore_mem>>, %arg17: memref<!tpu.dma_semaphore, #tpu.memory_space<semaphore_mem>>, %arg18: memref<!tpu.dma_semaphore, #tpu.memory_space<semaphore_mem>>) attributes {dimension_semantics = [#tpu.dimension_semantics<core_parallel>, #tpu.dimension_semantics<subcore_parallel>], iteration_bounds = array<i64: 2, 16>, scalar_prefetch = 0 : i64, scratch_operands = 12 : i64, tpu.core_type = #tpu.core_type<sc_vector_subcore>, window_params = [{transform_indices = #map}, {transform_indices = #map}, {transform_indices = #map1}, {transform_indices = #map}, {transform_indices = #map2}]} {
    %mul3A = arith.constant 16 : i32
    %mul3A_0 = arith.muli %arg0, %mul3A : i32
    %add3A = arith.addi %mul3A_0, %arg1 : i32
    %mul3A_1 = arith.constant 640 : i32
    %mul3A_2 = arith.muli %arg1, %mul3A_1 : i32
    "tpu.region"() ({
      %run_scoped3A_208 = tpu.sem_alloc : memref<!tpu.dma_semaphore, #tpu.memory_space<semaphore_mem>>
      %dma_start3A_209 = arith.constant 0 : i32
      %dma_start3A_210 = tpu.memref_slice %arg12[%mul3A_2, %dma_start3A_209] : memref<10240x128xf32, #tpu.memory_space<vmem_shared>> -> memref<640x128xf32, #tpu.memory_space<vmem_shared>>
      tpu.enqueue_dma source(%arg5 : memref<640x128xf32, #tpu.memory_space<hbm>>) target(%dma_start3A_210 : memref<640x128xf32, #tpu.memory_space<vmem_shared>>) target_semaphore(%run_scoped3A_208 : memref<!tpu.dma_semaphore, #tpu.memory_space<semaphore_mem>>)
      %dma_wait3A_211 = arith.constant 0 : i32
      %dma_wait3A_212 = tpu.memref_slice %arg12[%mul3A_2, %dma_wait3A_211] : memref<10240x128xf32, #tpu.memory_space<vmem_shared>> -> memref<640x128xf32, #tpu.memory_space<vmem_shared>>
      tpu.wait_dma2 semaphore(%run_scoped3A_208 : memref<!tpu.dma_semaphore, #tpu.memory_space<semaphore_mem>>) src(%arg5 : memref<640x128xf32, #tpu.memory_space<hbm>>) dst(%dma_wait3A_212 : memref<640x128xf32, #tpu.memory_space<vmem_shared>>)
      tpu.yield
    }) : () -> ()
    %barrier3A = arith.constant 0 : index
    tpu.barrier barrier_id(%barrier3A)
    "tpu.region"() ({
      %run_scoped3A_208 = tpu.sem_alloc : memref<!tpu.dma_semaphore, #tpu.memory_space<semaphore_mem>>
      %dma_start3A_209 = arith.constant 0 : i32
      %dma_start3A_210 = tpu.memref_slice %arg3[%add3A, %dma_start3A_209] : memref<32x10240xi32, #tpu.memory_space<hbm>> -> memref<1x5120xi32, #tpu.memory_space<hbm>>
      %dma_start3A_211 = tpu.memref_squeeze %dma_start3A_210 : memref<1x5120xi32, #tpu.memory_space<hbm>> -> memref<5120xi32, #tpu.memory_space<hbm>>
      %dma_start3A_212 = arith.constant 0 : i32
      %dma_start3A_213 = tpu.memref_slice %arg3[%add3A, %dma_start3A_212] : memref<32x10240xi32, #tpu.memory_space<hbm>> -> memref<1x5120xi32, #tpu.memory_space<hbm>>
      %dma_start3A_214 = tpu.memref_squeeze %dma_start3A_213 : memref<1x5120xi32, #tpu.memory_space<hbm>> -> memref<5120xi32, #tpu.memory_space<hbm>>
      tpu.enqueue_dma source(%dma_start3A_214 : memref<5120xi32, #tpu.memory_space<hbm>>) target(%arg7 : memref<5120xi32, #tpu.memory_space<vmem>>) target_semaphore(%run_scoped3A_208 : memref<!tpu.dma_semaphore, #tpu.memory_space<semaphore_mem>>)
      %dma_wait3A_215 = arith.constant 0 : i32
      %dma_wait3A_216 = tpu.memref_slice %arg3[%add3A, %dma_wait3A_215] : memref<32x10240xi32, #tpu.memory_space<hbm>> -> memref<1x5120xi32, #tpu.memory_space<hbm>>
      %dma_wait3A_217 = tpu.memref_squeeze %dma_wait3A_216 : memref<1x5120xi32, #tpu.memory_space<hbm>> -> memref<5120xi32, #tpu.memory_space<hbm>>
      %dma_wait3A_218 = arith.constant 0 : i32
      %dma_wait3A_219 = tpu.memref_slice %arg3[%add3A, %dma_wait3A_218] : memref<32x10240xi32, #tpu.memory_space<hbm>> -> memref<1x5120xi32, #tpu.memory_space<hbm>>
      %dma_wait3A_220 = tpu.memref_squeeze %dma_wait3A_219 : memref<1x5120xi32, #tpu.memory_space<hbm>> -> memref<5120xi32, #tpu.memory_space<hbm>>
      tpu.wait_dma2 semaphore(%run_scoped3A_208 : memref<!tpu.dma_semaphore, #tpu.memory_space<semaphore_mem>>) src(%dma_wait3A_220 : memref<5120xi32, #tpu.memory_space<hbm>>) dst(%arg7 : memref<5120xi32, #tpu.memory_space<vmem>>)
      tpu.yield
    }) : () -> ()
    %run_scoped3A = arith.constant 0 : i32
    "tpu.region"() ({
      %run_scoped3A_208 = tpu.sem_alloc : memref<!tpu.dma_semaphore, #tpu.memory_space<semaphore_mem>>
      %dma_start3A_209 = arith.constant 0 : i32
      %dma_start3A_210 = arith.constant 0 : i32
      %dma_start3A_211 = tpu.memref_slice %arg4[%add3A, %run_scoped3A, %dma_start3A_209, %dma_start3A_210] : memref<32x2x64x80xi32, #tpu.memory_space<hbm>> -> memref<1x1x64x80xi32, #tpu.memory_space<hbm>>
      %dma_start3A_212 = tpu.memref_squeeze %dma_start3A_211 : memref<1x1x64x80xi32, #tpu.memory_space<hbm>> -> memref<64x80xi32, #tpu.memory_space<hbm>>
      %dma_start3A_213 = arith.constant 0 : i32
      %dma_start3A_214 = arith.constant 0 : i32
      %dma_start3A_215 = tpu.memref_slice %arg4[%add3A, %run_scoped3A, %dma_start3A_213, %dma_start3A_214] : memref<32x2x64x80xi32, #tpu.memory_space<hbm>> -> memref<1x1x64x80xi32, #tpu.memory_space<hbm>>
      %dma_start3A_216 = tpu.memref_squeeze %dma_start3A_215 : memref<1x1x64x80xi32, #tpu.memory_space<hbm>> -> memref<64x80xi32, #tpu.memory_space<hbm>>
      tpu.enqueue_dma source(%dma_start3A_216 : memref<64x80xi32, #tpu.memory_space<hbm>>) target(%arg8 : memref<64x80xi32, #tpu.memory_space<vmem>>) target_semaphore(%run_scoped3A_208 : memref<!tpu.dma_semaphore, #tpu.memory_space<semaphore_mem>>)
      %dma_wait3A_217 = arith.constant 0 : i32
      %dma_wait3A_218 = arith.constant 0 : i32
      %dma_wait3A_219 = tpu.memref_slice %arg4[%add3A, %run_scoped3A, %dma_wait3A_217, %dma_wait3A_218] : memref<32x2x64x80xi32, #tpu.memory_space<hbm>> -> memref<1x1x64x80xi32, #tpu.memory_space<hbm>>
      %dma_wait3A_220 = tpu.memref_squeeze %dma_wait3A_219 : memref<1x1x64x80xi32, #tpu.memory_space<hbm>> -> memref<64x80xi32, #tpu.memory_space<hbm>>
      %dma_wait3A_221 = arith.constant 0 : i32
      %dma_wait3A_222 = arith.constant 0 : i32
      %dma_wait3A_223 = tpu.memref_slice %arg4[%add3A, %run_scoped3A, %dma_wait3A_221, %dma_wait3A_222] : memref<32x2x64x80xi32, #tpu.memory_space<hbm>> -> memref<1x1x64x80xi32, #tpu.memory_space<hbm>>
      %dma_wait3A_224 = tpu.memref_squeeze %dma_wait3A_223 : memref<1x1x64x80xi32, #tpu.memory_space<hbm>> -> memref<64x80xi32, #tpu.memory_space<hbm>>
      tpu.wait_dma2 semaphore(%run_scoped3A_208 : memref<!tpu.dma_semaphore, #tpu.memory_space<semaphore_mem>>) src(%dma_wait3A_224 : memref<64x80xi32, #tpu.memory_space<hbm>>) dst(%arg8 : memref<64x80xi32, #tpu.memory_space<vmem>>)
      tpu.yield
    }) : () -> ()
    %dma_start3A = arith.constant 0 : i32
    %dma_start3A_3 = tpu.memref_slice %arg7[%dma_start3A] : memref<5120xi32, #tpu.memory_space<vmem>> -> memref<80xi32, #tpu.memory_space<vmem>>
    %dma_start3A_4 = arith.constant 0 : i32
    %dma_start3A_5 = arith.constant 0 : i32
    %dma_start3A_6 = tpu.memref_slice %arg2[%dma_start3A_4, %dma_start3A_5] : memref<10240x128xf32, #tpu.memory_space<hbm>> -> memref<10240x128xf32, #tpu.memory_space<hbm>>
    tpu.enqueue_indirect_dma source(%dma_start3A_6 : memref<10240x128xf32, #tpu.memory_space<hbm>>) target(%arg9 : memref<80x128xf32, #tpu.memory_space<vmem>>) offsets(%dma_start3A_3 : memref<80xi32, #tpu.memory_space<vmem>>) semaphore(%arg13 : memref<!tpu.dma_semaphore, #tpu.memory_space<semaphore_mem>>)
    %dma_start3A_7 = arith.constant 80 : i32
    %dma_start3A_8 = tpu.memref_slice %arg7[%dma_start3A_7] : memref<5120xi32, #tpu.memory_space<vmem>> -> memref<80xi32, #tpu.memory_space<vmem>>
    %dma_start3A_9 = arith.constant 0 : i32
    %dma_start3A_10 = arith.constant 0 : i32
    %dma_start3A_11 = tpu.memref_slice %arg2[%dma_start3A_9, %dma_start3A_10] : memref<10240x128xf32, #tpu.memory_space<hbm>> -> memref<10240x128xf32, #tpu.memory_space<hbm>>
    tpu.enqueue_indirect_dma source(%dma_start3A_11 : memref<10240x128xf32, #tpu.memory_space<hbm>>) target(%arg10 : memref<80x128xf32, #tpu.memory_space<vmem>>) offsets(%dma_start3A_8 : memref<80xi32, #tpu.memory_space<vmem>>) semaphore(%arg14 : memref<!tpu.dma_semaphore, #tpu.memory_space<semaphore_mem>>)
    %dma_start3A_12 = arith.constant 160 : i32
    %dma_start3A_13 = tpu.memref_slice %arg7[%dma_start3A_12] : memref<5120xi32, #tpu.memory_space<vmem>> -> memref<80xi32, #tpu.memory_space<vmem>>
    %dma_start3A_14 = arith.constant 0 : i32
    %dma_start3A_15 = arith.constant 0 : i32
    %dma_start3A_16 = tpu.memref_slice %arg2[%dma_start3A_14, %dma_start3A_15] : memref<10240x128xf32, #tpu.memory_space<hbm>> -> memref<10240x128xf32, #tpu.memory_space<hbm>>
    tpu.enqueue_indirect_dma source(%dma_start3A_16 : memref<10240x128xf32, #tpu.memory_space<hbm>>) target(%arg11 : memref<80x128xf32, #tpu.memory_space<vmem>>) offsets(%dma_start3A_13 : memref<80xi32, #tpu.memory_space<vmem>>) semaphore(%arg15 : memref<!tpu.dma_semaphore, #tpu.memory_space<semaphore_mem>>)
    %dma_wait3A = arith.constant 0 : i32
    %dma_wait3A_17 = tpu.memref_slice %arg7[%dma_wait3A] : memref<5120xi32, #tpu.memory_space<vmem>> -> memref<80xi32, #tpu.memory_space<vmem>>
    %dma_wait3A_18 = arith.constant 0 : i32
    %dma_wait3A_19 = arith.constant 0 : i32
    %dma_wait3A_20 = tpu.memref_slice %arg2[%dma_wait3A_18, %dma_wait3A_19] : memref<10240x128xf32, #tpu.memory_space<hbm>> -> memref<10240x128xf32, #tpu.memory_space<hbm>>
    tpu.wait_indirect_dma semaphore(%arg13 : memref<!tpu.dma_semaphore, #tpu.memory_space<semaphore_mem>>) src(%dma_wait3A_20 : memref<10240x128xf32, #tpu.memory_space<hbm>>) dst(%arg9 : memref<80x128xf32, #tpu.memory_space<vmem>>)
    %dma_start3A_21 = arith.constant 0 : i32
    %dma_start3A_22 = arith.constant 0 : i32
    %dma_start3A_23 = tpu.memref_slice %arg8[%dma_start3A_21, %dma_start3A_22] : memref<64x80xi32, #tpu.memory_space<vmem>> -> memref<1x80xi32, #tpu.memory_space<vmem>>
    %dma_start3A_24 = tpu.memref_squeeze %dma_start3A_23 : memref<1x80xi32, #tpu.memory_space<vmem>> -> memref<80xi32, #tpu.memory_space<vmem>>
    %dma_start3A_25 = arith.constant 0 : i32
    %dma_start3A_26 = arith.constant 0 : i32
    %dma_start3A_27 = tpu.memref_slice %arg12[%dma_start3A_25, %dma_start3A_26] : memref<10240x128xf32, #tpu.memory_space<vmem_shared>> -> memref<10240x128xf32, #tpu.memory_space<vmem_shared>>
    tpu.enqueue_indirect_dma source(%arg9 : memref<80x128xf32, #tpu.memory_space<vmem>>) target(%dma_start3A_27 : memref<10240x128xf32, #tpu.memory_space<vmem_shared>>) offsets(%dma_start3A_24 : memref<80xi32, #tpu.memory_space<vmem>>) semaphore(%arg16 : memref<!tpu.dma_semaphore, #tpu.memory_space<semaphore_mem>>) {add = true}
    %scan3A = arith.constant 0 : i32
    %scan3A_28 = arith.constant 20 : i32
    %scan3A_29 = arith.addi %scan3A, %scan3A_28 : i32
    %scan3A_30 = arith.constant 1 : i32
    scf.for %scan3A_208 = %scan3A to %scan3A_29 step %scan3A_30  : i32 {
      %mul3A_209 = arith.constant 3 : i32
      %mul3A_210 = arith.muli %scan3A_208, %mul3A_209 : i32
      %add3A_211 = arith.constant 3 : i32
      %add3A_212 = arith.addi %add3A_211, %mul3A_210 : i32
      %add3A_213 = arith.constant 0 : i32
      %add3A_214 = arith.addi %add3A_212, %add3A_213 : i32
      %sub3A = arith.constant 3 : i32
      %sub3A_215 = arith.subi %add3A_214, %sub3A : i32
      %dma_wait3A_216 = arith.constant 0 : i32
      %dma_wait3A_217 = tpu.memref_slice %arg8[%sub3A_215, %dma_wait3A_216] : memref<64x80xi32, #tpu.memory_space<vmem>> -> memref<1x80xi32, #tpu.memory_space<vmem>>
      %dma_wait3A_218 = tpu.memref_squeeze %dma_wait3A_217 : memref<1x80xi32, #tpu.memory_space<vmem>> -> memref<80xi32, #tpu.memory_space<vmem>>
      %dma_wait3A_219 = arith.constant 0 : i32
      %dma_wait3A_220 = arith.constant 0 : i32
      %dma_wait3A_221 = tpu.memref_slice %arg12[%dma_wait3A_219, %dma_wait3A_220] : memref<10240x128xf32, #tpu.memory_space<vmem_shared>> -> memref<10240x128xf32, #tpu.memory_space<vmem_shared>>
      tpu.wait_indirect_dma semaphore(%arg16 : memref<!tpu.dma_semaphore, #tpu.memory_space<semaphore_mem>>) src(%arg9 : memref<80x128xf32, #tpu.memory_space<vmem>>) dst(%dma_wait3A_221 : memref<10240x128xf32, #tpu.memory_space<vmem_shared>>)
      %mul3A_222 = arith.constant 80 : i32
      %mul3A_223 = arith.muli %add3A_214, %mul3A_222 : i32
      %dma_start3A_224 = tpu.memref_slice %arg7[%mul3A_223] : memref<5120xi32, #tpu.memory_space<vmem>> -> memref<80xi32, #tpu.memory_space<vmem>>
      %dma_start3A_225 = arith.constant 0 : i32
      %dma_start3A_226 = arith.constant 0 : i32
      %dma_start3A_227 = tpu.memref_slice %arg2[%dma_start3A_225, %dma_start3A_226] : memref<10240x128xf32, #tpu.memory_space<hbm>> -> memref<10240x128xf32, #tpu.memory_space<hbm>>
      tpu.enqueue_indirect_dma source(%dma_start3A_227 : memref<10240x128xf32, #tpu.memory_space<hbm>>) target(%arg9 : memref<80x128xf32, #tpu.memory_space<vmem>>) offsets(%dma_start3A_224 : memref<80xi32, #tpu.memory_space<vmem>>) semaphore(%arg13 : memref<!tpu.dma_semaphore, #tpu.memory_space<semaphore_mem>>)
      %sub3A_228 = arith.constant 2 : i32
      %sub3A_229 = arith.subi %add3A_214, %sub3A_228 : i32
      %mul3A_230 = arith.constant 80 : i32
      %mul3A_231 = arith.muli %sub3A_229, %mul3A_230 : i32
      %dma_wait3A_232 = tpu.memref_slice %arg7[%mul3A_231] : memref<5120xi32, #tpu.memory_space<vmem>> -> memref<80xi32, #tpu.memory_space<vmem>>
      %dma_wait3A_233 = arith.constant 0 : i32
      %dma_wait3A_234 = arith.constant 0 : i32
      %dma_wait3A_235 = tpu.memref_slice %arg2[%dma_wait3A_233, %dma_wait3A_234] : memref<10240x128xf32, #tpu.memory_space<hbm>> -> memref<10240x128xf32, #tpu.memory_space<hbm>>
      tpu.wait_indirect_dma semaphore(%arg14 : memref<!tpu.dma_semaphore, #tpu.memory_space<semaphore_mem>>) src(%dma_wait3A_235 : memref<10240x128xf32, #tpu.memory_space<hbm>>) dst(%arg10 : memref<80x128xf32, #tpu.memory_space<vmem>>)
      %sub3A_236 = arith.constant 2 : i32
      %sub3A_237 = arith.subi %add3A_214, %sub3A_236 : i32
      %dma_start3A_238 = arith.constant 0 : i32
      %dma_start3A_239 = tpu.memref_slice %arg8[%sub3A_237, %dma_start3A_238] : memref<64x80xi32, #tpu.memory_space<vmem>> -> memref<1x80xi32, #tpu.memory_space<vmem>>
      %dma_start3A_240 = tpu.memref_squeeze %dma_start3A_239 : memref<1x80xi32, #tpu.memory_space<vmem>> -> memref<80xi32, #tpu.memory_space<vmem>>
      %dma_start3A_241 = arith.constant 0 : i32
      %dma_start3A_242 = arith.constant 0 : i32
      %dma_start3A_243 = tpu.memref_slice %arg12[%dma_start3A_241, %dma_start3A_242] : memref<10240x128xf32, #tpu.memory_space<vmem_shared>> -> memref<10240x128xf32, #tpu.memory_space<vmem_shared>>
      tpu.enqueue_indirect_dma source(%arg10 : memref<80x128xf32, #tpu.memory_space<vmem>>) target(%dma_start3A_243 : memref<10240x128xf32, #tpu.memory_space<vmem_shared>>) offsets(%dma_start3A_240 : memref<80xi32, #tpu.memory_space<vmem>>) semaphore(%arg17 : memref<!tpu.dma_semaphore, #tpu.memory_space<semaphore_mem>>) {add = true}
      %add3A_244 = arith.constant 1 : i32
      %add3A_245 = arith.addi %add3A_212, %add3A_244 : i32
      %sub3A_246 = arith.constant 3 : i32
      %sub3A_247 = arith.subi %add3A_245, %sub3A_246 : i32
      %dma_wait3A_248 = arith.constant 0 : i32
      %dma_wait3A_249 = tpu.memref_slice %arg8[%sub3A_247, %dma_wait3A_248] : memref<64x80xi32, #tpu.memory_space<vmem>> -> memref<1x80xi32, #tpu.memory_space<vmem>>
      %dma_wait3A_250 = tpu.memref_squeeze %dma_wait3A_249 : memref<1x80xi32, #tpu.memory_space<vmem>> -> memref<80xi32, #tpu.memory_space<vmem>>
      %dma_wait3A_251 = arith.constant 0 : i32
      %dma_wait3A_252 = arith.constant 0 : i32
      %dma_wait3A_253 = tpu.memref_slice %arg12[%dma_wait3A_251, %dma_wait3A_252] : memref<10240x128xf32, #tpu.memory_space<vmem_shared>> -> memref<10240x128xf32, #tpu.memory_space<vmem_shared>>
      tpu.wait_indirect_dma semaphore(%arg17 : memref<!tpu.dma_semaphore, #tpu.memory_space<semaphore_mem>>) src(%arg10 : memref<80x128xf32, #tpu.memory_space<vmem>>) dst(%dma_wait3A_253 : memref<10240x128xf32, #tpu.memory_space<vmem_shared>>)
      %mul3A_254 = arith.constant 80 : i32
      %mul3A_255 = arith.muli %add3A_245, %mul3A_254 : i32
      %dma_start3A_256 = tpu.memref_slice %arg7[%mul3A_255] : memref<5120xi32, #tpu.memory_space<vmem>> -> memref<80xi32, #tpu.memory_space<vmem>>
      %dma_start3A_257 = arith.constant 0 : i32
      %dma_start3A_258 = arith.constant 0 : i32
      %dma_start3A_259 = tpu.memref_slice %arg2[%dma_start3A_257, %dma_start3A_258] : memref<10240x128xf32, #tpu.memory_space<hbm>> -> memref<10240x128xf32, #tpu.memory_space<hbm>>
      tpu.enqueue_indirect_dma source(%dma_start3A_259 : memref<10240x128xf32, #tpu.memory_space<hbm>>) target(%arg10 : memref<80x128xf32, #tpu.memory_space<vmem>>) offsets(%dma_start3A_256 : memref<80xi32, #tpu.memory_space<vmem>>) semaphore(%arg14 : memref<!tpu.dma_semaphore, #tpu.memory_space<semaphore_mem>>)
      %sub3A_260 = arith.constant 2 : i32
      %sub3A_261 = arith.subi %add3A_245, %sub3A_260 : i32
      %mul3A_262 = arith.constant 80 : i32
      %mul3A_263 = arith.muli %sub3A_261, %mul3A_262 : i32
      %dma_wait3A_264 = tpu.memref_slice %arg7[%mul3A_263] : memref<5120xi32, #tpu.memory_space<vmem>> -> memref<80xi32, #tpu.memory_space<vmem>>
      %dma_wait3A_265 = arith.constant 0 : i32
      %dma_wait3A_266 = arith.constant 0 : i32
      %dma_wait3A_267 = tpu.memref_slice %arg2[%dma_wait3A_265, %dma_wait3A_266] : memref<10240x128xf32, #tpu.memory_space<hbm>> -> memref<10240x128xf32, #tpu.memory_space<hbm>>
      tpu.wait_indirect_dma semaphore(%arg15 : memref<!tpu.dma_semaphore, #tpu.memory_space<semaphore_mem>>) src(%dma_wait3A_267 : memref<10240x128xf32, #tpu.memory_space<hbm>>) dst(%arg11 : memref<80x128xf32, #tpu.memory_space<vmem>>)
      %sub3A_268 = arith.constant 2 : i32
      %sub3A_269 = arith.subi %add3A_245, %sub3A_268 : i32
      %dma_start3A_270 = arith.constant 0 : i32
      %dma_start3A_271 = tpu.memref_slice %arg8[%sub3A_269, %dma_start3A_270] : memref<64x80xi32, #tpu.memory_space<vmem>> -> memref<1x80xi32, #tpu.memory_space<vmem>>
      %dma_start3A_272 = tpu.memref_squeeze %dma_start3A_271 : memref<1x80xi32, #tpu.memory_space<vmem>> -> memref<80xi32, #tpu.memory_space<vmem>>
      %dma_start3A_273 = arith.constant 0 : i32
      %dma_start3A_274 = arith.constant 0 : i32
      %dma_start3A_275 = tpu.memref_slice %arg12[%dma_start3A_273, %dma_start3A_274] : memref<10240x128xf32, #tpu.memory_space<vmem_shared>> -> memref<10240x128xf32, #tpu.memory_space<vmem_shared>>
      tpu.enqueue_indirect_dma source(%arg11 : memref<80x128xf32, #tpu.memory_space<vmem>>) target(%dma_start3A_275 : memref<10240x128xf32, #tpu.memory_space<vmem_shared>>) offsets(%dma_start3A_272 : memref<80xi32, #tpu.memory_space<vmem>>) semaphore(%arg18 : memref<!tpu.dma_semaphore, #tpu.memory_space<semaphore_mem>>) {add = true}
      %add3A_276 = arith.constant 2 : i32
      %add3A_277 = arith.addi %add3A_212, %add3A_276 : i32
      %sub3A_278 = arith.constant 3 : i32
      %sub3A_279 = arith.subi %add3A_277, %sub3A_278 : i32
      %dma_wait3A_280 = arith.constant 0 : i32
      %dma_wait3A_281 = tpu.memref_slice %arg8[%sub3A_279, %dma_wait3A_280] : memref<64x80xi32, #tpu.memory_space<vmem>> -> memref<1x80xi32, #tpu.memory_space<vmem>>
      %dma_wait3A_282 = tpu.memref_squeeze %dma_wait3A_281 : memref<1x80xi32, #tpu.memory_space<vmem>> -> memref<80xi32, #tpu.memory_space<vmem>>
      %dma_wait3A_283 = arith.constant 0 : i32
      %dma_wait3A_284 = arith.constant 0 : i32
      %dma_wait3A_285 = tpu.memref_slice %arg12[%dma_wait3A_283, %dma_wait3A_284] : memref<10240x128xf32, #tpu.memory_space<vmem_shared>> -> memref<10240x128xf32, #tpu.memory_space<vmem_shared>>
      tpu.wait_indirect_dma semaphore(%arg18 : memref<!tpu.dma_semaphore, #tpu.memory_space<semaphore_mem>>) src(%arg11 : memref<80x128xf32, #tpu.memory_space<vmem>>) dst(%dma_wait3A_285 : memref<10240x128xf32, #tpu.memory_space<vmem_shared>>)
      %mul3A_286 = arith.constant 80 : i32
      %mul3A_287 = arith.muli %add3A_277, %mul3A_286 : i32
      %dma_start3A_288 = tpu.memref_slice %arg7[%mul3A_287] : memref<5120xi32, #tpu.memory_space<vmem>> -> memref<80xi32, #tpu.memory_space<vmem>>
      %dma_start3A_289 = arith.constant 0 : i32
      %dma_start3A_290 = arith.constant 0 : i32
      %dma_start3A_291 = tpu.memref_slice %arg2[%dma_start3A_289, %dma_start3A_290] : memref<10240x128xf32, #tpu.memory_space<hbm>> -> memref<10240x128xf32, #tpu.memory_space<hbm>>
      tpu.enqueue_indirect_dma source(%dma_start3A_291 : memref<10240x128xf32, #tpu.memory_space<hbm>>) target(%arg11 : memref<80x128xf32, #tpu.memory_space<vmem>>) offsets(%dma_start3A_288 : memref<80xi32, #tpu.memory_space<vmem>>) semaphore(%arg15 : memref<!tpu.dma_semaphore, #tpu.memory_space<semaphore_mem>>)
      %sub3A_292 = arith.constant 2 : i32
      %sub3A_293 = arith.subi %add3A_277, %sub3A_292 : i32
      %mul3A_294 = arith.constant 80 : i32
      %mul3A_295 = arith.muli %sub3A_293, %mul3A_294 : i32
      %dma_wait3A_296 = tpu.memref_slice %arg7[%mul3A_295] : memref<5120xi32, #tpu.memory_space<vmem>> -> memref<80xi32, #tpu.memory_space<vmem>>
      %dma_wait3A_297 = arith.constant 0 : i32
      %dma_wait3A_298 = arith.constant 0 : i32
      %dma_wait3A_299 = tpu.memref_slice %arg2[%dma_wait3A_297, %dma_wait3A_298] : memref<10240x128xf32, #tpu.memory_space<hbm>> -> memref<10240x128xf32, #tpu.memory_space<hbm>>
      tpu.wait_indirect_dma semaphore(%arg13 : memref<!tpu.dma_semaphore, #tpu.memory_space<semaphore_mem>>) src(%dma_wait3A_299 : memref<10240x128xf32, #tpu.memory_space<hbm>>) dst(%arg9 : memref<80x128xf32, #tpu.memory_space<vmem>>)
      %sub3A_300 = arith.constant 2 : i32
      %sub3A_301 = arith.subi %add3A_277, %sub3A_300 : i32
      %dma_start3A_302 = arith.constant 0 : i32
      %dma_start3A_303 = tpu.memref_slice %arg8[%sub3A_301, %dma_start3A_302] : memref<64x80xi32, #tpu.memory_space<vmem>> -> memref<1x80xi32, #tpu.memory_space<vmem>>
      %dma_start3A_304 = tpu.memref_squeeze %dma_start3A_303 : memref<1x80xi32, #tpu.memory_space<vmem>> -> memref<80xi32, #tpu.memory_space<vmem>>
      %dma_start3A_305 = arith.constant 0 : i32
      %dma_start3A_306 = arith.constant 0 : i32
      %dma_start3A_307 = tpu.memref_slice %arg12[%dma_start3A_305, %dma_start3A_306] : memref<10240x128xf32, #tpu.memory_space<vmem_shared>> -> memref<10240x128xf32, #tpu.memory_space<vmem_shared>>
      tpu.enqueue_indirect_dma source(%arg9 : memref<80x128xf32, #tpu.memory_space<vmem>>) target(%dma_start3A_307 : memref<10240x128xf32, #tpu.memory_space<vmem_shared>>) offsets(%dma_start3A_304 : memref<80xi32, #tpu.memory_space<vmem>>) semaphore(%arg16 : memref<!tpu.dma_semaphore, #tpu.memory_space<semaphore_mem>>) {add = true}
    }
    %scan3A_31 = arith.constant 20 : i32
    %dma_wait3A_32 = arith.constant 60 : i32
    %dma_wait3A_33 = arith.constant 0 : i32
    %dma_wait3A_34 = tpu.memref_slice %arg8[%dma_wait3A_32, %dma_wait3A_33] : memref<64x80xi32, #tpu.memory_space<vmem>> -> memref<1x80xi32, #tpu.memory_space<vmem>>
    %dma_wait3A_35 = tpu.memref_squeeze %dma_wait3A_34 : memref<1x80xi32, #tpu.memory_space<vmem>> -> memref<80xi32, #tpu.memory_space<vmem>>
    %dma_wait3A_36 = arith.constant 0 : i32
    %dma_wait3A_37 = arith.constant 0 : i32
    %dma_wait3A_38 = tpu.memref_slice %arg12[%dma_wait3A_36, %dma_wait3A_37] : memref<10240x128xf32, #tpu.memory_space<vmem_shared>> -> memref<10240x128xf32, #tpu.memory_space<vmem_shared>>
    tpu.wait_indirect_dma semaphore(%arg16 : memref<!tpu.dma_semaphore, #tpu.memory_space<semaphore_mem>>) src(%arg9 : memref<80x128xf32, #tpu.memory_space<vmem>>) dst(%dma_wait3A_38 : memref<10240x128xf32, #tpu.memory_space<vmem_shared>>)
    %dma_start3A_39 = arith.constant 5040 : i32
    %dma_start3A_40 = tpu.memref_slice %arg7[%dma_start3A_39] : memref<5120xi32, #tpu.memory_space<vmem>> -> memref<80xi32, #tpu.memory_space<vmem>>
    %dma_start3A_41 = arith.constant 0 : i32
    %dma_start3A_42 = arith.constant 0 : i32
    %dma_start3A_43 = tpu.memref_slice %arg2[%dma_start3A_41, %dma_start3A_42] : memref<10240x128xf32, #tpu.memory_space<hbm>> -> memref<10240x128xf32, #tpu.memory_space<hbm>>
    tpu.enqueue_indirect_dma source(%dma_start3A_43 : memref<10240x128xf32, #tpu.memory_space<hbm>>) target(%arg9 : memref<80x128xf32, #tpu.memory_space<vmem>>) offsets(%dma_start3A_40 : memref<80xi32, #tpu.memory_space<vmem>>) semaphore(%arg13 : memref<!tpu.dma_semaphore, #tpu.memory_space<semaphore_mem>>)
    %dma_wait3A_44 = arith.constant 4880 : i32
    %dma_wait3A_45 = tpu.memref_slice %arg7[%dma_wait3A_44] : memref<5120xi32, #tpu.memory_space<vmem>> -> memref<80xi32, #tpu.memory_space<vmem>>
    %dma_wait3A_46 = arith.constant 0 : i32
    %dma_wait3A_47 = arith.constant 0 : i32
    %dma_wait3A_48 = tpu.memref_slice %arg2[%dma_wait3A_46, %dma_wait3A_47] : memref<10240x128xf32, #tpu.memory_space<hbm>> -> memref<10240x128xf32, #tpu.memory_space<hbm>>
    tpu.wait_indirect_dma semaphore(%arg14 : memref<!tpu.dma_semaphore, #tpu.memory_space<semaphore_mem>>) src(%dma_wait3A_48 : memref<10240x128xf32, #tpu.memory_space<hbm>>) dst(%arg10 : memref<80x128xf32, #tpu.memory_space<vmem>>)
    %dma_start3A_49 = arith.constant 61 : i32
    %dma_start3A_50 = arith.constant 0 : i32
    %dma_start3A_51 = tpu.memref_slice %arg8[%dma_start3A_49, %dma_start3A_50] : memref<64x80xi32, #tpu.memory_space<vmem>> -> memref<1x80xi32, #tpu.memory_space<vmem>>
    %dma_start3A_52 = tpu.memref_squeeze %dma_start3A_51 : memref<1x80xi32, #tpu.memory_space<vmem>> -> memref<80xi32, #tpu.memory_space<vmem>>
    %dma_start3A_53 = arith.constant 0 : i32
    %dma_start3A_54 = arith.constant 0 : i32
    %dma_start3A_55 = tpu.memref_slice %arg12[%dma_start3A_53, %dma_start3A_54] : memref<10240x128xf32, #tpu.memory_space<vmem_shared>> -> memref<10240x128xf32, #tpu.memory_space<vmem_shared>>
    tpu.enqueue_indirect_dma source(%arg10 : memref<80x128xf32, #tpu.memory_space<vmem>>) target(%dma_start3A_55 : memref<10240x128xf32, #tpu.memory_space<vmem_shared>>) offsets(%dma_start3A_52 : memref<80xi32, #tpu.memory_space<vmem>>) semaphore(%arg17 : memref<!tpu.dma_semaphore, #tpu.memory_space<semaphore_mem>>) {add = true}
    %dma_wait3A_56 = arith.constant 4960 : i32
    %dma_wait3A_57 = tpu.memref_slice %arg7[%dma_wait3A_56] : memref<5120xi32, #tpu.memory_space<vmem>> -> memref<80xi32, #tpu.memory_space<vmem>>
    %dma_wait3A_58 = arith.constant 0 : i32
    %dma_wait3A_59 = arith.constant 0 : i32
    %dma_wait3A_60 = tpu.memref_slice %arg2[%dma_wait3A_58, %dma_wait3A_59] : memref<10240x128xf32, #tpu.memory_space<hbm>> -> memref<10240x128xf32, #tpu.memory_space<hbm>>
    tpu.wait_indirect_dma semaphore(%arg15 : memref<!tpu.dma_semaphore, #tpu.memory_space<semaphore_mem>>) src(%dma_wait3A_60 : memref<10240x128xf32, #tpu.memory_space<hbm>>) dst(%arg11 : memref<80x128xf32, #tpu.memory_space<vmem>>)
    %dma_start3A_61 = arith.constant 62 : i32
    %dma_start3A_62 = arith.constant 0 : i32
    %dma_start3A_63 = tpu.memref_slice %arg8[%dma_start3A_61, %dma_start3A_62] : memref<64x80xi32, #tpu.memory_space<vmem>> -> memref<1x80xi32, #tpu.memory_space<vmem>>
    %dma_start3A_64 = tpu.memref_squeeze %dma_start3A_63 : memref<1x80xi32, #tpu.memory_space<vmem>> -> memref<80xi32, #tpu.memory_space<vmem>>
    %dma_start3A_65 = arith.constant 0 : i32
    %dma_start3A_66 = arith.constant 0 : i32
    %dma_start3A_67 = tpu.memref_slice %arg12[%dma_start3A_65, %dma_start3A_66] : memref<10240x128xf32, #tpu.memory_space<vmem_shared>> -> memref<10240x128xf32, #tpu.memory_space<vmem_shared>>
    tpu.enqueue_indirect_dma source(%arg11 : memref<80x128xf32, #tpu.memory_space<vmem>>) target(%dma_start3A_67 : memref<10240x128xf32, #tpu.memory_space<vmem_shared>>) offsets(%dma_start3A_64 : memref<80xi32, #tpu.memory_space<vmem>>) semaphore(%arg18 : memref<!tpu.dma_semaphore, #tpu.memory_space<semaphore_mem>>) {add = true}
    %dma_wait3A_68 = arith.constant 5040 : i32
    %dma_wait3A_69 = tpu.memref_slice %arg7[%dma_wait3A_68] : memref<5120xi32, #tpu.memory_space<vmem>> -> memref<80xi32, #tpu.memory_space<vmem>>
    %dma_wait3A_70 = arith.constant 0 : i32
    %dma_wait3A_71 = arith.constant 0 : i32
    %dma_wait3A_72 = tpu.memref_slice %arg2[%dma_wait3A_70, %dma_wait3A_71] : memref<10240x128xf32, #tpu.memory_space<hbm>> -> memref<10240x128xf32, #tpu.memory_space<hbm>>
    tpu.wait_indirect_dma semaphore(%arg13 : memref<!tpu.dma_semaphore, #tpu.memory_space<semaphore_mem>>) src(%dma_wait3A_72 : memref<10240x128xf32, #tpu.memory_space<hbm>>) dst(%arg9 : memref<80x128xf32, #tpu.memory_space<vmem>>)
    %dma_start3A_73 = arith.constant 63 : i32
    %dma_start3A_74 = arith.constant 0 : i32
    %dma_start3A_75 = tpu.memref_slice %arg8[%dma_start3A_73, %dma_start3A_74] : memref<64x80xi32, #tpu.memory_space<vmem>> -> memref<1x80xi32, #tpu.memory_space<vmem>>
    %dma_start3A_76 = tpu.memref_squeeze %dma_start3A_75 : memref<1x80xi32, #tpu.memory_space<vmem>> -> memref<80xi32, #tpu.memory_space<vmem>>
    %dma_start3A_77 = arith.constant 0 : i32
    %dma_start3A_78 = arith.constant 0 : i32
    %dma_start3A_79 = tpu.memref_slice %arg12[%dma_start3A_77, %dma_start3A_78] : memref<10240x128xf32, #tpu.memory_space<vmem_shared>> -> memref<10240x128xf32, #tpu.memory_space<vmem_shared>>
    tpu.enqueue_indirect_dma source(%arg9 : memref<80x128xf32, #tpu.memory_space<vmem>>) target(%dma_start3A_79 : memref<10240x128xf32, #tpu.memory_space<vmem_shared>>) offsets(%dma_start3A_76 : memref<80xi32, #tpu.memory_space<vmem>>) semaphore(%arg16 : memref<!tpu.dma_semaphore, #tpu.memory_space<semaphore_mem>>) {add = true}
    %dma_wait3A_80 = arith.constant 61 : i32
    %dma_wait3A_81 = arith.constant 0 : i32
    %dma_wait3A_82 = tpu.memref_slice %arg8[%dma_wait3A_80, %dma_wait3A_81] : memref<64x80xi32, #tpu.memory_space<vmem>> -> memref<1x80xi32, #tpu.memory_space<vmem>>
    %dma_wait3A_83 = tpu.memref_squeeze %dma_wait3A_82 : memref<1x80xi32, #tpu.memory_space<vmem>> -> memref<80xi32, #tpu.memory_space<vmem>>
    %dma_wait3A_84 = arith.constant 0 : i32
    %dma_wait3A_85 = arith.constant 0 : i32
    %dma_wait3A_86 = tpu.memref_slice %arg12[%dma_wait3A_84, %dma_wait3A_85] : memref<10240x128xf32, #tpu.memory_space<vmem_shared>> -> memref<10240x128xf32, #tpu.memory_space<vmem_shared>>
    tpu.wait_indirect_dma semaphore(%arg17 : memref<!tpu.dma_semaphore, #tpu.memory_space<semaphore_mem>>) src(%arg10 : memref<80x128xf32, #tpu.memory_space<vmem>>) dst(%dma_wait3A_86 : memref<10240x128xf32, #tpu.memory_space<vmem_shared>>)
    %dma_wait3A_87 = arith.constant 62 : i32
    %dma_wait3A_88 = arith.constant 0 : i32
    %dma_wait3A_89 = tpu.memref_slice %arg8[%dma_wait3A_87, %dma_wait3A_88] : memref<64x80xi32, #tpu.memory_space<vmem>> -> memref<1x80xi32, #tpu.memory_space<vmem>>
    %dma_wait3A_90 = tpu.memref_squeeze %dma_wait3A_89 : memref<1x80xi32, #tpu.memory_space<vmem>> -> memref<80xi32, #tpu.memory_space<vmem>>
    %dma_wait3A_91 = arith.constant 0 : i32
    %dma_wait3A_92 = arith.constant 0 : i32
    %dma_wait3A_93 = tpu.memref_slice %arg12[%dma_wait3A_91, %dma_wait3A_92] : memref<10240x128xf32, #tpu.memory_space<vmem_shared>> -> memref<10240x128xf32, #tpu.memory_space<vmem_shared>>
    tpu.wait_indirect_dma semaphore(%arg18 : memref<!tpu.dma_semaphore, #tpu.memory_space<semaphore_mem>>) src(%arg11 : memref<80x128xf32, #tpu.memory_space<vmem>>) dst(%dma_wait3A_93 : memref<10240x128xf32, #tpu.memory_space<vmem_shared>>)
    %dma_wait3A_94 = arith.constant 63 : i32
    %dma_wait3A_95 = arith.constant 0 : i32
    %dma_wait3A_96 = tpu.memref_slice %arg8[%dma_wait3A_94, %dma_wait3A_95] : memref<64x80xi32, #tpu.memory_space<vmem>> -> memref<1x80xi32, #tpu.memory_space<vmem>>
    %dma_wait3A_97 = tpu.memref_squeeze %dma_wait3A_96 : memref<1x80xi32, #tpu.memory_space<vmem>> -> memref<80xi32, #tpu.memory_space<vmem>>
    %dma_wait3A_98 = arith.constant 0 : i32
    %dma_wait3A_99 = arith.constant 0 : i32
    %dma_wait3A_100 = tpu.memref_slice %arg12[%dma_wait3A_98, %dma_wait3A_99] : memref<10240x128xf32, #tpu.memory_space<vmem_shared>> -> memref<10240x128xf32, #tpu.memory_space<vmem_shared>>
    tpu.wait_indirect_dma semaphore(%arg16 : memref<!tpu.dma_semaphore, #tpu.memory_space<semaphore_mem>>) src(%arg9 : memref<80x128xf32, #tpu.memory_space<vmem>>) dst(%dma_wait3A_100 : memref<10240x128xf32, #tpu.memory_space<vmem_shared>>)
    "tpu.region"() ({
      %run_scoped3A_208 = tpu.sem_alloc : memref<!tpu.dma_semaphore, #tpu.memory_space<semaphore_mem>>
      %dma_start3A_209 = arith.constant 5120 : i32
      %dma_start3A_210 = tpu.memref_slice %arg3[%add3A, %dma_start3A_209] : memref<32x10240xi32, #tpu.memory_space<hbm>> -> memref<1x5120xi32, #tpu.memory_space<hbm>>
      %dma_start3A_211 = tpu.memref_squeeze %dma_start3A_210 : memref<1x5120xi32, #tpu.memory_space<hbm>> -> memref<5120xi32, #tpu.memory_space<hbm>>
      %dma_start3A_212 = arith.constant 5120 : i32
      %dma_start3A_213 = tpu.memref_slice %arg3[%add3A, %dma_start3A_212] : memref<32x10240xi32, #tpu.memory_space<hbm>> -> memref<1x5120xi32, #tpu.memory_space<hbm>>
      %dma_start3A_214 = tpu.memref_squeeze %dma_start3A_213 : memref<1x5120xi32, #tpu.memory_space<hbm>> -> memref<5120xi32, #tpu.memory_space<hbm>>
      tpu.enqueue_dma source(%dma_start3A_214 : memref<5120xi32, #tpu.memory_space<hbm>>) target(%arg7 : memref<5120xi32, #tpu.memory_space<vmem>>) target_semaphore(%run_scoped3A_208 : memref<!tpu.dma_semaphore, #tpu.memory_space<semaphore_mem>>)
      %dma_wait3A_215 = arith.constant 5120 : i32
      %dma_wait3A_216 = tpu.memref_slice %arg3[%add3A, %dma_wait3A_215] : memref<32x10240xi32, #tpu.memory_space<hbm>> -> memref<1x5120xi32, #tpu.memory_space<hbm>>
      %dma_wait3A_217 = tpu.memref_squeeze %dma_wait3A_216 : memref<1x5120xi32, #tpu.memory_space<hbm>> -> memref<5120xi32, #tpu.memory_space<hbm>>
      %dma_wait3A_218 = arith.constant 5120 : i32
      %dma_wait3A_219 = tpu.memref_slice %arg3[%add3A, %dma_wait3A_218] : memref<32x10240xi32, #tpu.memory_space<hbm>> -> memref<1x5120xi32, #tpu.memory_space<hbm>>
      %dma_wait3A_220 = tpu.memref_squeeze %dma_wait3A_219 : memref<1x5120xi32, #tpu.memory_space<hbm>> -> memref<5120xi32, #tpu.memory_space<hbm>>
      tpu.wait_dma2 semaphore(%run_scoped3A_208 : memref<!tpu.dma_semaphore, #tpu.memory_space<semaphore_mem>>) src(%dma_wait3A_220 : memref<5120xi32, #tpu.memory_space<hbm>>) dst(%arg7 : memref<5120xi32, #tpu.memory_space<vmem>>)
      tpu.yield
    }) : () -> ()
    %run_scoped3A_101 = arith.constant 1 : i32
    "tpu.region"() ({
      %run_scoped3A_208 = tpu.sem_alloc : memref<!tpu.dma_semaphore, #tpu.memory_space<semaphore_mem>>
      %dma_start3A_209 = arith.constant 0 : i32
      %dma_start3A_210 = arith.constant 0 : i32
      %dma_start3A_211 = tpu.memref_slice %arg4[%add3A, %run_scoped3A_101, %dma_start3A_209, %dma_start3A_210] : memref<32x2x64x80xi32, #tpu.memory_space<hbm>> -> memref<1x1x64x80xi32, #tpu.memory_space<hbm>>
      %dma_start3A_212 = tpu.memref_squeeze %dma_start3A_211 : memref<1x1x64x80xi32, #tpu.memory_space<hbm>> -> memref<64x80xi32, #tpu.memory_space<hbm>>
      %dma_start3A_213 = arith.constant 0 : i32
      %dma_start3A_214 = arith.constant 0 : i32
      %dma_start3A_215 = tpu.memref_slice %arg4[%add3A, %run_scoped3A_101, %dma_start3A_213, %dma_start3A_214] : memref<32x2x64x80xi32, #tpu.memory_space<hbm>> -> memref<1x1x64x80xi32, #tpu.memory_space<hbm>>
      %dma_start3A_216 = tpu.memref_squeeze %dma_start3A_215 : memref<1x1x64x80xi32, #tpu.memory_space<hbm>> -> memref<64x80xi32, #tpu.memory_space<hbm>>
      tpu.enqueue_dma source(%dma_start3A_216 : memref<64x80xi32, #tpu.memory_space<hbm>>) target(%arg8 : memref<64x80xi32, #tpu.memory_space<vmem>>) target_semaphore(%run_scoped3A_208 : memref<!tpu.dma_semaphore, #tpu.memory_space<semaphore_mem>>)
      %dma_wait3A_217 = arith.constant 0 : i32
      %dma_wait3A_218 = arith.constant 0 : i32
      %dma_wait3A_219 = tpu.memref_slice %arg4[%add3A, %run_scoped3A_101, %dma_wait3A_217, %dma_wait3A_218] : memref<32x2x64x80xi32, #tpu.memory_space<hbm>> -> memref<1x1x64x80xi32, #tpu.memory_space<hbm>>
      %dma_wait3A_220 = tpu.memref_squeeze %dma_wait3A_219 : memref<1x1x64x80xi32, #tpu.memory_space<hbm>> -> memref<64x80xi32, #tpu.memory_space<hbm>>
      %dma_wait3A_221 = arith.constant 0 : i32
      %dma_wait3A_222 = arith.constant 0 : i32
      %dma_wait3A_223 = tpu.memref_slice %arg4[%add3A, %run_scoped3A_101, %dma_wait3A_221, %dma_wait3A_222] : memref<32x2x64x80xi32, #tpu.memory_space<hbm>> -> memref<1x1x64x80xi32, #tpu.memory_space<hbm>>
      %dma_wait3A_224 = tpu.memref_squeeze %dma_wait3A_223 : memref<1x1x64x80xi32, #tpu.memory_space<hbm>> -> memref<64x80xi32, #tpu.memory_space<hbm>>
      tpu.wait_dma2 semaphore(%run_scoped3A_208 : memref<!tpu.dma_semaphore, #tpu.memory_space<semaphore_mem>>) src(%dma_wait3A_224 : memref<64x80xi32, #tpu.memory_space<hbm>>) dst(%arg8 : memref<64x80xi32, #tpu.memory_space<vmem>>)
      tpu.yield
    }) : () -> ()
    %dma_start3A_102 = arith.constant 0 : i32
    %dma_start3A_103 = tpu.memref_slice %arg7[%dma_start3A_102] : memref<5120xi32, #tpu.memory_space<vmem>> -> memref<80xi32, #tpu.memory_space<vmem>>
    %dma_start3A_104 = arith.constant 0 : i32
    %dma_start3A_105 = arith.constant 0 : i32
    %dma_start3A_106 = tpu.memref_slice %arg2[%dma_start3A_104, %dma_start3A_105] : memref<10240x128xf32, #tpu.memory_space<hbm>> -> memref<10240x128xf32, #tpu.memory_space<hbm>>
    tpu.enqueue_indirect_dma source(%dma_start3A_106 : memref<10240x128xf32, #tpu.memory_space<hbm>>) target(%arg9 : memref<80x128xf32, #tpu.memory_space<vmem>>) offsets(%dma_start3A_103 : memref<80xi32, #tpu.memory_space<vmem>>) semaphore(%arg13 : memref<!tpu.dma_semaphore, #tpu.memory_space<semaphore_mem>>)
    %dma_start3A_107 = arith.constant 80 : i32
    %dma_start3A_108 = tpu.memref_slice %arg7[%dma_start3A_107] : memref<5120xi32, #tpu.memory_space<vmem>> -> memref<80xi32, #tpu.memory_space<vmem>>
    %dma_start3A_109 = arith.constant 0 : i32
    %dma_start3A_110 = arith.constant 0 : i32
    %dma_start3A_111 = tpu.memref_slice %arg2[%dma_start3A_109, %dma_start3A_110] : memref<10240x128xf32, #tpu.memory_space<hbm>> -> memref<10240x128xf32, #tpu.memory_space<hbm>>
    tpu.enqueue_indirect_dma source(%dma_start3A_111 : memref<10240x128xf32, #tpu.memory_space<hbm>>) target(%arg10 : memref<80x128xf32, #tpu.memory_space<vmem>>) offsets(%dma_start3A_108 : memref<80xi32, #tpu.memory_space<vmem>>) semaphore(%arg14 : memref<!tpu.dma_semaphore, #tpu.memory_space<semaphore_mem>>)
    %dma_start3A_112 = arith.constant 160 : i32
    %dma_start3A_113 = tpu.memref_slice %arg7[%dma_start3A_112] : memref<5120xi32, #tpu.memory_space<vmem>> -> memref<80xi32, #tpu.memory_space<vmem>>
    %dma_start3A_114 = arith.constant 0 : i32
    %dma_start3A_115 = arith.constant 0 : i32
    %dma_start3A_116 = tpu.memref_slice %arg2[%dma_start3A_114, %dma_start3A_115] : memref<10240x128xf32, #tpu.memory_space<hbm>> -> memref<10240x128xf32, #tpu.memory_space<hbm>>
    tpu.enqueue_indirect_dma source(%dma_start3A_116 : memref<10240x128xf32, #tpu.memory_space<hbm>>) target(%arg11 : memref<80x128xf32, #tpu.memory_space<vmem>>) offsets(%dma_start3A_113 : memref<80xi32, #tpu.memory_space<vmem>>) semaphore(%arg15 : memref<!tpu.dma_semaphore, #tpu.memory_space<semaphore_mem>>)
    %dma_wait3A_117 = arith.constant 0 : i32
    %dma_wait3A_118 = tpu.memref_slice %arg7[%dma_wait3A_117] : memref<5120xi32, #tpu.memory_space<vmem>> -> memref<80xi32, #tpu.memory_space<vmem>>
    %dma_wait3A_119 = arith.constant 0 : i32
    %dma_wait3A_120 = arith.constant 0 : i32
    %dma_wait3A_121 = tpu.memref_slice %arg2[%dma_wait3A_119, %dma_wait3A_120] : memref<10240x128xf32, #tpu.memory_space<hbm>> -> memref<10240x128xf32, #tpu.memory_space<hbm>>
    tpu.wait_indirect_dma semaphore(%arg13 : memref<!tpu.dma_semaphore, #tpu.memory_space<semaphore_mem>>) src(%dma_wait3A_121 : memref<10240x128xf32, #tpu.memory_space<hbm>>) dst(%arg9 : memref<80x128xf32, #tpu.memory_space<vmem>>)
    %dma_start3A_122 = arith.constant 0 : i32
    %dma_start3A_123 = arith.constant 0 : i32
    %dma_start3A_124 = tpu.memref_slice %arg8[%dma_start3A_122, %dma_start3A_123] : memref<64x80xi32, #tpu.memory_space<vmem>> -> memref<1x80xi32, #tpu.memory_space<vmem>>
    %dma_start3A_125 = tpu.memref_squeeze %dma_start3A_124 : memref<1x80xi32, #tpu.memory_space<vmem>> -> memref<80xi32, #tpu.memory_space<vmem>>
    %dma_start3A_126 = arith.constant 0 : i32
    %dma_start3A_127 = arith.constant 0 : i32
    %dma_start3A_128 = tpu.memref_slice %arg12[%dma_start3A_126, %dma_start3A_127] : memref<10240x128xf32, #tpu.memory_space<vmem_shared>> -> memref<10240x128xf32, #tpu.memory_space<vmem_shared>>
    tpu.enqueue_indirect_dma source(%arg9 : memref<80x128xf32, #tpu.memory_space<vmem>>) target(%dma_start3A_128 : memref<10240x128xf32, #tpu.memory_space<vmem_shared>>) offsets(%dma_start3A_125 : memref<80xi32, #tpu.memory_space<vmem>>) semaphore(%arg16 : memref<!tpu.dma_semaphore, #tpu.memory_space<semaphore_mem>>) {add = true}
    %scan3A_129 = arith.constant 0 : i32
    %scan3A_130 = arith.constant 20 : i32
    %scan3A_131 = arith.addi %scan3A_129, %scan3A_130 : i32
    %scan3A_132 = arith.constant 1 : i32
    scf.for %scan3A_208 = %scan3A_129 to %scan3A_131 step %scan3A_132  : i32 {
      %mul3A_209 = arith.constant 3 : i32
      %mul3A_210 = arith.muli %scan3A_208, %mul3A_209 : i32
      %add3A_211 = arith.constant 3 : i32
      %add3A_212 = arith.addi %add3A_211, %mul3A_210 : i32
      %add3A_213 = arith.constant 0 : i32
      %add3A_214 = arith.addi %add3A_212, %add3A_213 : i32
      %sub3A = arith.constant 3 : i32
      %sub3A_215 = arith.subi %add3A_214, %sub3A : i32
      %dma_wait3A_216 = arith.constant 0 : i32
      %dma_wait3A_217 = tpu.memref_slice %arg8[%sub3A_215, %dma_wait3A_216] : memref<64x80xi32, #tpu.memory_space<vmem>> -> memref<1x80xi32, #tpu.memory_space<vmem>>
      %dma_wait3A_218 = tpu.memref_squeeze %dma_wait3A_217 : memref<1x80xi32, #tpu.memory_space<vmem>> -> memref<80xi32, #tpu.memory_space<vmem>>
      %dma_wait3A_219 = arith.constant 0 : i32
      %dma_wait3A_220 = arith.constant 0 : i32
      %dma_wait3A_221 = tpu.memref_slice %arg12[%dma_wait3A_219, %dma_wait3A_220] : memref<10240x128xf32, #tpu.memory_space<vmem_shared>> -> memref<10240x128xf32, #tpu.memory_space<vmem_shared>>
      tpu.wait_indirect_dma semaphore(%arg16 : memref<!tpu.dma_semaphore, #tpu.memory_space<semaphore_mem>>) src(%arg9 : memref<80x128xf32, #tpu.memory_space<vmem>>) dst(%dma_wait3A_221 : memref<10240x128xf32, #tpu.memory_space<vmem_shared>>)
      %mul3A_222 = arith.constant 80 : i32
      %mul3A_223 = arith.muli %add3A_214, %mul3A_222 : i32
      %dma_start3A_224 = tpu.memref_slice %arg7[%mul3A_223] : memref<5120xi32, #tpu.memory_space<vmem>> -> memref<80xi32, #tpu.memory_space<vmem>>
      %dma_start3A_225 = arith.constant 0 : i32
      %dma_start3A_226 = arith.constant 0 : i32
      %dma_start3A_227 = tpu.memref_slice %arg2[%dma_start3A_225, %dma_start3A_226] : memref<10240x128xf32, #tpu.memory_space<hbm>> -> memref<10240x128xf32, #tpu.memory_space<hbm>>
      tpu.enqueue_indirect_dma source(%dma_start3A_227 : memref<10240x128xf32, #tpu.memory_space<hbm>>) target(%arg9 : memref<80x128xf32, #tpu.memory_space<vmem>>) offsets(%dma_start3A_224 : memref<80xi32, #tpu.memory_space<vmem>>) semaphore(%arg13 : memref<!tpu.dma_semaphore, #tpu.memory_space<semaphore_mem>>)
      %sub3A_228 = arith.constant 2 : i32
      %sub3A_229 = arith.subi %add3A_214, %sub3A_228 : i32
      %mul3A_230 = arith.constant 80 : i32
      %mul3A_231 = arith.muli %sub3A_229, %mul3A_230 : i32
      %dma_wait3A_232 = tpu.memref_slice %arg7[%mul3A_231] : memref<5120xi32, #tpu.memory_space<vmem>> -> memref<80xi32, #tpu.memory_space<vmem>>
      %dma_wait3A_233 = arith.constant 0 : i32
      %dma_wait3A_234 = arith.constant 0 : i32
      %dma_wait3A_235 = tpu.memref_slice %arg2[%dma_wait3A_233, %dma_wait3A_234] : memref<10240x128xf32, #tpu.memory_space<hbm>> -> memref<10240x128xf32, #tpu.memory_space<hbm>>
      tpu.wait_indirect_dma semaphore(%arg14 : memref<!tpu.dma_semaphore, #tpu.memory_space<semaphore_mem>>) src(%dma_wait3A_235 : memref<10240x128xf32, #tpu.memory_space<hbm>>) dst(%arg10 : memref<80x128xf32, #tpu.memory_space<vmem>>)
      %sub3A_236 = arith.constant 2 : i32
      %sub3A_237 = arith.subi %add3A_214, %sub3A_236 : i32
      %dma_start3A_238 = arith.constant 0 : i32
      %dma_start3A_239 = tpu.memref_slice %arg8[%sub3A_237, %dma_start3A_238] : memref<64x80xi32, #tpu.memory_space<vmem>> -> memref<1x80xi32, #tpu.memory_space<vmem>>
      %dma_start3A_240 = tpu.memref_squeeze %dma_start3A_239 : memref<1x80xi32, #tpu.memory_space<vmem>> -> memref<80xi32, #tpu.memory_space<vmem>>
      %dma_start3A_241 = arith.constant 0 : i32
      %dma_start3A_242 = arith.constant 0 : i32
      %dma_start3A_243 = tpu.memref_slice %arg12[%dma_start3A_241, %dma_start3A_242] : memref<10240x128xf32, #tpu.memory_space<vmem_shared>> -> memref<10240x128xf32, #tpu.memory_space<vmem_shared>>
      tpu.enqueue_indirect_dma source(%arg10 : memref<80x128xf32, #tpu.memory_space<vmem>>) target(%dma_start3A_243 : memref<10240x128xf32, #tpu.memory_space<vmem_shared>>) offsets(%dma_start3A_240 : memref<80xi32, #tpu.memory_space<vmem>>) semaphore(%arg17 : memref<!tpu.dma_semaphore, #tpu.memory_space<semaphore_mem>>) {add = true}
      %add3A_244 = arith.constant 1 : i32
      %add3A_245 = arith.addi %add3A_212, %add3A_244 : i32
      %sub3A_246 = arith.constant 3 : i32
      %sub3A_247 = arith.subi %add3A_245, %sub3A_246 : i32
      %dma_wait3A_248 = arith.constant 0 : i32
      %dma_wait3A_249 = tpu.memref_slice %arg8[%sub3A_247, %dma_wait3A_248] : memref<64x80xi32, #tpu.memory_space<vmem>> -> memref<1x80xi32, #tpu.memory_space<vmem>>
      %dma_wait3A_250 = tpu.memref_squeeze %dma_wait3A_249 : memref<1x80xi32, #tpu.memory_space<vmem>> -> memref<80xi32, #tpu.memory_space<vmem>>
      %dma_wait3A_251 = arith.constant 0 : i32
      %dma_wait3A_252 = arith.constant 0 : i32
      %dma_wait3A_253 = tpu.memref_slice %arg12[%dma_wait3A_251, %dma_wait3A_252] : memref<10240x128xf32, #tpu.memory_space<vmem_shared>> -> memref<10240x128xf32, #tpu.memory_space<vmem_shared>>
      tpu.wait_indirect_dma semaphore(%arg17 : memref<!tpu.dma_semaphore, #tpu.memory_space<semaphore_mem>>) src(%arg10 : memref<80x128xf32, #tpu.memory_space<vmem>>) dst(%dma_wait3A_253 : memref<10240x128xf32, #tpu.memory_space<vmem_shared>>)
      %mul3A_254 = arith.constant 80 : i32
      %mul3A_255 = arith.muli %add3A_245, %mul3A_254 : i32
      %dma_start3A_256 = tpu.memref_slice %arg7[%mul3A_255] : memref<5120xi32, #tpu.memory_space<vmem>> -> memref<80xi32, #tpu.memory_space<vmem>>
      %dma_start3A_257 = arith.constant 0 : i32
      %dma_start3A_258 = arith.constant 0 : i32
      %dma_start3A_259 = tpu.memref_slice %arg2[%dma_start3A_257, %dma_start3A_258] : memref<10240x128xf32, #tpu.memory_space<hbm>> -> memref<10240x128xf32, #tpu.memory_space<hbm>>
      tpu.enqueue_indirect_dma source(%dma_start3A_259 : memref<10240x128xf32, #tpu.memory_space<hbm>>) target(%arg10 : memref<80x128xf32, #tpu.memory_space<vmem>>) offsets(%dma_start3A_256 : memref<80xi32, #tpu.memory_space<vmem>>) semaphore(%arg14 : memref<!tpu.dma_semaphore, #tpu.memory_space<semaphore_mem>>)
      %sub3A_260 = arith.constant 2 : i32
      %sub3A_261 = arith.subi %add3A_245, %sub3A_260 : i32
      %mul3A_262 = arith.constant 80 : i32
      %mul3A_263 = arith.muli %sub3A_261, %mul3A_262 : i32
      %dma_wait3A_264 = tpu.memref_slice %arg7[%mul3A_263] : memref<5120xi32, #tpu.memory_space<vmem>> -> memref<80xi32, #tpu.memory_space<vmem>>
      %dma_wait3A_265 = arith.constant 0 : i32
      %dma_wait3A_266 = arith.constant 0 : i32
      %dma_wait3A_267 = tpu.memref_slice %arg2[%dma_wait3A_265, %dma_wait3A_266] : memref<10240x128xf32, #tpu.memory_space<hbm>> -> memref<10240x128xf32, #tpu.memory_space<hbm>>
      tpu.wait_indirect_dma semaphore(%arg15 : memref<!tpu.dma_semaphore, #tpu.memory_space<semaphore_mem>>) src(%dma_wait3A_267 : memref<10240x128xf32, #tpu.memory_space<hbm>>) dst(%arg11 : memref<80x128xf32, #tpu.memory_space<vmem>>)
      %sub3A_268 = arith.constant 2 : i32
      %sub3A_269 = arith.subi %add3A_245, %sub3A_268 : i32
      %dma_start3A_270 = arith.constant 0 : i32
      %dma_start3A_271 = tpu.memref_slice %arg8[%sub3A_269, %dma_start3A_270] : memref<64x80xi32, #tpu.memory_space<vmem>> -> memref<1x80xi32, #tpu.memory_space<vmem>>
      %dma_start3A_272 = tpu.memref_squeeze %dma_start3A_271 : memref<1x80xi32, #tpu.memory_space<vmem>> -> memref<80xi32, #tpu.memory_space<vmem>>
      %dma_start3A_273 = arith.constant 0 : i32
      %dma_start3A_274 = arith.constant 0 : i32
      %dma_start3A_275 = tpu.memref_slice %arg12[%dma_start3A_273, %dma_start3A_274] : memref<10240x128xf32, #tpu.memory_space<vmem_shared>> -> memref<10240x128xf32, #tpu.memory_space<vmem_shared>>
      tpu.enqueue_indirect_dma source(%arg11 : memref<80x128xf32, #tpu.memory_space<vmem>>) target(%dma_start3A_275 : memref<10240x128xf32, #tpu.memory_space<vmem_shared>>) offsets(%dma_start3A_272 : memref<80xi32, #tpu.memory_space<vmem>>) semaphore(%arg18 : memref<!tpu.dma_semaphore, #tpu.memory_space<semaphore_mem>>) {add = true}
      %add3A_276 = arith.constant 2 : i32
      %add3A_277 = arith.addi %add3A_212, %add3A_276 : i32
      %sub3A_278 = arith.constant 3 : i32
      %sub3A_279 = arith.subi %add3A_277, %sub3A_278 : i32
      %dma_wait3A_280 = arith.constant 0 : i32
      %dma_wait3A_281 = tpu.memref_slice %arg8[%sub3A_279, %dma_wait3A_280] : memref<64x80xi32, #tpu.memory_space<vmem>> -> memref<1x80xi32, #tpu.memory_space<vmem>>
      %dma_wait3A_282 = tpu.memref_squeeze %dma_wait3A_281 : memref<1x80xi32, #tpu.memory_space<vmem>> -> memref<80xi32, #tpu.memory_space<vmem>>
      %dma_wait3A_283 = arith.constant 0 : i32
      %dma_wait3A_284 = arith.constant 0 : i32
      %dma_wait3A_285 = tpu.memref_slice %arg12[%dma_wait3A_283, %dma_wait3A_284] : memref<10240x128xf32, #tpu.memory_space<vmem_shared>> -> memref<10240x128xf32, #tpu.memory_space<vmem_shared>>
      tpu.wait_indirect_dma semaphore(%arg18 : memref<!tpu.dma_semaphore, #tpu.memory_space<semaphore_mem>>) src(%arg11 : memref<80x128xf32, #tpu.memory_space<vmem>>) dst(%dma_wait3A_285 : memref<10240x128xf32, #tpu.memory_space<vmem_shared>>)
      %mul3A_286 = arith.constant 80 : i32
      %mul3A_287 = arith.muli %add3A_277, %mul3A_286 : i32
      %dma_start3A_288 = tpu.memref_slice %arg7[%mul3A_287] : memref<5120xi32, #tpu.memory_space<vmem>> -> memref<80xi32, #tpu.memory_space<vmem>>
      %dma_start3A_289 = arith.constant 0 : i32
      %dma_start3A_290 = arith.constant 0 : i32
      %dma_start3A_291 = tpu.memref_slice %arg2[%dma_start3A_289, %dma_start3A_290] : memref<10240x128xf32, #tpu.memory_space<hbm>> -> memref<10240x128xf32, #tpu.memory_space<hbm>>
      tpu.enqueue_indirect_dma source(%dma_start3A_291 : memref<10240x128xf32, #tpu.memory_space<hbm>>) target(%arg11 : memref<80x128xf32, #tpu.memory_space<vmem>>) offsets(%dma_start3A_288 : memref<80xi32, #tpu.memory_space<vmem>>) semaphore(%arg15 : memref<!tpu.dma_semaphore, #tpu.memory_space<semaphore_mem>>)
      %sub3A_292 = arith.constant 2 : i32
      %sub3A_293 = arith.subi %add3A_277, %sub3A_292 : i32
      %mul3A_294 = arith.constant 80 : i32
      %mul3A_295 = arith.muli %sub3A_293, %mul3A_294 : i32
      %dma_wait3A_296 = tpu.memref_slice %arg7[%mul3A_295] : memref<5120xi32, #tpu.memory_space<vmem>> -> memref<80xi32, #tpu.memory_space<vmem>>
      %dma_wait3A_297 = arith.constant 0 : i32
      %dma_wait3A_298 = arith.constant 0 : i32
      %dma_wait3A_299 = tpu.memref_slice %arg2[%dma_wait3A_297, %dma_wait3A_298] : memref<10240x128xf32, #tpu.memory_space<hbm>> -> memref<10240x128xf32, #tpu.memory_space<hbm>>
      tpu.wait_indirect_dma semaphore(%arg13 : memref<!tpu.dma_semaphore, #tpu.memory_space<semaphore_mem>>) src(%dma_wait3A_299 : memref<10240x128xf32, #tpu.memory_space<hbm>>) dst(%arg9 : memref<80x128xf32, #tpu.memory_space<vmem>>)
      %sub3A_300 = arith.constant 2 : i32
      %sub3A_301 = arith.subi %add3A_277, %sub3A_300 : i32
      %dma_start3A_302 = arith.constant 0 : i32
      %dma_start3A_303 = tpu.memref_slice %arg8[%sub3A_301, %dma_start3A_302] : memref<64x80xi32, #tpu.memory_space<vmem>> -> memref<1x80xi32, #tpu.memory_space<vmem>>
      %dma_start3A_304 = tpu.memref_squeeze %dma_start3A_303 : memref<1x80xi32, #tpu.memory_space<vmem>> -> memref<80xi32, #tpu.memory_space<vmem>>
      %dma_start3A_305 = arith.constant 0 : i32
      %dma_start3A_306 = arith.constant 0 : i32
      %dma_start3A_307 = tpu.memref_slice %arg12[%dma_start3A_305, %dma_start3A_306] : memref<10240x128xf32, #tpu.memory_space<vmem_shared>> -> memref<10240x128xf32, #tpu.memory_space<vmem_shared>>
      tpu.enqueue_indirect_dma source(%arg9 : memref<80x128xf32, #tpu.memory_space<vmem>>) target(%dma_start3A_307 : memref<10240x128xf32, #tpu.memory_space<vmem_shared>>) offsets(%dma_start3A_304 : memref<80xi32, #tpu.memory_space<vmem>>) semaphore(%arg16 : memref<!tpu.dma_semaphore, #tpu.memory_space<semaphore_mem>>) {add = true}
    }
    %scan3A_133 = arith.constant 20 : i32
    %dma_wait3A_134 = arith.constant 60 : i32
    %dma_wait3A_135 = arith.constant 0 : i32
    %dma_wait3A_136 = tpu.memref_slice %arg8[%dma_wait3A_134, %dma_wait3A_135] : memref<64x80xi32, #tpu.memory_space<vmem>> -> memref<1x80xi32, #tpu.memory_space<vmem>>
    %dma_wait3A_137 = tpu.memref_squeeze %dma_wait3A_136 : memref<1x80xi32, #tpu.memory_space<vmem>> -> memref<80xi32, #tpu.memory_space<vmem>>
    %dma_wait3A_138 = arith.constant 0 : i32
    %dma_wait3A_139 = arith.constant 0 : i32
    %dma_wait3A_140 = tpu.memref_slice %arg12[%dma_wait3A_138, %dma_wait3A_139] : memref<10240x128xf32, #tpu.memory_space<vmem_shared>> -> memref<10240x128xf32, #tpu.memory_space<vmem_shared>>
    tpu.wait_indirect_dma semaphore(%arg16 : memref<!tpu.dma_semaphore, #tpu.memory_space<semaphore_mem>>) src(%arg9 : memref<80x128xf32, #tpu.memory_space<vmem>>) dst(%dma_wait3A_140 : memref<10240x128xf32, #tpu.memory_space<vmem_shared>>)
    %dma_start3A_141 = arith.constant 5040 : i32
    %dma_start3A_142 = tpu.memref_slice %arg7[%dma_start3A_141] : memref<5120xi32, #tpu.memory_space<vmem>> -> memref<80xi32, #tpu.memory_space<vmem>>
    %dma_start3A_143 = arith.constant 0 : i32
    %dma_start3A_144 = arith.constant 0 : i32
    %dma_start3A_145 = tpu.memref_slice %arg2[%dma_start3A_143, %dma_start3A_144] : memref<10240x128xf32, #tpu.memory_space<hbm>> -> memref<10240x128xf32, #tpu.memory_space<hbm>>
    tpu.enqueue_indirect_dma source(%dma_start3A_145 : memref<10240x128xf32, #tpu.memory_space<hbm>>) target(%arg9 : memref<80x128xf32, #tpu.memory_space<vmem>>) offsets(%dma_start3A_142 : memref<80xi32, #tpu.memory_space<vmem>>) semaphore(%arg13 : memref<!tpu.dma_semaphore, #tpu.memory_space<semaphore_mem>>)
    %dma_wait3A_146 = arith.constant 4880 : i32
    %dma_wait3A_147 = tpu.memref_slice %arg7[%dma_wait3A_146] : memref<5120xi32, #tpu.memory_space<vmem>> -> memref<80xi32, #tpu.memory_space<vmem>>
    %dma_wait3A_148 = arith.constant 0 : i32
    %dma_wait3A_149 = arith.constant 0 : i32
    %dma_wait3A_150 = tpu.memref_slice %arg2[%dma_wait3A_148, %dma_wait3A_149] : memref<10240x128xf32, #tpu.memory_space<hbm>> -> memref<10240x128xf32, #tpu.memory_space<hbm>>
    tpu.wait_indirect_dma semaphore(%arg14 : memref<!tpu.dma_semaphore, #tpu.memory_space<semaphore_mem>>) src(%dma_wait3A_150 : memref<10240x128xf32, #tpu.memory_space<hbm>>) dst(%arg10 : memref<80x128xf32, #tpu.memory_space<vmem>>)
    %dma_start3A_151 = arith.constant 61 : i32
    %dma_start3A_152 = arith.constant 0 : i32
    %dma_start3A_153 = tpu.memref_slice %arg8[%dma_start3A_151, %dma_start3A_152] : memref<64x80xi32, #tpu.memory_space<vmem>> -> memref<1x80xi32, #tpu.memory_space<vmem>>
    %dma_start3A_154 = tpu.memref_squeeze %dma_start3A_153 : memref<1x80xi32, #tpu.memory_space<vmem>> -> memref<80xi32, #tpu.memory_space<vmem>>
    %dma_start3A_155 = arith.constant 0 : i32
    %dma_start3A_156 = arith.constant 0 : i32
    %dma_start3A_157 = tpu.memref_slice %arg12[%dma_start3A_155, %dma_start3A_156] : memref<10240x128xf32, #tpu.memory_space<vmem_shared>> -> memref<10240x128xf32, #tpu.memory_space<vmem_shared>>
    tpu.enqueue_indirect_dma source(%arg10 : memref<80x128xf32, #tpu.memory_space<vmem>>) target(%dma_start3A_157 : memref<10240x128xf32, #tpu.memory_space<vmem_shared>>) offsets(%dma_start3A_154 : memref<80xi32, #tpu.memory_space<vmem>>) semaphore(%arg17 : memref<!tpu.dma_semaphore, #tpu.memory_space<semaphore_mem>>) {add = true}
    %dma_wait3A_158 = arith.constant 4960 : i32
    %dma_wait3A_159 = tpu.memref_slice %arg7[%dma_wait3A_158] : memref<5120xi32, #tpu.memory_space<vmem>> -> memref<80xi32, #tpu.memory_space<vmem>>
    %dma_wait3A_160 = arith.constant 0 : i32
    %dma_wait3A_161 = arith.constant 0 : i32
    %dma_wait3A_162 = tpu.memref_slice %arg2[%dma_wait3A_160, %dma_wait3A_161] : memref<10240x128xf32, #tpu.memory_space<hbm>> -> memref<10240x128xf32, #tpu.memory_space<hbm>>
    tpu.wait_indirect_dma semaphore(%arg15 : memref<!tpu.dma_semaphore, #tpu.memory_space<semaphore_mem>>) src(%dma_wait3A_162 : memref<10240x128xf32, #tpu.memory_space<hbm>>) dst(%arg11 : memref<80x128xf32, #tpu.memory_space<vmem>>)
    %dma_start3A_163 = arith.constant 62 : i32
    %dma_start3A_164 = arith.constant 0 : i32
    %dma_start3A_165 = tpu.memref_slice %arg8[%dma_start3A_163, %dma_start3A_164] : memref<64x80xi32, #tpu.memory_space<vmem>> -> memref<1x80xi32, #tpu.memory_space<vmem>>
    %dma_start3A_166 = tpu.memref_squeeze %dma_start3A_165 : memref<1x80xi32, #tpu.memory_space<vmem>> -> memref<80xi32, #tpu.memory_space<vmem>>
    %dma_start3A_167 = arith.constant 0 : i32
    %dma_start3A_168 = arith.constant 0 : i32
    %dma_start3A_169 = tpu.memref_slice %arg12[%dma_start3A_167, %dma_start3A_168] : memref<10240x128xf32, #tpu.memory_space<vmem_shared>> -> memref<10240x128xf32, #tpu.memory_space<vmem_shared>>
    tpu.enqueue_indirect_dma source(%arg11 : memref<80x128xf32, #tpu.memory_space<vmem>>) target(%dma_start3A_169 : memref<10240x128xf32, #tpu.memory_space<vmem_shared>>) offsets(%dma_start3A_166 : memref<80xi32, #tpu.memory_space<vmem>>) semaphore(%arg18 : memref<!tpu.dma_semaphore, #tpu.memory_space<semaphore_mem>>) {add = true}
    %dma_wait3A_170 = arith.constant 5040 : i32
    %dma_wait3A_171 = tpu.memref_slice %arg7[%dma_wait3A_170] : memref<5120xi32, #tpu.memory_space<vmem>> -> memref<80xi32, #tpu.memory_space<vmem>>
    %dma_wait3A_172 = arith.constant 0 : i32
    %dma_wait3A_173 = arith.constant 0 : i32
    %dma_wait3A_174 = tpu.memref_slice %arg2[%dma_wait3A_172, %dma_wait3A_173] : memref<10240x128xf32, #tpu.memory_space<hbm>> -> memref<10240x128xf32, #tpu.memory_space<hbm>>
    tpu.wait_indirect_dma semaphore(%arg13 : memref<!tpu.dma_semaphore, #tpu.memory_space<semaphore_mem>>) src(%dma_wait3A_174 : memref<10240x128xf32, #tpu.memory_space<hbm>>) dst(%arg9 : memref<80x128xf32, #tpu.memory_space<vmem>>)
    %dma_start3A_175 = arith.constant 63 : i32
    %dma_start3A_176 = arith.constant 0 : i32
    %dma_start3A_177 = tpu.memref_slice %arg8[%dma_start3A_175, %dma_start3A_176] : memref<64x80xi32, #tpu.memory_space<vmem>> -> memref<1x80xi32, #tpu.memory_space<vmem>>
    %dma_start3A_178 = tpu.memref_squeeze %dma_start3A_177 : memref<1x80xi32, #tpu.memory_space<vmem>> -> memref<80xi32, #tpu.memory_space<vmem>>
    %dma_start3A_179 = arith.constant 0 : i32
    %dma_start3A_180 = arith.constant 0 : i32
    %dma_start3A_181 = tpu.memref_slice %arg12[%dma_start3A_179, %dma_start3A_180] : memref<10240x128xf32, #tpu.memory_space<vmem_shared>> -> memref<10240x128xf32, #tpu.memory_space<vmem_shared>>
    tpu.enqueue_indirect_dma source(%arg9 : memref<80x128xf32, #tpu.memory_space<vmem>>) target(%dma_start3A_181 : memref<10240x128xf32, #tpu.memory_space<vmem_shared>>) offsets(%dma_start3A_178 : memref<80xi32, #tpu.memory_space<vmem>>) semaphore(%arg16 : memref<!tpu.dma_semaphore, #tpu.memory_space<semaphore_mem>>) {add = true}
    %dma_wait3A_182 = arith.constant 61 : i32
    %dma_wait3A_183 = arith.constant 0 : i32
    %dma_wait3A_184 = tpu.memref_slice %arg8[%dma_wait3A_182, %dma_wait3A_183] : memref<64x80xi32, #tpu.memory_space<vmem>> -> memref<1x80xi32, #tpu.memory_space<vmem>>
    %dma_wait3A_185 = tpu.memref_squeeze %dma_wait3A_184 : memref<1x80xi32, #tpu.memory_space<vmem>> -> memref<80xi32, #tpu.memory_space<vmem>>
    %dma_wait3A_186 = arith.constant 0 : i32
    %dma_wait3A_187 = arith.constant 0 : i32
    %dma_wait3A_188 = tpu.memref_slice %arg12[%dma_wait3A_186, %dma_wait3A_187] : memref<10240x128xf32, #tpu.memory_space<vmem_shared>> -> memref<10240x128xf32, #tpu.memory_space<vmem_shared>>
    tpu.wait_indirect_dma semaphore(%arg17 : memref<!tpu.dma_semaphore, #tpu.memory_space<semaphore_mem>>) src(%arg10 : memref<80x128xf32, #tpu.memory_space<vmem>>) dst(%dma_wait3A_188 : memref<10240x128xf32, #tpu.memory_space<vmem_shared>>)
    %dma_wait3A_189 = arith.constant 62 : i32
    %dma_wait3A_190 = arith.constant 0 : i32
    %dma_wait3A_191 = tpu.memref_slice %arg8[%dma_wait3A_189, %dma_wait3A_190] : memref<64x80xi32, #tpu.memory_space<vmem>> -> memref<1x80xi32, #tpu.memory_space<vmem>>
    %dma_wait3A_192 = tpu.memref_squeeze %dma_wait3A_191 : memref<1x80xi32, #tpu.memory_space<vmem>> -> memref<80xi32, #tpu.memory_space<vmem>>
    %dma_wait3A_193 = arith.constant 0 : i32
    %dma_wait3A_194 = arith.constant 0 : i32
    %dma_wait3A_195 = tpu.memref_slice %arg12[%dma_wait3A_193, %dma_wait3A_194] : memref<10240x128xf32, #tpu.memory_space<vmem_shared>> -> memref<10240x128xf32, #tpu.memory_space<vmem_shared>>
    tpu.wait_indirect_dma semaphore(%arg18 : memref<!tpu.dma_semaphore, #tpu.memory_space<semaphore_mem>>) src(%arg11 : memref<80x128xf32, #tpu.memory_space<vmem>>) dst(%dma_wait3A_195 : memref<10240x128xf32, #tpu.memory_space<vmem_shared>>)
    %dma_wait3A_196 = arith.constant 63 : i32
    %dma_wait3A_197 = arith.constant 0 : i32
    %dma_wait3A_198 = tpu.memref_slice %arg8[%dma_wait3A_196, %dma_wait3A_197] : memref<64x80xi32, #tpu.memory_space<vmem>> -> memref<1x80xi32, #tpu.memory_space<vmem>>
    %dma_wait3A_199 = tpu.memref_squeeze %dma_wait3A_198 : memref<1x80xi32, #tpu.memory_space<vmem>> -> memref<80xi32, #tpu.memory_space<vmem>>
    %dma_wait3A_200 = arith.constant 0 : i32
    %dma_wait3A_201 = arith.constant 0 : i32
    %dma_wait3A_202 = tpu.memref_slice %arg12[%dma_wait3A_200, %dma_wait3A_201] : memref<10240x128xf32, #tpu.memory_space<vmem_shared>> -> memref<10240x128xf32, #tpu.memory_space<vmem_shared>>
    tpu.wait_indirect_dma semaphore(%arg16 : memref<!tpu.dma_semaphore, #tpu.memory_space<semaphore_mem>>) src(%arg9 : memref<80x128xf32, #tpu.memory_space<vmem>>) dst(%dma_wait3A_202 : memref<10240x128xf32, #tpu.memory_space<vmem_shared>>)
    %barrier3A_203 = arith.constant 0 : index
    tpu.barrier barrier_id(%barrier3A_203)
    %mul3A_204 = arith.constant 640 : i32
    %mul3A_205 = arith.muli %arg1, %mul3A_204 : i32
    %mul3A_206 = arith.constant 640 : i32
    %mul3A_207 = arith.muli %arg1, %mul3A_206 : i32
    "tpu.region"() ({
      %run_scoped3A_208 = tpu.sem_alloc : memref<!tpu.dma_semaphore, #tpu.memory_space<semaphore_mem>>
      %dma_start3A_209 = arith.constant 0 : i32
      %dma_start3A_210 = tpu.memref_slice %arg6[%arg0, %mul3A_207, %dma_start3A_209] : memref<2x10240x128xf32, #tpu.memory_space<hbm>> -> memref<1x640x128xf32, #tpu.memory_space<hbm>>
      %dma_start3A_211 = tpu.memref_squeeze %dma_start3A_210 : memref<1x640x128xf32, #tpu.memory_space<hbm>> -> memref<640x128xf32, #tpu.memory_space<hbm>>
      %dma_start3A_212 = arith.constant 0 : i32
      %dma_start3A_213 = tpu.memref_slice %arg12[%mul3A_205, %dma_start3A_212] : memref<10240x128xf32, #tpu.memory_space<vmem_shared>> -> memref<640x128xf32, #tpu.memory_space<vmem_shared>>
      tpu.enqueue_dma source(%dma_start3A_213 : memref<640x128xf32, #tpu.memory_space<vmem_shared>>) target(%dma_start3A_211 : memref<640x128xf32, #tpu.memory_space<hbm>>) target_semaphore(%run_scoped3A_208 : memref<!tpu.dma_semaphore, #tpu.memory_space<semaphore_mem>>)
      %dma_wait3A_214 = arith.constant 0 : i32
      %dma_wait3A_215 = tpu.memref_slice %arg6[%arg0, %mul3A_207, %dma_wait3A_214] : memref<2x10240x128xf32, #tpu.memory_space<hbm>> -> memref<1x640x128xf32, #tpu.memory_space<hbm>>
      %dma_wait3A_216 = tpu.memref_squeeze %dma_wait3A_215 : memref<1x640x128xf32, #tpu.memory_space<hbm>> -> memref<640x128xf32, #tpu.memory_space<hbm>>
      %dma_wait3A_217 = arith.constant 0 : i32
      %dma_wait3A_218 = tpu.memref_slice %arg12[%mul3A_205, %dma_wait3A_217] : memref<10240x128xf32, #tpu.memory_space<vmem_shared>> -> memref<640x128xf32, #tpu.memory_space<vmem_shared>>
      tpu.wait_dma2 semaphore(%run_scoped3A_208 : memref<!tpu.dma_semaphore, #tpu.memory_space<semaphore_mem>>) src(%dma_wait3A_218 : memref<640x128xf32, #tpu.memory_space<vmem_shared>>) dst(%dma_wait3A_216 : memref<640x128xf32, #tpu.memory_space<hbm>>)
      tpu.yield
    }) : () -> ()
    return
  }
}

#map = affine_map<(d0, d1) -> (0, 0)>
#map1 = affine_map<(d0, d1) -> (0, 0, 0, 0)>
#map2 = affine_map<(d0, d1) -> (0, 0, 0)>
module attributes {stable_mosaic.version = 14 : i64} {
  func.func @scat_kernel(%arg0: i32, %arg1: i32, %arg2: memref<10240x128xf32, #tpu.memory_space<hbm>>, %arg3: memref<32x10240xi32, #tpu.memory_space<hbm>>, %arg4: memref<32x2x64x80xi32, #tpu.memory_space<hbm>>, %arg5: memref<640x128xf32, #tpu.memory_space<hbm>>, %arg6: memref<2x10240x128xf32, #tpu.memory_space<hbm>>, %arg7: memref<5120xi32, #tpu.memory_space<vmem>>, %arg8: memref<64x80xi32, #tpu.memory_space<vmem>>, %arg9: memref<80x128xf32, #tpu.memory_space<vmem>>, %arg10: memref<80x128xf32, #tpu.memory_space<vmem>>, %arg11: memref<80x128xf32, #tpu.memory_space<vmem>>, %arg12: memref<10240x128xf32, #tpu.memory_space<vmem_shared>>, %arg13: memref<!tpu.dma_semaphore, #tpu.memory_space<semaphore_mem>>, %arg14: memref<!tpu.dma_semaphore, #tpu.memory_space<semaphore_mem>>, %arg15: memref<!tpu.dma_semaphore, #tpu.memory_space<semaphore_mem>>, %arg16: memref<!tpu.dma_semaphore, #tpu.memory_space<semaphore_mem>>, %arg17: memref<!tpu.dma_semaphore, #tpu.memory_space<semaphore_mem>>, %arg18: memref<!tpu.dma_semaphore, #tpu.memory_space<semaphore_mem>>) attributes {dimension_semantics = [#tpu.dimension_semantics<core_parallel>, #tpu.dimension_semantics<subcore_parallel>], iteration_bounds = array<i64: 2, 16>, scalar_prefetch = 0 : i64, scratch_operands = 12 : i64, tpu.core_type = #tpu.core_type<sc_vector_subcore>, window_params = [{transform_indices = #map}, {transform_indices = #map}, {transform_indices = #map1}, {transform_indices = #map}, {transform_indices = #map2}]} {
    %mul3A = arith.constant 16 : i32
    %mul3A_0 = arith.muli %arg0, %mul3A : i32
    %add3A = arith.addi %mul3A_0, %arg1 : i32
    %mul3A_1 = arith.constant 640 : i32
    %mul3A_2 = arith.muli %arg1, %mul3A_1 : i32
    "tpu.region"() ({
      %run_scoped3A_208 = tpu.sem_alloc : memref<!tpu.dma_semaphore, #tpu.memory_space<semaphore_mem>>
      %dma_start3A_209 = arith.constant 0 : i32
      %dma_start3A_210 = tpu.memref_slice %arg12[%mul3A_2, %dma_start3A_209] : memref<10240x128xf32, #tpu.memory_space<vmem_shared>> -> memref<640x128xf32, #tpu.memory_space<vmem_shared>>
      tpu.enqueue_dma source(%arg5 : memref<640x128xf32, #tpu.memory_space<hbm>>) target(%dma_start3A_210 : memref<640x128xf32, #tpu.memory_space<vmem_shared>>) target_semaphore(%run_scoped3A_208 : memref<!tpu.dma_semaphore, #tpu.memory_space<semaphore_mem>>)
      %dma_wait3A_211 = arith.constant 0 : i32
      %dma_wait3A_212 = tpu.memref_slice %arg12[%mul3A_2, %dma_wait3A_211] : memref<10240x128xf32, #tpu.memory_space<vmem_shared>> -> memref<640x128xf32, #tpu.memory_space<vmem_shared>>
      tpu.wait_dma2 semaphore(%run_scoped3A_208 : memref<!tpu.dma_semaphore, #tpu.memory_space<semaphore_mem>>) src(%arg5 : memref<640x128xf32, #tpu.memory_space<hbm>>) dst(%dma_wait3A_212 : memref<640x128xf32, #tpu.memory_space<vmem_shared>>)
      tpu.yield
    }) : () -> ()
    %barrier3A = arith.constant 0 : index
    tpu.barrier barrier_id(%barrier3A)
    "tpu.region"() ({
      %run_scoped3A_208 = tpu.sem_alloc : memref<!tpu.dma_semaphore, #tpu.memory_space<semaphore_mem>>
      %dma_start3A_209 = arith.constant 0 : i32
      %dma_start3A_210 = tpu.memref_slice %arg3[%add3A, %dma_start3A_209] : memref<32x10240xi32, #tpu.memory_space<hbm>> -> memref<1x5120xi32, #tpu.memory_space<hbm>>
      %dma_start3A_211 = tpu.memref_squeeze %dma_start3A_210 : memref<1x5120xi32, #tpu.memory_space<hbm>> -> memref<5120xi32, #tpu.memory_space<hbm>>
      %dma_start3A_212 = arith.constant 0 : i32
      %dma_start3A_213 = tpu.memref_slice %arg3[%add3A, %dma_start3A_212] : memref<32x10240xi32, #tpu.memory_space<hbm>> -> memref<1x5120xi32, #tpu.memory_space<hbm>>
      %dma_start3A_214 = tpu.memref_squeeze %dma_start3A_213 : memref<1x5120xi32, #tpu.memory_space<hbm>> -> memref<5120xi32, #tpu.memory_space<hbm>>
      tpu.enqueue_dma source(%dma_start3A_214 : memref<5120xi32, #tpu.memory_space<hbm>>) target(%arg7 : memref<5120xi32, #tpu.memory_space<vmem>>) target_semaphore(%run_scoped3A_208 : memref<!tpu.dma_semaphore, #tpu.memory_space<semaphore_mem>>)
      %dma_wait3A_215 = arith.constant 0 : i32
      %dma_wait3A_216 = tpu.memref_slice %arg3[%add3A, %dma_wait3A_215] : memref<32x10240xi32, #tpu.memory_space<hbm>> -> memref<1x5120xi32, #tpu.memory_space<hbm>>
      %dma_wait3A_217 = tpu.memref_squeeze %dma_wait3A_216 : memref<1x5120xi32, #tpu.memory_space<hbm>> -> memref<5120xi32, #tpu.memory_space<hbm>>
      %dma_wait3A_218 = arith.constant 0 : i32
      %dma_wait3A_219 = tpu.memref_slice %arg3[%add3A, %dma_wait3A_218] : memref<32x10240xi32, #tpu.memory_space<hbm>> -> memref<1x5120xi32, #tpu.memory_space<hbm>>
      %dma_wait3A_220 = tpu.memref_squeeze %dma_wait3A_219 : memref<1x5120xi32, #tpu.memory_space<hbm>> -> memref<5120xi32, #tpu.memory_space<hbm>>
      tpu.wait_dma2 semaphore(%run_scoped3A_208 : memref<!tpu.dma_semaphore, #tpu.memory_space<semaphore_mem>>) src(%dma_wait3A_220 : memref<5120xi32, #tpu.memory_space<hbm>>) dst(%arg7 : memref<5120xi32, #tpu.memory_space<vmem>>)
      tpu.yield
    }) : () -> ()
    %run_scoped3A = arith.constant 0 : i32
    "tpu.region"() ({
      %run_scoped3A_208 = tpu.sem_alloc : memref<!tpu.dma_semaphore, #tpu.memory_space<semaphore_mem>>
      %dma_start3A_209 = arith.constant 0 : i32
      %dma_start3A_210 = arith.constant 0 : i32
      %dma_start3A_211 = tpu.memref_slice %arg4[%add3A, %run_scoped3A, %dma_start3A_209, %dma_start3A_210] : memref<32x2x64x80xi32, #tpu.memory_space<hbm>> -> memref<1x1x64x80xi32, #tpu.memory_space<hbm>>
      %dma_start3A_212 = tpu.memref_squeeze %dma_start3A_211 : memref<1x1x64x80xi32, #tpu.memory_space<hbm>> -> memref<64x80xi32, #tpu.memory_space<hbm>>
      %dma_start3A_213 = arith.constant 0 : i32
      %dma_start3A_214 = arith.constant 0 : i32
      %dma_start3A_215 = tpu.memref_slice %arg4[%add3A, %run_scoped3A, %dma_start3A_213, %dma_start3A_214] : memref<32x2x64x80xi32, #tpu.memory_space<hbm>> -> memref<1x1x64x80xi32, #tpu.memory_space<hbm>>
      %dma_start3A_216 = tpu.memref_squeeze %dma_start3A_215 : memref<1x1x64x80xi32, #tpu.memory_space<hbm>> -> memref<64x80xi32, #tpu.memory_space<hbm>>
      tpu.enqueue_dma source(%dma_start3A_216 : memref<64x80xi32, #tpu.memory_space<hbm>>) target(%arg8 : memref<64x80xi32, #tpu.memory_space<vmem>>) target_semaphore(%run_scoped3A_208 : memref<!tpu.dma_semaphore, #tpu.memory_space<semaphore_mem>>)
      %dma_wait3A_217 = arith.constant 0 : i32
      %dma_wait3A_218 = arith.constant 0 : i32
      %dma_wait3A_219 = tpu.memref_slice %arg4[%add3A, %run_scoped3A, %dma_wait3A_217, %dma_wait3A_218] : memref<32x2x64x80xi32, #tpu.memory_space<hbm>> -> memref<1x1x64x80xi32, #tpu.memory_space<hbm>>
      %dma_wait3A_220 = tpu.memref_squeeze %dma_wait3A_219 : memref<1x1x64x80xi32, #tpu.memory_space<hbm>> -> memref<64x80xi32, #tpu.memory_space<hbm>>
      %dma_wait3A_221 = arith.constant 0 : i32
      %dma_wait3A_222 = arith.constant 0 : i32
      %dma_wait3A_223 = tpu.memref_slice %arg4[%add3A, %run_scoped3A, %dma_wait3A_221, %dma_wait3A_222] : memref<32x2x64x80xi32, #tpu.memory_space<hbm>> -> memref<1x1x64x80xi32, #tpu.memory_space<hbm>>
      %dma_wait3A_224 = tpu.memref_squeeze %dma_wait3A_223 : memref<1x1x64x80xi32, #tpu.memory_space<hbm>> -> memref<64x80xi32, #tpu.memory_space<hbm>>
      tpu.wait_dma2 semaphore(%run_scoped3A_208 : memref<!tpu.dma_semaphore, #tpu.memory_space<semaphore_mem>>) src(%dma_wait3A_224 : memref<64x80xi32, #tpu.memory_space<hbm>>) dst(%arg8 : memref<64x80xi32, #tpu.memory_space<vmem>>)
      tpu.yield
    }) : () -> ()
    %dma_start3A = arith.constant 0 : i32
    %dma_start3A_3 = tpu.memref_slice %arg7[%dma_start3A] : memref<5120xi32, #tpu.memory_space<vmem>> -> memref<80xi32, #tpu.memory_space<vmem>>
    %dma_start3A_4 = arith.constant 0 : i32
    %dma_start3A_5 = arith.constant 0 : i32
    %dma_start3A_6 = tpu.memref_slice %arg2[%dma_start3A_4, %dma_start3A_5] : memref<10240x128xf32, #tpu.memory_space<hbm>> -> memref<10240x128xf32, #tpu.memory_space<hbm>>
    tpu.enqueue_indirect_dma source(%dma_start3A_6 : memref<10240x128xf32, #tpu.memory_space<hbm>>) target(%arg9 : memref<80x128xf32, #tpu.memory_space<vmem>>) offsets(%dma_start3A_3 : memref<80xi32, #tpu.memory_space<vmem>>) semaphore(%arg13 : memref<!tpu.dma_semaphore, #tpu.memory_space<semaphore_mem>>)
    %dma_start3A_7 = arith.constant 80 : i32
    %dma_start3A_8 = tpu.memref_slice %arg7[%dma_start3A_7] : memref<5120xi32, #tpu.memory_space<vmem>> -> memref<80xi32, #tpu.memory_space<vmem>>
    %dma_start3A_9 = arith.constant 0 : i32
    %dma_start3A_10 = arith.constant 0 : i32
    %dma_start3A_11 = tpu.memref_slice %arg2[%dma_start3A_9, %dma_start3A_10] : memref<10240x128xf32, #tpu.memory_space<hbm>> -> memref<10240x128xf32, #tpu.memory_space<hbm>>
    tpu.enqueue_indirect_dma source(%dma_start3A_11 : memref<10240x128xf32, #tpu.memory_space<hbm>>) target(%arg10 : memref<80x128xf32, #tpu.memory_space<vmem>>) offsets(%dma_start3A_8 : memref<80xi32, #tpu.memory_space<vmem>>) semaphore(%arg14 : memref<!tpu.dma_semaphore, #tpu.memory_space<semaphore_mem>>)
    %dma_start3A_12 = arith.constant 160 : i32
    %dma_start3A_13 = tpu.memref_slice %arg7[%dma_start3A_12] : memref<5120xi32, #tpu.memory_space<vmem>> -> memref<80xi32, #tpu.memory_space<vmem>>
    %dma_start3A_14 = arith.constant 0 : i32
    %dma_start3A_15 = arith.constant 0 : i32
    %dma_start3A_16 = tpu.memref_slice %arg2[%dma_start3A_14, %dma_start3A_15] : memref<10240x128xf32, #tpu.memory_space<hbm>> -> memref<10240x128xf32, #tpu.memory_space<hbm>>
    tpu.enqueue_indirect_dma source(%dma_start3A_16 : memref<10240x128xf32, #tpu.memory_space<hbm>>) target(%arg11 : memref<80x128xf32, #tpu.memory_space<vmem>>) offsets(%dma_start3A_13 : memref<80xi32, #tpu.memory_space<vmem>>) semaphore(%arg15 : memref<!tpu.dma_semaphore, #tpu.memory_space<semaphore_mem>>)
    %dma_wait3A = arith.constant 0 : i32
    %dma_wait3A_17 = tpu.memref_slice %arg7[%dma_wait3A] : memref<5120xi32, #tpu.memory_space<vmem>> -> memref<80xi32, #tpu.memory_space<vmem>>
    %dma_wait3A_18 = arith.constant 0 : i32
    %dma_wait3A_19 = arith.constant 0 : i32
    %dma_wait3A_20 = tpu.memref_slice %arg2[%dma_wait3A_18, %dma_wait3A_19] : memref<10240x128xf32, #tpu.memory_space<hbm>> -> memref<10240x128xf32, #tpu.memory_space<hbm>>
    tpu.wait_indirect_dma semaphore(%arg13 : memref<!tpu.dma_semaphore, #tpu.memory_space<semaphore_mem>>) src(%dma_wait3A_20 : memref<10240x128xf32, #tpu.memory_space<hbm>>) dst(%arg9 : memref<80x128xf32, #tpu.memory_space<vmem>>)
    %dma_start3A_21 = arith.constant 0 : i32
    %dma_start3A_22 = arith.constant 0 : i32
    %dma_start3A_23 = tpu.memref_slice %arg8[%dma_start3A_21, %dma_start3A_22] : memref<64x80xi32, #tpu.memory_space<vmem>> -> memref<1x80xi32, #tpu.memory_space<vmem>>
    %dma_start3A_24 = tpu.memref_squeeze %dma_start3A_23 : memref<1x80xi32, #tpu.memory_space<vmem>> -> memref<80xi32, #tpu.memory_space<vmem>>
    %dma_start3A_25 = arith.constant 0 : i32
    %dma_start3A_26 = arith.constant 0 : i32
    %dma_start3A_27 = tpu.memref_slice %arg12[%dma_start3A_25, %dma_start3A_26] : memref<10240x128xf32, #tpu.memory_space<vmem_shared>> -> memref<10240x128xf32, #tpu.memory_space<vmem_shared>>
    tpu.enqueue_indirect_dma source(%arg9 : memref<80x128xf32, #tpu.memory_space<vmem>>) target(%dma_start3A_27 : memref<10240x128xf32, #tpu.memory_space<vmem_shared>>) offsets(%dma_start3A_24 : memref<80xi32, #tpu.memory_space<vmem>>) semaphore(%arg16 : memref<!tpu.dma_semaphore, #tpu.memory_space<semaphore_mem>>) {add = true}
    %scan3A = arith.constant 0 : i32
    %scan3A_28 = arith.constant 20 : i32
    %scan3A_29 = arith.addi %scan3A, %scan3A_28 : i32
    %scan3A_30 = arith.constant 1 : i32
    scf.for %scan3A_208 = %scan3A to %scan3A_29 step %scan3A_30  : i32 {
      %mul3A_209 = arith.constant 3 : i32
      %mul3A_210 = arith.muli %scan3A_208, %mul3A_209 : i32
      %add3A_211 = arith.constant 3 : i32
      %add3A_212 = arith.addi %add3A_211, %mul3A_210 : i32
      %add3A_213 = arith.constant 0 : i32
      %add3A_214 = arith.addi %add3A_212, %add3A_213 : i32
      %sub3A = arith.constant 3 : i32
      %sub3A_215 = arith.subi %add3A_214, %sub3A : i32
      %dma_wait3A_216 = arith.constant 0 : i32
      %dma_wait3A_217 = tpu.memref_slice %arg8[%sub3A_215, %dma_wait3A_216] : memref<64x80xi32, #tpu.memory_space<vmem>> -> memref<1x80xi32, #tpu.memory_space<vmem>>
      %dma_wait3A_218 = tpu.memref_squeeze %dma_wait3A_217 : memref<1x80xi32, #tpu.memory_space<vmem>> -> memref<80xi32, #tpu.memory_space<vmem>>
      %dma_wait3A_219 = arith.constant 0 : i32
      %dma_wait3A_220 = arith.constant 0 : i32
      %dma_wait3A_221 = tpu.memref_slice %arg12[%dma_wait3A_219, %dma_wait3A_220] : memref<10240x128xf32, #tpu.memory_space<vmem_shared>> -> memref<10240x128xf32, #tpu.memory_space<vmem_shared>>
      tpu.wait_indirect_dma semaphore(%arg16 : memref<!tpu.dma_semaphore, #tpu.memory_space<semaphore_mem>>) src(%arg9 : memref<80x128xf32, #tpu.memory_space<vmem>>) dst(%dma_wait3A_221 : memref<10240x128xf32, #tpu.memory_space<vmem_shared>>)
      %mul3A_222 = arith.constant 80 : i32
      %mul3A_223 = arith.muli %add3A_214, %mul3A_222 : i32
      %dma_start3A_224 = tpu.memref_slice %arg7[%mul3A_223] : memref<5120xi32, #tpu.memory_space<vmem>> -> memref<80xi32, #tpu.memory_space<vmem>>
      %dma_start3A_225 = arith.constant 0 : i32
      %dma_start3A_226 = arith.constant 0 : i32
      %dma_start3A_227 = tpu.memref_slice %arg2[%dma_start3A_225, %dma_start3A_226] : memref<10240x128xf32, #tpu.memory_space<hbm>> -> memref<10240x128xf32, #tpu.memory_space<hbm>>
      tpu.enqueue_indirect_dma source(%dma_start3A_227 : memref<10240x128xf32, #tpu.memory_space<hbm>>) target(%arg9 : memref<80x128xf32, #tpu.memory_space<vmem>>) offsets(%dma_start3A_224 : memref<80xi32, #tpu.memory_space<vmem>>) semaphore(%arg13 : memref<!tpu.dma_semaphore, #tpu.memory_space<semaphore_mem>>)
      %sub3A_228 = arith.constant 2 : i32
      %sub3A_229 = arith.subi %add3A_214, %sub3A_228 : i32
      %mul3A_230 = arith.constant 80 : i32
      %mul3A_231 = arith.muli %sub3A_229, %mul3A_230 : i32
      %dma_wait3A_232 = tpu.memref_slice %arg7[%mul3A_231] : memref<5120xi32, #tpu.memory_space<vmem>> -> memref<80xi32, #tpu.memory_space<vmem>>
      %dma_wait3A_233 = arith.constant 0 : i32
      %dma_wait3A_234 = arith.constant 0 : i32
      %dma_wait3A_235 = tpu.memref_slice %arg2[%dma_wait3A_233, %dma_wait3A_234] : memref<10240x128xf32, #tpu.memory_space<hbm>> -> memref<10240x128xf32, #tpu.memory_space<hbm>>
      tpu.wait_indirect_dma semaphore(%arg14 : memref<!tpu.dma_semaphore, #tpu.memory_space<semaphore_mem>>) src(%dma_wait3A_235 : memref<10240x128xf32, #tpu.memory_space<hbm>>) dst(%arg10 : memref<80x128xf32, #tpu.memory_space<vmem>>)
      %sub3A_236 = arith.constant 2 : i32
      %sub3A_237 = arith.subi %add3A_214, %sub3A_236 : i32
      %dma_start3A_238 = arith.constant 0 : i32
      %dma_start3A_239 = tpu.memref_slice %arg8[%sub3A_237, %dma_start3A_238] : memref<64x80xi32, #tpu.memory_space<vmem>> -> memref<1x80xi32, #tpu.memory_space<vmem>>
      %dma_start3A_240 = tpu.memref_squeeze %dma_start3A_239 : memref<1x80xi32, #tpu.memory_space<vmem>> -> memref<80xi32, #tpu.memory_space<vmem>>
      %dma_start3A_241 = arith.constant 0 : i32
      %dma_start3A_242 = arith.constant 0 : i32
      %dma_start3A_243 = tpu.memref_slice %arg12[%dma_start3A_241, %dma_start3A_242] : memref<10240x128xf32, #tpu.memory_space<vmem_shared>> -> memref<10240x128xf32, #tpu.memory_space<vmem_shared>>
      tpu.enqueue_indirect_dma source(%arg10 : memref<80x128xf32, #tpu.memory_space<vmem>>) target(%dma_start3A_243 : memref<10240x128xf32, #tpu.memory_space<vmem_shared>>) offsets(%dma_start3A_240 : memref<80xi32, #tpu.memory_space<vmem>>) semaphore(%arg17 : memref<!tpu.dma_semaphore, #tpu.memory_space<semaphore_mem>>) {add = true}
      %add3A_244 = arith.constant 1 : i32
      %add3A_245 = arith.addi %add3A_212, %add3A_244 : i32
      %sub3A_246 = arith.constant 3 : i32
      %sub3A_247 = arith.subi %add3A_245, %sub3A_246 : i32
      %dma_wait3A_248 = arith.constant 0 : i32
      %dma_wait3A_249 = tpu.memref_slice %arg8[%sub3A_247, %dma_wait3A_248] : memref<64x80xi32, #tpu.memory_space<vmem>> -> memref<1x80xi32, #tpu.memory_space<vmem>>
      %dma_wait3A_250 = tpu.memref_squeeze %dma_wait3A_249 : memref<1x80xi32, #tpu.memory_space<vmem>> -> memref<80xi32, #tpu.memory_space<vmem>>
      %dma_wait3A_251 = arith.constant 0 : i32
      %dma_wait3A_252 = arith.constant 0 : i32
      %dma_wait3A_253 = tpu.memref_slice %arg12[%dma_wait3A_251, %dma_wait3A_252] : memref<10240x128xf32, #tpu.memory_space<vmem_shared>> -> memref<10240x128xf32, #tpu.memory_space<vmem_shared>>
      tpu.wait_indirect_dma semaphore(%arg17 : memref<!tpu.dma_semaphore, #tpu.memory_space<semaphore_mem>>) src(%arg10 : memref<80x128xf32, #tpu.memory_space<vmem>>) dst(%dma_wait3A_253 : memref<10240x128xf32, #tpu.memory_space<vmem_shared>>)
      %mul3A_254 = arith.constant 80 : i32
      %mul3A_255 = arith.muli %add3A_245, %mul3A_254 : i32
      %dma_start3A_256 = tpu.memref_slice %arg7[%mul3A_255] : memref<5120xi32, #tpu.memory_space<vmem>> -> memref<80xi32, #tpu.memory_space<vmem>>
      %dma_start3A_257 = arith.constant 0 : i32
      %dma_start3A_258 = arith.constant 0 : i32
      %dma_start3A_259 = tpu.memref_slice %arg2[%dma_start3A_257, %dma_start3A_258] : memref<10240x128xf32, #tpu.memory_space<hbm>> -> memref<10240x128xf32, #tpu.memory_space<hbm>>
      tpu.enqueue_indirect_dma source(%dma_start3A_259 : memref<10240x128xf32, #tpu.memory_space<hbm>>) target(%arg10 : memref<80x128xf32, #tpu.memory_space<vmem>>) offsets(%dma_start3A_256 : memref<80xi32, #tpu.memory_space<vmem>>) semaphore(%arg14 : memref<!tpu.dma_semaphore, #tpu.memory_space<semaphore_mem>>)
      %sub3A_260 = arith.constant 2 : i32
      %sub3A_261 = arith.subi %add3A_245, %sub3A_260 : i32
      %mul3A_262 = arith.constant 80 : i32
      %mul3A_263 = arith.muli %sub3A_261, %mul3A_262 : i32
      %dma_wait3A_264 = tpu.memref_slice %arg7[%mul3A_263] : memref<5120xi32, #tpu.memory_space<vmem>> -> memref<80xi32, #tpu.memory_space<vmem>>
      %dma_wait3A_265 = arith.constant 0 : i32
      %dma_wait3A_266 = arith.constant 0 : i32
      %dma_wait3A_267 = tpu.memref_slice %arg2[%dma_wait3A_265, %dma_wait3A_266] : memref<10240x128xf32, #tpu.memory_space<hbm>> -> memref<10240x128xf32, #tpu.memory_space<hbm>>
      tpu.wait_indirect_dma semaphore(%arg15 : memref<!tpu.dma_semaphore, #tpu.memory_space<semaphore_mem>>) src(%dma_wait3A_267 : memref<10240x128xf32, #tpu.memory_space<hbm>>) dst(%arg11 : memref<80x128xf32, #tpu.memory_space<vmem>>)
      %sub3A_268 = arith.constant 2 : i32
      %sub3A_269 = arith.subi %add3A_245, %sub3A_268 : i32
      %dma_start3A_270 = arith.constant 0 : i32
      %dma_start3A_271 = tpu.memref_slice %arg8[%sub3A_269, %dma_start3A_270] : memref<64x80xi32, #tpu.memory_space<vmem>> -> memref<1x80xi32, #tpu.memory_space<vmem>>
      %dma_start3A_272 = tpu.memref_squeeze %dma_start3A_271 : memref<1x80xi32, #tpu.memory_space<vmem>> -> memref<80xi32, #tpu.memory_space<vmem>>
      %dma_start3A_273 = arith.constant 0 : i32
      %dma_start3A_274 = arith.constant 0 : i32
      %dma_start3A_275 = tpu.memref_slice %arg12[%dma_start3A_273, %dma_start3A_274] : memref<10240x128xf32, #tpu.memory_space<vmem_shared>> -> memref<10240x128xf32, #tpu.memory_space<vmem_shared>>
      tpu.enqueue_indirect_dma source(%arg11 : memref<80x128xf32, #tpu.memory_space<vmem>>) target(%dma_start3A_275 : memref<10240x128xf32, #tpu.memory_space<vmem_shared>>) offsets(%dma_start3A_272 : memref<80xi32, #tpu.memory_space<vmem>>) semaphore(%arg18 : memref<!tpu.dma_semaphore, #tpu.memory_space<semaphore_mem>>) {add = true}
      %add3A_276 = arith.constant 2 : i32
      %add3A_277 = arith.addi %add3A_212, %add3A_276 : i32
      %sub3A_278 = arith.constant 3 : i32
      %sub3A_279 = arith.subi %add3A_277, %sub3A_278 : i32
      %dma_wait3A_280 = arith.constant 0 : i32
      %dma_wait3A_281 = tpu.memref_slice %arg8[%sub3A_279, %dma_wait3A_280] : memref<64x80xi32, #tpu.memory_space<vmem>> -> memref<1x80xi32, #tpu.memory_space<vmem>>
      %dma_wait3A_282 = tpu.memref_squeeze %dma_wait3A_281 : memref<1x80xi32, #tpu.memory_space<vmem>> -> memref<80xi32, #tpu.memory_space<vmem>>
      %dma_wait3A_283 = arith.constant 0 : i32
      %dma_wait3A_284 = arith.constant 0 : i32
      %dma_wait3A_285 = tpu.memref_slice %arg12[%dma_wait3A_283, %dma_wait3A_284] : memref<10240x128xf32, #tpu.memory_space<vmem_shared>> -> memref<10240x128xf32, #tpu.memory_space<vmem_shared>>
      tpu.wait_indirect_dma semaphore(%arg18 : memref<!tpu.dma_semaphore, #tpu.memory_space<semaphore_mem>>) src(%arg11 : memref<80x128xf32, #tpu.memory_space<vmem>>) dst(%dma_wait3A_285 : memref<10240x128xf32, #tpu.memory_space<vmem_shared>>)
      %mul3A_286 = arith.constant 80 : i32
      %mul3A_287 = arith.muli %add3A_277, %mul3A_286 : i32
      %dma_start3A_288 = tpu.memref_slice %arg7[%mul3A_287] : memref<5120xi32, #tpu.memory_space<vmem>> -> memref<80xi32, #tpu.memory_space<vmem>>
      %dma_start3A_289 = arith.constant 0 : i32
      %dma_start3A_290 = arith.constant 0 : i32
      %dma_start3A_291 = tpu.memref_slice %arg2[%dma_start3A_289, %dma_start3A_290] : memref<10240x128xf32, #tpu.memory_space<hbm>> -> memref<10240x128xf32, #tpu.memory_space<hbm>>
      tpu.enqueue_indirect_dma source(%dma_start3A_291 : memref<10240x128xf32, #tpu.memory_space<hbm>>) target(%arg11 : memref<80x128xf32, #tpu.memory_space<vmem>>) offsets(%dma_start3A_288 : memref<80xi32, #tpu.memory_space<vmem>>) semaphore(%arg15 : memref<!tpu.dma_semaphore, #tpu.memory_space<semaphore_mem>>)
      %sub3A_292 = arith.constant 2 : i32
      %sub3A_293 = arith.subi %add3A_277, %sub3A_292 : i32
      %mul3A_294 = arith.constant 80 : i32
      %mul3A_295 = arith.muli %sub3A_293, %mul3A_294 : i32
      %dma_wait3A_296 = tpu.memref_slice %arg7[%mul3A_295] : memref<5120xi32, #tpu.memory_space<vmem>> -> memref<80xi32, #tpu.memory_space<vmem>>
      %dma_wait3A_297 = arith.constant 0 : i32
      %dma_wait3A_298 = arith.constant 0 : i32
      %dma_wait3A_299 = tpu.memref_slice %arg2[%dma_wait3A_297, %dma_wait3A_298] : memref<10240x128xf32, #tpu.memory_space<hbm>> -> memref<10240x128xf32, #tpu.memory_space<hbm>>
      tpu.wait_indirect_dma semaphore(%arg13 : memref<!tpu.dma_semaphore, #tpu.memory_space<semaphore_mem>>) src(%dma_wait3A_299 : memref<10240x128xf32, #tpu.memory_space<hbm>>) dst(%arg9 : memref<80x128xf32, #tpu.memory_space<vmem>>)
      %sub3A_300 = arith.constant 2 : i32
      %sub3A_301 = arith.subi %add3A_277, %sub3A_300 : i32
      %dma_start3A_302 = arith.constant 0 : i32
      %dma_start3A_303 = tpu.memref_slice %arg8[%sub3A_301, %dma_start3A_302] : memref<64x80xi32, #tpu.memory_space<vmem>> -> memref<1x80xi32, #tpu.memory_space<vmem>>
      %dma_start3A_304 = tpu.memref_squeeze %dma_start3A_303 : memref<1x80xi32, #tpu.memory_space<vmem>> -> memref<80xi32, #tpu.memory_space<vmem>>
      %dma_start3A_305 = arith.constant 0 : i32
      %dma_start3A_306 = arith.constant 0 : i32
      %dma_start3A_307 = tpu.memref_slice %arg12[%dma_start3A_305, %dma_start3A_306] : memref<10240x128xf32, #tpu.memory_space<vmem_shared>> -> memref<10240x128xf32, #tpu.memory_space<vmem_shared>>
      tpu.enqueue_indirect_dma source(%arg9 : memref<80x128xf32, #tpu.memory_space<vmem>>) target(%dma_start3A_307 : memref<10240x128xf32, #tpu.memory_space<vmem_shared>>) offsets(%dma_start3A_304 : memref<80xi32, #tpu.memory_space<vmem>>) semaphore(%arg16 : memref<!tpu.dma_semaphore, #tpu.memory_space<semaphore_mem>>) {add = true}
    }
    %scan3A_31 = arith.constant 20 : i32
    %dma_wait3A_32 = arith.constant 60 : i32
    %dma_wait3A_33 = arith.constant 0 : i32
    %dma_wait3A_34 = tpu.memref_slice %arg8[%dma_wait3A_32, %dma_wait3A_33] : memref<64x80xi32, #tpu.memory_space<vmem>> -> memref<1x80xi32, #tpu.memory_space<vmem>>
    %dma_wait3A_35 = tpu.memref_squeeze %dma_wait3A_34 : memref<1x80xi32, #tpu.memory_space<vmem>> -> memref<80xi32, #tpu.memory_space<vmem>>
    %dma_wait3A_36 = arith.constant 0 : i32
    %dma_wait3A_37 = arith.constant 0 : i32
    %dma_wait3A_38 = tpu.memref_slice %arg12[%dma_wait3A_36, %dma_wait3A_37] : memref<10240x128xf32, #tpu.memory_space<vmem_shared>> -> memref<10240x128xf32, #tpu.memory_space<vmem_shared>>
    tpu.wait_indirect_dma semaphore(%arg16 : memref<!tpu.dma_semaphore, #tpu.memory_space<semaphore_mem>>) src(%arg9 : memref<80x128xf32, #tpu.memory_space<vmem>>) dst(%dma_wait3A_38 : memref<10240x128xf32, #tpu.memory_space<vmem_shared>>)
    %dma_start3A_39 = arith.constant 5040 : i32
    %dma_start3A_40 = tpu.memref_slice %arg7[%dma_start3A_39] : memref<5120xi32, #tpu.memory_space<vmem>> -> memref<80xi32, #tpu.memory_space<vmem>>
    %dma_start3A_41 = arith.constant 0 : i32
    %dma_start3A_42 = arith.constant 0 : i32
    %dma_start3A_43 = tpu.memref_slice %arg2[%dma_start3A_41, %dma_start3A_42] : memref<10240x128xf32, #tpu.memory_space<hbm>> -> memref<10240x128xf32, #tpu.memory_space<hbm>>
    tpu.enqueue_indirect_dma source(%dma_start3A_43 : memref<10240x128xf32, #tpu.memory_space<hbm>>) target(%arg9 : memref<80x128xf32, #tpu.memory_space<vmem>>) offsets(%dma_start3A_40 : memref<80xi32, #tpu.memory_space<vmem>>) semaphore(%arg13 : memref<!tpu.dma_semaphore, #tpu.memory_space<semaphore_mem>>)
    %dma_wait3A_44 = arith.constant 4880 : i32
    %dma_wait3A_45 = tpu.memref_slice %arg7[%dma_wait3A_44] : memref<5120xi32, #tpu.memory_space<vmem>> -> memref<80xi32, #tpu.memory_space<vmem>>
    %dma_wait3A_46 = arith.constant 0 : i32
    %dma_wait3A_47 = arith.constant 0 : i32
    %dma_wait3A_48 = tpu.memref_slice %arg2[%dma_wait3A_46, %dma_wait3A_47] : memref<10240x128xf32, #tpu.memory_space<hbm>> -> memref<10240x128xf32, #tpu.memory_space<hbm>>
    tpu.wait_indirect_dma semaphore(%arg14 : memref<!tpu.dma_semaphore, #tpu.memory_space<semaphore_mem>>) src(%dma_wait3A_48 : memref<10240x128xf32, #tpu.memory_space<hbm>>) dst(%arg10 : memref<80x128xf32, #tpu.memory_space<vmem>>)
    %dma_start3A_49 = arith.constant 61 : i32
    %dma_start3A_50 = arith.constant 0 : i32
    %dma_start3A_51 = tpu.memref_slice %arg8[%dma_start3A_49, %dma_start3A_50] : memref<64x80xi32, #tpu.memory_space<vmem>> -> memref<1x80xi32, #tpu.memory_space<vmem>>
    %dma_start3A_52 = tpu.memref_squeeze %dma_start3A_51 : memref<1x80xi32, #tpu.memory_space<vmem>> -> memref<80xi32, #tpu.memory_space<vmem>>
    %dma_start3A_53 = arith.constant 0 : i32
    %dma_start3A_54 = arith.constant 0 : i32
    %dma_start3A_55 = tpu.memref_slice %arg12[%dma_start3A_53, %dma_start3A_54] : memref<10240x128xf32, #tpu.memory_space<vmem_shared>> -> memref<10240x128xf32, #tpu.memory_space<vmem_shared>>
    tpu.enqueue_indirect_dma source(%arg10 : memref<80x128xf32, #tpu.memory_space<vmem>>) target(%dma_start3A_55 : memref<10240x128xf32, #tpu.memory_space<vmem_shared>>) offsets(%dma_start3A_52 : memref<80xi32, #tpu.memory_space<vmem>>) semaphore(%arg17 : memref<!tpu.dma_semaphore, #tpu.memory_space<semaphore_mem>>) {add = true}
    %dma_wait3A_56 = arith.constant 4960 : i32
    %dma_wait3A_57 = tpu.memref_slice %arg7[%dma_wait3A_56] : memref<5120xi32, #tpu.memory_space<vmem>> -> memref<80xi32, #tpu.memory_space<vmem>>
    %dma_wait3A_58 = arith.constant 0 : i32
    %dma_wait3A_59 = arith.constant 0 : i32
    %dma_wait3A_60 = tpu.memref_slice %arg2[%dma_wait3A_58, %dma_wait3A_59] : memref<10240x128xf32, #tpu.memory_space<hbm>> -> memref<10240x128xf32, #tpu.memory_space<hbm>>
    tpu.wait_indirect_dma semaphore(%arg15 : memref<!tpu.dma_semaphore, #tpu.memory_space<semaphore_mem>>) src(%dma_wait3A_60 : memref<10240x128xf32, #tpu.memory_space<hbm>>) dst(%arg11 : memref<80x128xf32, #tpu.memory_space<vmem>>)
    %dma_start3A_61 = arith.constant 62 : i32
    %dma_start3A_62 = arith.constant 0 : i32
    %dma_start3A_63 = tpu.memref_slice %arg8[%dma_start3A_61, %dma_start3A_62] : memref<64x80xi32, #tpu.memory_space<vmem>> -> memref<1x80xi32, #tpu.memory_space<vmem>>
    %dma_start3A_64 = tpu.memref_squeeze %dma_start3A_63 : memref<1x80xi32, #tpu.memory_space<vmem>> -> memref<80xi32, #tpu.memory_space<vmem>>
    %dma_start3A_65 = arith.constant 0 : i32
    %dma_start3A_66 = arith.constant 0 : i32
    %dma_start3A_67 = tpu.memref_slice %arg12[%dma_start3A_65, %dma_start3A_66] : memref<10240x128xf32, #tpu.memory_space<vmem_shared>> -> memref<10240x128xf32, #tpu.memory_space<vmem_shared>>
    tpu.enqueue_indirect_dma source(%arg11 : memref<80x128xf32, #tpu.memory_space<vmem>>) target(%dma_start3A_67 : memref<10240x128xf32, #tpu.memory_space<vmem_shared>>) offsets(%dma_start3A_64 : memref<80xi32, #tpu.memory_space<vmem>>) semaphore(%arg18 : memref<!tpu.dma_semaphore, #tpu.memory_space<semaphore_mem>>) {add = true}
    %dma_wait3A_68 = arith.constant 5040 : i32
    %dma_wait3A_69 = tpu.memref_slice %arg7[%dma_wait3A_68] : memref<5120xi32, #tpu.memory_space<vmem>> -> memref<80xi32, #tpu.memory_space<vmem>>
    %dma_wait3A_70 = arith.constant 0 : i32
    %dma_wait3A_71 = arith.constant 0 : i32
    %dma_wait3A_72 = tpu.memref_slice %arg2[%dma_wait3A_70, %dma_wait3A_71] : memref<10240x128xf32, #tpu.memory_space<hbm>> -> memref<10240x128xf32, #tpu.memory_space<hbm>>
    tpu.wait_indirect_dma semaphore(%arg13 : memref<!tpu.dma_semaphore, #tpu.memory_space<semaphore_mem>>) src(%dma_wait3A_72 : memref<10240x128xf32, #tpu.memory_space<hbm>>) dst(%arg9 : memref<80x128xf32, #tpu.memory_space<vmem>>)
    %dma_start3A_73 = arith.constant 63 : i32
    %dma_start3A_74 = arith.constant 0 : i32
    %dma_start3A_75 = tpu.memref_slice %arg8[%dma_start3A_73, %dma_start3A_74] : memref<64x80xi32, #tpu.memory_space<vmem>> -> memref<1x80xi32, #tpu.memory_space<vmem>>
    %dma_start3A_76 = tpu.memref_squeeze %dma_start3A_75 : memref<1x80xi32, #tpu.memory_space<vmem>> -> memref<80xi32, #tpu.memory_space<vmem>>
    %dma_start3A_77 = arith.constant 0 : i32
    %dma_start3A_78 = arith.constant 0 : i32
    %dma_start3A_79 = tpu.memref_slice %arg12[%dma_start3A_77, %dma_start3A_78] : memref<10240x128xf32, #tpu.memory_space<vmem_shared>> -> memref<10240x128xf32, #tpu.memory_space<vmem_shared>>
    tpu.enqueue_indirect_dma source(%arg9 : memref<80x128xf32, #tpu.memory_space<vmem>>) target(%dma_start3A_79 : memref<10240x128xf32, #tpu.memory_space<vmem_shared>>) offsets(%dma_start3A_76 : memref<80xi32, #tpu.memory_space<vmem>>) semaphore(%arg16 : memref<!tpu.dma_semaphore, #tpu.memory_space<semaphore_mem>>) {add = true}
    %dma_wait3A_80 = arith.constant 61 : i32
    %dma_wait3A_81 = arith.constant 0 : i32
    %dma_wait3A_82 = tpu.memref_slice %arg8[%dma_wait3A_80, %dma_wait3A_81] : memref<64x80xi32, #tpu.memory_space<vmem>> -> memref<1x80xi32, #tpu.memory_space<vmem>>
    %dma_wait3A_83 = tpu.memref_squeeze %dma_wait3A_82 : memref<1x80xi32, #tpu.memory_space<vmem>> -> memref<80xi32, #tpu.memory_space<vmem>>
    %dma_wait3A_84 = arith.constant 0 : i32
    %dma_wait3A_85 = arith.constant 0 : i32
    %dma_wait3A_86 = tpu.memref_slice %arg12[%dma_wait3A_84, %dma_wait3A_85] : memref<10240x128xf32, #tpu.memory_space<vmem_shared>> -> memref<10240x128xf32, #tpu.memory_space<vmem_shared>>
    tpu.wait_indirect_dma semaphore(%arg17 : memref<!tpu.dma_semaphore, #tpu.memory_space<semaphore_mem>>) src(%arg10 : memref<80x128xf32, #tpu.memory_space<vmem>>) dst(%dma_wait3A_86 : memref<10240x128xf32, #tpu.memory_space<vmem_shared>>)
    %dma_wait3A_87 = arith.constant 62 : i32
    %dma_wait3A_88 = arith.constant 0 : i32
    %dma_wait3A_89 = tpu.memref_slice %arg8[%dma_wait3A_87, %dma_wait3A_88] : memref<64x80xi32, #tpu.memory_space<vmem>> -> memref<1x80xi32, #tpu.memory_space<vmem>>
    %dma_wait3A_90 = tpu.memref_squeeze %dma_wait3A_89 : memref<1x80xi32, #tpu.memory_space<vmem>> -> memref<80xi32, #tpu.memory_space<vmem>>
    %dma_wait3A_91 = arith.constant 0 : i32
    %dma_wait3A_92 = arith.constant 0 : i32
    %dma_wait3A_93 = tpu.memref_slice %arg12[%dma_wait3A_91, %dma_wait3A_92] : memref<10240x128xf32, #tpu.memory_space<vmem_shared>> -> memref<10240x128xf32, #tpu.memory_space<vmem_shared>>
    tpu.wait_indirect_dma semaphore(%arg18 : memref<!tpu.dma_semaphore, #tpu.memory_space<semaphore_mem>>) src(%arg11 : memref<80x128xf32, #tpu.memory_space<vmem>>) dst(%dma_wait3A_93 : memref<10240x128xf32, #tpu.memory_space<vmem_shared>>)
    %dma_wait3A_94 = arith.constant 63 : i32
    %dma_wait3A_95 = arith.constant 0 : i32
    %dma_wait3A_96 = tpu.memref_slice %arg8[%dma_wait3A_94, %dma_wait3A_95] : memref<64x80xi32, #tpu.memory_space<vmem>> -> memref<1x80xi32, #tpu.memory_space<vmem>>
    %dma_wait3A_97 = tpu.memref_squeeze %dma_wait3A_96 : memref<1x80xi32, #tpu.memory_space<vmem>> -> memref<80xi32, #tpu.memory_space<vmem>>
    %dma_wait3A_98 = arith.constant 0 : i32
    %dma_wait3A_99 = arith.constant 0 : i32
    %dma_wait3A_100 = tpu.memref_slice %arg12[%dma_wait3A_98, %dma_wait3A_99] : memref<10240x128xf32, #tpu.memory_space<vmem_shared>> -> memref<10240x128xf32, #tpu.memory_space<vmem_shared>>
    tpu.wait_indirect_dma semaphore(%arg16 : memref<!tpu.dma_semaphore, #tpu.memory_space<semaphore_mem>>) src(%arg9 : memref<80x128xf32, #tpu.memory_space<vmem>>) dst(%dma_wait3A_100 : memref<10240x128xf32, #tpu.memory_space<vmem_shared>>)
    "tpu.region"() ({
      %run_scoped3A_208 = tpu.sem_alloc : memref<!tpu.dma_semaphore, #tpu.memory_space<semaphore_mem>>
      %dma_start3A_209 = arith.constant 5120 : i32
      %dma_start3A_210 = tpu.memref_slice %arg3[%add3A, %dma_start3A_209] : memref<32x10240xi32, #tpu.memory_space<hbm>> -> memref<1x5120xi32, #tpu.memory_space<hbm>>
      %dma_start3A_211 = tpu.memref_squeeze %dma_start3A_210 : memref<1x5120xi32, #tpu.memory_space<hbm>> -> memref<5120xi32, #tpu.memory_space<hbm>>
      %dma_start3A_212 = arith.constant 5120 : i32
      %dma_start3A_213 = tpu.memref_slice %arg3[%add3A, %dma_start3A_212] : memref<32x10240xi32, #tpu.memory_space<hbm>> -> memref<1x5120xi32, #tpu.memory_space<hbm>>
      %dma_start3A_214 = tpu.memref_squeeze %dma_start3A_213 : memref<1x5120xi32, #tpu.memory_space<hbm>> -> memref<5120xi32, #tpu.memory_space<hbm>>
      tpu.enqueue_dma source(%dma_start3A_214 : memref<5120xi32, #tpu.memory_space<hbm>>) target(%arg7 : memref<5120xi32, #tpu.memory_space<vmem>>) target_semaphore(%run_scoped3A_208 : memref<!tpu.dma_semaphore, #tpu.memory_space<semaphore_mem>>)
      %dma_wait3A_215 = arith.constant 5120 : i32
      %dma_wait3A_216 = tpu.memref_slice %arg3[%add3A, %dma_wait3A_215] : memref<32x10240xi32, #tpu.memory_space<hbm>> -> memref<1x5120xi32, #tpu.memory_space<hbm>>
      %dma_wait3A_217 = tpu.memref_squeeze %dma_wait3A_216 : memref<1x5120xi32, #tpu.memory_space<hbm>> -> memref<5120xi32, #tpu.memory_space<hbm>>
      %dma_wait3A_218 = arith.constant 5120 : i32
      %dma_wait3A_219 = tpu.memref_slice %arg3[%add3A, %dma_wait3A_218] : memref<32x10240xi32, #tpu.memory_space<hbm>> -> memref<1x5120xi32, #tpu.memory_space<hbm>>
      %dma_wait3A_220 = tpu.memref_squeeze %dma_wait3A_219 : memref<1x5120xi32, #tpu.memory_space<hbm>> -> memref<5120xi32, #tpu.memory_space<hbm>>
      tpu.wait_dma2 semaphore(%run_scoped3A_208 : memref<!tpu.dma_semaphore, #tpu.memory_space<semaphore_mem>>) src(%dma_wait3A_220 : memref<5120xi32, #tpu.memory_space<hbm>>) dst(%arg7 : memref<5120xi32, #tpu.memory_space<vmem>>)
      tpu.yield
    }) : () -> ()
    %run_scoped3A_101 = arith.constant 1 : i32
    "tpu.region"() ({
      %run_scoped3A_208 = tpu.sem_alloc : memref<!tpu.dma_semaphore, #tpu.memory_space<semaphore_mem>>
      %dma_start3A_209 = arith.constant 0 : i32
      %dma_start3A_210 = arith.constant 0 : i32
      %dma_start3A_211 = tpu.memref_slice %arg4[%add3A, %run_scoped3A_101, %dma_start3A_209, %dma_start3A_210] : memref<32x2x64x80xi32, #tpu.memory_space<hbm>> -> memref<1x1x64x80xi32, #tpu.memory_space<hbm>>
      %dma_start3A_212 = tpu.memref_squeeze %dma_start3A_211 : memref<1x1x64x80xi32, #tpu.memory_space<hbm>> -> memref<64x80xi32, #tpu.memory_space<hbm>>
      %dma_start3A_213 = arith.constant 0 : i32
      %dma_start3A_214 = arith.constant 0 : i32
      %dma_start3A_215 = tpu.memref_slice %arg4[%add3A, %run_scoped3A_101, %dma_start3A_213, %dma_start3A_214] : memref<32x2x64x80xi32, #tpu.memory_space<hbm>> -> memref<1x1x64x80xi32, #tpu.memory_space<hbm>>
      %dma_start3A_216 = tpu.memref_squeeze %dma_start3A_215 : memref<1x1x64x80xi32, #tpu.memory_space<hbm>> -> memref<64x80xi32, #tpu.memory_space<hbm>>
      tpu.enqueue_dma source(%dma_start3A_216 : memref<64x80xi32, #tpu.memory_space<hbm>>) target(%arg8 : memref<64x80xi32, #tpu.memory_space<vmem>>) target_semaphore(%run_scoped3A_208 : memref<!tpu.dma_semaphore, #tpu.memory_space<semaphore_mem>>)
      %dma_wait3A_217 = arith.constant 0 : i32
      %dma_wait3A_218 = arith.constant 0 : i32
      %dma_wait3A_219 = tpu.memref_slice %arg4[%add3A, %run_scoped3A_101, %dma_wait3A_217, %dma_wait3A_218] : memref<32x2x64x80xi32, #tpu.memory_space<hbm>> -> memref<1x1x64x80xi32, #tpu.memory_space<hbm>>
      %dma_wait3A_220 = tpu.memref_squeeze %dma_wait3A_219 : memref<1x1x64x80xi32, #tpu.memory_space<hbm>> -> memref<64x80xi32, #tpu.memory_space<hbm>>
      %dma_wait3A_221 = arith.constant 0 : i32
      %dma_wait3A_222 = arith.constant 0 : i32
      %dma_wait3A_223 = tpu.memref_slice %arg4[%add3A, %run_scoped3A_101, %dma_wait3A_221, %dma_wait3A_222] : memref<32x2x64x80xi32, #tpu.memory_space<hbm>> -> memref<1x1x64x80xi32, #tpu.memory_space<hbm>>
      %dma_wait3A_224 = tpu.memref_squeeze %dma_wait3A_223 : memref<1x1x64x80xi32, #tpu.memory_space<hbm>> -> memref<64x80xi32, #tpu.memory_space<hbm>>
      tpu.wait_dma2 semaphore(%run_scoped3A_208 : memref<!tpu.dma_semaphore, #tpu.memory_space<semaphore_mem>>) src(%dma_wait3A_224 : memref<64x80xi32, #tpu.memory_space<hbm>>) dst(%arg8 : memref<64x80xi32, #tpu.memory_space<vmem>>)
      tpu.yield
    }) : () -> ()
    %dma_start3A_102 = arith.constant 0 : i32
    %dma_start3A_103 = tpu.memref_slice %arg7[%dma_start3A_102] : memref<5120xi32, #tpu.memory_space<vmem>> -> memref<80xi32, #tpu.memory_space<vmem>>
    %dma_start3A_104 = arith.constant 0 : i32
    %dma_start3A_105 = arith.constant 0 : i32
    %dma_start3A_106 = tpu.memref_slice %arg2[%dma_start3A_104, %dma_start3A_105] : memref<10240x128xf32, #tpu.memory_space<hbm>> -> memref<10240x128xf32, #tpu.memory_space<hbm>>
    tpu.enqueue_indirect_dma source(%dma_start3A_106 : memref<10240x128xf32, #tpu.memory_space<hbm>>) target(%arg9 : memref<80x128xf32, #tpu.memory_space<vmem>>) offsets(%dma_start3A_103 : memref<80xi32, #tpu.memory_space<vmem>>) semaphore(%arg13 : memref<!tpu.dma_semaphore, #tpu.memory_space<semaphore_mem>>)
    %dma_start3A_107 = arith.constant 80 : i32
    %dma_start3A_108 = tpu.memref_slice %arg7[%dma_start3A_107] : memref<5120xi32, #tpu.memory_space<vmem>> -> memref<80xi32, #tpu.memory_space<vmem>>
    %dma_start3A_109 = arith.constant 0 : i32
    %dma_start3A_110 = arith.constant 0 : i32
    %dma_start3A_111 = tpu.memref_slice %arg2[%dma_start3A_109, %dma_start3A_110] : memref<10240x128xf32, #tpu.memory_space<hbm>> -> memref<10240x128xf32, #tpu.memory_space<hbm>>
    tpu.enqueue_indirect_dma source(%dma_start3A_111 : memref<10240x128xf32, #tpu.memory_space<hbm>>) target(%arg10 : memref<80x128xf32, #tpu.memory_space<vmem>>) offsets(%dma_start3A_108 : memref<80xi32, #tpu.memory_space<vmem>>) semaphore(%arg14 : memref<!tpu.dma_semaphore, #tpu.memory_space<semaphore_mem>>)
    %dma_start3A_112 = arith.constant 160 : i32
    %dma_start3A_113 = tpu.memref_slice %arg7[%dma_start3A_112] : memref<5120xi32, #tpu.memory_space<vmem>> -> memref<80xi32, #tpu.memory_space<vmem>>
    %dma_start3A_114 = arith.constant 0 : i32
    %dma_start3A_115 = arith.constant 0 : i32
    %dma_start3A_116 = tpu.memref_slice %arg2[%dma_start3A_114, %dma_start3A_115] : memref<10240x128xf32, #tpu.memory_space<hbm>> -> memref<10240x128xf32, #tpu.memory_space<hbm>>
    tpu.enqueue_indirect_dma source(%dma_start3A_116 : memref<10240x128xf32, #tpu.memory_space<hbm>>) target(%arg11 : memref<80x128xf32, #tpu.memory_space<vmem>>) offsets(%dma_start3A_113 : memref<80xi32, #tpu.memory_space<vmem>>) semaphore(%arg15 : memref<!tpu.dma_semaphore, #tpu.memory_space<semaphore_mem>>)
    %dma_wait3A_117 = arith.constant 0 : i32
    %dma_wait3A_118 = tpu.memref_slice %arg7[%dma_wait3A_117] : memref<5120xi32, #tpu.memory_space<vmem>> -> memref<80xi32, #tpu.memory_space<vmem>>
    %dma_wait3A_119 = arith.constant 0 : i32
    %dma_wait3A_120 = arith.constant 0 : i32
    %dma_wait3A_121 = tpu.memref_slice %arg2[%dma_wait3A_119, %dma_wait3A_120] : memref<10240x128xf32, #tpu.memory_space<hbm>> -> memref<10240x128xf32, #tpu.memory_space<hbm>>
    tpu.wait_indirect_dma semaphore(%arg13 : memref<!tpu.dma_semaphore, #tpu.memory_space<semaphore_mem>>) src(%dma_wait3A_121 : memref<10240x128xf32, #tpu.memory_space<hbm>>) dst(%arg9 : memref<80x128xf32, #tpu.memory_space<vmem>>)
    %dma_start3A_122 = arith.constant 0 : i32
    %dma_start3A_123 = arith.constant 0 : i32
    %dma_start3A_124 = tpu.memref_slice %arg8[%dma_start3A_122, %dma_start3A_123] : memref<64x80xi32, #tpu.memory_space<vmem>> -> memref<1x80xi32, #tpu.memory_space<vmem>>
    %dma_start3A_125 = tpu.memref_squeeze %dma_start3A_124 : memref<1x80xi32, #tpu.memory_space<vmem>> -> memref<80xi32, #tpu.memory_space<vmem>>
    %dma_start3A_126 = arith.constant 0 : i32
    %dma_start3A_127 = arith.constant 0 : i32
    %dma_start3A_128 = tpu.memref_slice %arg12[%dma_start3A_126, %dma_start3A_127] : memref<10240x128xf32, #tpu.memory_space<vmem_shared>> -> memref<10240x128xf32, #tpu.memory_space<vmem_shared>>
    tpu.enqueue_indirect_dma source(%arg9 : memref<80x128xf32, #tpu.memory_space<vmem>>) target(%dma_start3A_128 : memref<10240x128xf32, #tpu.memory_space<vmem_shared>>) offsets(%dma_start3A_125 : memref<80xi32, #tpu.memory_space<vmem>>) semaphore(%arg16 : memref<!tpu.dma_semaphore, #tpu.memory_space<semaphore_mem>>) {add = true}
    %scan3A_129 = arith.constant 0 : i32
    %scan3A_130 = arith.constant 20 : i32
    %scan3A_131 = arith.addi %scan3A_129, %scan3A_130 : i32
    %scan3A_132 = arith.constant 1 : i32
    scf.for %scan3A_208 = %scan3A_129 to %scan3A_131 step %scan3A_132  : i32 {
      %mul3A_209 = arith.constant 3 : i32
      %mul3A_210 = arith.muli %scan3A_208, %mul3A_209 : i32
      %add3A_211 = arith.constant 3 : i32
      %add3A_212 = arith.addi %add3A_211, %mul3A_210 : i32
      %add3A_213 = arith.constant 0 : i32
      %add3A_214 = arith.addi %add3A_212, %add3A_213 : i32
      %sub3A = arith.constant 3 : i32
      %sub3A_215 = arith.subi %add3A_214, %sub3A : i32
      %dma_wait3A_216 = arith.constant 0 : i32
      %dma_wait3A_217 = tpu.memref_slice %arg8[%sub3A_215, %dma_wait3A_216] : memref<64x80xi32, #tpu.memory_space<vmem>> -> memref<1x80xi32, #tpu.memory_space<vmem>>
      %dma_wait3A_218 = tpu.memref_squeeze %dma_wait3A_217 : memref<1x80xi32, #tpu.memory_space<vmem>> -> memref<80xi32, #tpu.memory_space<vmem>>
      %dma_wait3A_219 = arith.constant 0 : i32
      %dma_wait3A_220 = arith.constant 0 : i32
      %dma_wait3A_221 = tpu.memref_slice %arg12[%dma_wait3A_219, %dma_wait3A_220] : memref<10240x128xf32, #tpu.memory_space<vmem_shared>> -> memref<10240x128xf32, #tpu.memory_space<vmem_shared>>
      tpu.wait_indirect_dma semaphore(%arg16 : memref<!tpu.dma_semaphore, #tpu.memory_space<semaphore_mem>>) src(%arg9 : memref<80x128xf32, #tpu.memory_space<vmem>>) dst(%dma_wait3A_221 : memref<10240x128xf32, #tpu.memory_space<vmem_shared>>)
      %mul3A_222 = arith.constant 80 : i32
      %mul3A_223 = arith.muli %add3A_214, %mul3A_222 : i32
      %dma_start3A_224 = tpu.memref_slice %arg7[%mul3A_223] : memref<5120xi32, #tpu.memory_space<vmem>> -> memref<80xi32, #tpu.memory_space<vmem>>
      %dma_start3A_225 = arith.constant 0 : i32
      %dma_start3A_226 = arith.constant 0 : i32
      %dma_start3A_227 = tpu.memref_slice %arg2[%dma_start3A_225, %dma_start3A_226] : memref<10240x128xf32, #tpu.memory_space<hbm>> -> memref<10240x128xf32, #tpu.memory_space<hbm>>
      tpu.enqueue_indirect_dma source(%dma_start3A_227 : memref<10240x128xf32, #tpu.memory_space<hbm>>) target(%arg9 : memref<80x128xf32, #tpu.memory_space<vmem>>) offsets(%dma_start3A_224 : memref<80xi32, #tpu.memory_space<vmem>>) semaphore(%arg13 : memref<!tpu.dma_semaphore, #tpu.memory_space<semaphore_mem>>)
      %sub3A_228 = arith.constant 2 : i32
      %sub3A_229 = arith.subi %add3A_214, %sub3A_228 : i32
      %mul3A_230 = arith.constant 80 : i32
      %mul3A_231 = arith.muli %sub3A_229, %mul3A_230 : i32
      %dma_wait3A_232 = tpu.memref_slice %arg7[%mul3A_231] : memref<5120xi32, #tpu.memory_space<vmem>> -> memref<80xi32, #tpu.memory_space<vmem>>
      %dma_wait3A_233 = arith.constant 0 : i32
      %dma_wait3A_234 = arith.constant 0 : i32
      %dma_wait3A_235 = tpu.memref_slice %arg2[%dma_wait3A_233, %dma_wait3A_234] : memref<10240x128xf32, #tpu.memory_space<hbm>> -> memref<10240x128xf32, #tpu.memory_space<hbm>>
      tpu.wait_indirect_dma semaphore(%arg14 : memref<!tpu.dma_semaphore, #tpu.memory_space<semaphore_mem>>) src(%dma_wait3A_235 : memref<10240x128xf32, #tpu.memory_space<hbm>>) dst(%arg10 : memref<80x128xf32, #tpu.memory_space<vmem>>)
      %sub3A_236 = arith.constant 2 : i32
      %sub3A_237 = arith.subi %add3A_214, %sub3A_236 : i32
      %dma_start3A_238 = arith.constant 0 : i32
      %dma_start3A_239 = tpu.memref_slice %arg8[%sub3A_237, %dma_start3A_238] : memref<64x80xi32, #tpu.memory_space<vmem>> -> memref<1x80xi32, #tpu.memory_space<vmem>>
      %dma_start3A_240 = tpu.memref_squeeze %dma_start3A_239 : memref<1x80xi32, #tpu.memory_space<vmem>> -> memref<80xi32, #tpu.memory_space<vmem>>
      %dma_start3A_241 = arith.constant 0 : i32
      %dma_start3A_242 = arith.constant 0 : i32
      %dma_start3A_243 = tpu.memref_slice %arg12[%dma_start3A_241, %dma_start3A_242] : memref<10240x128xf32, #tpu.memory_space<vmem_shared>> -> memref<10240x128xf32, #tpu.memory_space<vmem_shared>>
      tpu.enqueue_indirect_dma source(%arg10 : memref<80x128xf32, #tpu.memory_space<vmem>>) target(%dma_start3A_243 : memref<10240x128xf32, #tpu.memory_space<vmem_shared>>) offsets(%dma_start3A_240 : memref<80xi32, #tpu.memory_space<vmem>>) semaphore(%arg17 : memref<!tpu.dma_semaphore, #tpu.memory_space<semaphore_mem>>) {add = true}
      %add3A_244 = arith.constant 1 : i32
      %add3A_245 = arith.addi %add3A_212, %add3A_244 : i32
      %sub3A_246 = arith.constant 3 : i32
      %sub3A_247 = arith.subi %add3A_245, %sub3A_246 : i32
      %dma_wait3A_248 = arith.constant 0 : i32
      %dma_wait3A_249 = tpu.memref_slice %arg8[%sub3A_247, %dma_wait3A_248] : memref<64x80xi32, #tpu.memory_space<vmem>> -> memref<1x80xi32, #tpu.memory_space<vmem>>
      %dma_wait3A_250 = tpu.memref_squeeze %dma_wait3A_249 : memref<1x80xi32, #tpu.memory_space<vmem>> -> memref<80xi32, #tpu.memory_space<vmem>>
      %dma_wait3A_251 = arith.constant 0 : i32
      %dma_wait3A_252 = arith.constant 0 : i32
      %dma_wait3A_253 = tpu.memref_slice %arg12[%dma_wait3A_251, %dma_wait3A_252] : memref<10240x128xf32, #tpu.memory_space<vmem_shared>> -> memref<10240x128xf32, #tpu.memory_space<vmem_shared>>
      tpu.wait_indirect_dma semaphore(%arg17 : memref<!tpu.dma_semaphore, #tpu.memory_space<semaphore_mem>>) src(%arg10 : memref<80x128xf32, #tpu.memory_space<vmem>>) dst(%dma_wait3A_253 : memref<10240x128xf32, #tpu.memory_space<vmem_shared>>)
      %mul3A_254 = arith.constant 80 : i32
      %mul3A_255 = arith.muli %add3A_245, %mul3A_254 : i32
      %dma_start3A_256 = tpu.memref_slice %arg7[%mul3A_255] : memref<5120xi32, #tpu.memory_space<vmem>> -> memref<80xi32, #tpu.memory_space<vmem>>
      %dma_start3A_257 = arith.constant 0 : i32
      %dma_start3A_258 = arith.constant 0 : i32
      %dma_start3A_259 = tpu.memref_slice %arg2[%dma_start3A_257, %dma_start3A_258] : memref<10240x128xf32, #tpu.memory_space<hbm>> -> memref<10240x128xf32, #tpu.memory_space<hbm>>
      tpu.enqueue_indirect_dma source(%dma_start3A_259 : memref<10240x128xf32, #tpu.memory_space<hbm>>) target(%arg10 : memref<80x128xf32, #tpu.memory_space<vmem>>) offsets(%dma_start3A_256 : memref<80xi32, #tpu.memory_space<vmem>>) semaphore(%arg14 : memref<!tpu.dma_semaphore, #tpu.memory_space<semaphore_mem>>)
      %sub3A_260 = arith.constant 2 : i32
      %sub3A_261 = arith.subi %add3A_245, %sub3A_260 : i32
      %mul3A_262 = arith.constant 80 : i32
      %mul3A_263 = arith.muli %sub3A_261, %mul3A_262 : i32
      %dma_wait3A_264 = tpu.memref_slice %arg7[%mul3A_263] : memref<5120xi32, #tpu.memory_space<vmem>> -> memref<80xi32, #tpu.memory_space<vmem>>
      %dma_wait3A_265 = arith.constant 0 : i32
      %dma_wait3A_266 = arith.constant 0 : i32
      %dma_wait3A_267 = tpu.memref_slice %arg2[%dma_wait3A_265, %dma_wait3A_266] : memref<10240x128xf32, #tpu.memory_space<hbm>> -> memref<10240x128xf32, #tpu.memory_space<hbm>>
      tpu.wait_indirect_dma semaphore(%arg15 : memref<!tpu.dma_semaphore, #tpu.memory_space<semaphore_mem>>) src(%dma_wait3A_267 : memref<10240x128xf32, #tpu.memory_space<hbm>>) dst(%arg11 : memref<80x128xf32, #tpu.memory_space<vmem>>)
      %sub3A_268 = arith.constant 2 : i32
      %sub3A_269 = arith.subi %add3A_245, %sub3A_268 : i32
      %dma_start3A_270 = arith.constant 0 : i32
      %dma_start3A_271 = tpu.memref_slice %arg8[%sub3A_269, %dma_start3A_270] : memref<64x80xi32, #tpu.memory_space<vmem>> -> memref<1x80xi32, #tpu.memory_space<vmem>>
      %dma_start3A_272 = tpu.memref_squeeze %dma_start3A_271 : memref<1x80xi32, #tpu.memory_space<vmem>> -> memref<80xi32, #tpu.memory_space<vmem>>
      %dma_start3A_273 = arith.constant 0 : i32
      %dma_start3A_274 = arith.constant 0 : i32
      %dma_start3A_275 = tpu.memref_slice %arg12[%dma_start3A_273, %dma_start3A_274] : memref<10240x128xf32, #tpu.memory_space<vmem_shared>> -> memref<10240x128xf32, #tpu.memory_space<vmem_shared>>
      tpu.enqueue_indirect_dma source(%arg11 : memref<80x128xf32, #tpu.memory_space<vmem>>) target(%dma_start3A_275 : memref<10240x128xf32, #tpu.memory_space<vmem_shared>>) offsets(%dma_start3A_272 : memref<80xi32, #tpu.memory_space<vmem>>) semaphore(%arg18 : memref<!tpu.dma_semaphore, #tpu.memory_space<semaphore_mem>>) {add = true}
      %add3A_276 = arith.constant 2 : i32
      %add3A_277 = arith.addi %add3A_212, %add3A_276 : i32
      %sub3A_278 = arith.constant 3 : i32
      %sub3A_279 = arith.subi %add3A_277, %sub3A_278 : i32
      %dma_wait3A_280 = arith.constant 0 : i32
      %dma_wait3A_281 = tpu.memref_slice %arg8[%sub3A_279, %dma_wait3A_280] : memref<64x80xi32, #tpu.memory_space<vmem>> -> memref<1x80xi32, #tpu.memory_space<vmem>>
      %dma_wait3A_282 = tpu.memref_squeeze %dma_wait3A_281 : memref<1x80xi32, #tpu.memory_space<vmem>> -> memref<80xi32, #tpu.memory_space<vmem>>
      %dma_wait3A_283 = arith.constant 0 : i32
      %dma_wait3A_284 = arith.constant 0 : i32
      %dma_wait3A_285 = tpu.memref_slice %arg12[%dma_wait3A_283, %dma_wait3A_284] : memref<10240x128xf32, #tpu.memory_space<vmem_shared>> -> memref<10240x128xf32, #tpu.memory_space<vmem_shared>>
      tpu.wait_indirect_dma semaphore(%arg18 : memref<!tpu.dma_semaphore, #tpu.memory_space<semaphore_mem>>) src(%arg11 : memref<80x128xf32, #tpu.memory_space<vmem>>) dst(%dma_wait3A_285 : memref<10240x128xf32, #tpu.memory_space<vmem_shared>>)
      %mul3A_286 = arith.constant 80 : i32
      %mul3A_287 = arith.muli %add3A_277, %mul3A_286 : i32
      %dma_start3A_288 = tpu.memref_slice %arg7[%mul3A_287] : memref<5120xi32, #tpu.memory_space<vmem>> -> memref<80xi32, #tpu.memory_space<vmem>>
      %dma_start3A_289 = arith.constant 0 : i32
      %dma_start3A_290 = arith.constant 0 : i32
      %dma_start3A_291 = tpu.memref_slice %arg2[%dma_start3A_289, %dma_start3A_290] : memref<10240x128xf32, #tpu.memory_space<hbm>> -> memref<10240x128xf32, #tpu.memory_space<hbm>>
      tpu.enqueue_indirect_dma source(%dma_start3A_291 : memref<10240x128xf32, #tpu.memory_space<hbm>>) target(%arg11 : memref<80x128xf32, #tpu.memory_space<vmem>>) offsets(%dma_start3A_288 : memref<80xi32, #tpu.memory_space<vmem>>) semaphore(%arg15 : memref<!tpu.dma_semaphore, #tpu.memory_space<semaphore_mem>>)
      %sub3A_292 = arith.constant 2 : i32
      %sub3A_293 = arith.subi %add3A_277, %sub3A_292 : i32
      %mul3A_294 = arith.constant 80 : i32
      %mul3A_295 = arith.muli %sub3A_293, %mul3A_294 : i32
      %dma_wait3A_296 = tpu.memref_slice %arg7[%mul3A_295] : memref<5120xi32, #tpu.memory_space<vmem>> -> memref<80xi32, #tpu.memory_space<vmem>>
      %dma_wait3A_297 = arith.constant 0 : i32
      %dma_wait3A_298 = arith.constant 0 : i32
      %dma_wait3A_299 = tpu.memref_slice %arg2[%dma_wait3A_297, %dma_wait3A_298] : memref<10240x128xf32, #tpu.memory_space<hbm>> -> memref<10240x128xf32, #tpu.memory_space<hbm>>
      tpu.wait_indirect_dma semaphore(%arg13 : memref<!tpu.dma_semaphore, #tpu.memory_space<semaphore_mem>>) src(%dma_wait3A_299 : memref<10240x128xf32, #tpu.memory_space<hbm>>) dst(%arg9 : memref<80x128xf32, #tpu.memory_space<vmem>>)
      %sub3A_300 = arith.constant 2 : i32
      %sub3A_301 = arith.subi %add3A_277, %sub3A_300 : i32
      %dma_start3A_302 = arith.constant 0 : i32
      %dma_start3A_303 = tpu.memref_slice %arg8[%sub3A_301, %dma_start3A_302] : memref<64x80xi32, #tpu.memory_space<vmem>> -> memref<1x80xi32, #tpu.memory_space<vmem>>
      %dma_start3A_304 = tpu.memref_squeeze %dma_start3A_303 : memref<1x80xi32, #tpu.memory_space<vmem>> -> memref<80xi32, #tpu.memory_space<vmem>>
      %dma_start3A_305 = arith.constant 0 : i32
      %dma_start3A_306 = arith.constant 0 : i32
      %dma_start3A_307 = tpu.memref_slice %arg12[%dma_start3A_305, %dma_start3A_306] : memref<10240x128xf32, #tpu.memory_space<vmem_shared>> -> memref<10240x128xf32, #tpu.memory_space<vmem_shared>>
      tpu.enqueue_indirect_dma source(%arg9 : memref<80x128xf32, #tpu.memory_space<vmem>>) target(%dma_start3A_307 : memref<10240x128xf32, #tpu.memory_space<vmem_shared>>) offsets(%dma_start3A_304 : memref<80xi32, #tpu.memory_space<vmem>>) semaphore(%arg16 : memref<!tpu.dma_semaphore, #tpu.memory_space<semaphore_mem>>) {add = true}
    }
    %scan3A_133 = arith.constant 20 : i32
    %dma_wait3A_134 = arith.constant 60 : i32
    %dma_wait3A_135 = arith.constant 0 : i32
    %dma_wait3A_136 = tpu.memref_slice %arg8[%dma_wait3A_134, %dma_wait3A_135] : memref<64x80xi32, #tpu.memory_space<vmem>> -> memref<1x80xi32, #tpu.memory_space<vmem>>
    %dma_wait3A_137 = tpu.memref_squeeze %dma_wait3A_136 : memref<1x80xi32, #tpu.memory_space<vmem>> -> memref<80xi32, #tpu.memory_space<vmem>>
    %dma_wait3A_138 = arith.constant 0 : i32
    %dma_wait3A_139 = arith.constant 0 : i32
    %dma_wait3A_140 = tpu.memref_slice %arg12[%dma_wait3A_138, %dma_wait3A_139] : memref<10240x128xf32, #tpu.memory_space<vmem_shared>> -> memref<10240x128xf32, #tpu.memory_space<vmem_shared>>
    tpu.wait_indirect_dma semaphore(%arg16 : memref<!tpu.dma_semaphore, #tpu.memory_space<semaphore_mem>>) src(%arg9 : memref<80x128xf32, #tpu.memory_space<vmem>>) dst(%dma_wait3A_140 : memref<10240x128xf32, #tpu.memory_space<vmem_shared>>)
    %dma_start3A_141 = arith.constant 5040 : i32
    %dma_start3A_142 = tpu.memref_slice %arg7[%dma_start3A_141] : memref<5120xi32, #tpu.memory_space<vmem>> -> memref<80xi32, #tpu.memory_space<vmem>>
    %dma_start3A_143 = arith.constant 0 : i32
    %dma_start3A_144 = arith.constant 0 : i32
    %dma_start3A_145 = tpu.memref_slice %arg2[%dma_start3A_143, %dma_start3A_144] : memref<10240x128xf32, #tpu.memory_space<hbm>> -> memref<10240x128xf32, #tpu.memory_space<hbm>>
    tpu.enqueue_indirect_dma source(%dma_start3A_145 : memref<10240x128xf32, #tpu.memory_space<hbm>>) target(%arg9 : memref<80x128xf32, #tpu.memory_space<vmem>>) offsets(%dma_start3A_142 : memref<80xi32, #tpu.memory_space<vmem>>) semaphore(%arg13 : memref<!tpu.dma_semaphore, #tpu.memory_space<semaphore_mem>>)
    %dma_wait3A_146 = arith.constant 4880 : i32
    %dma_wait3A_147 = tpu.memref_slice %arg7[%dma_wait3A_146] : memref<5120xi32, #tpu.memory_space<vmem>> -> memref<80xi32, #tpu.memory_space<vmem>>
    %dma_wait3A_148 = arith.constant 0 : i32
    %dma_wait3A_149 = arith.constant 0 : i32
    %dma_wait3A_150 = tpu.memref_slice %arg2[%dma_wait3A_148, %dma_wait3A_149] : memref<10240x128xf32, #tpu.memory_space<hbm>> -> memref<10240x128xf32, #tpu.memory_space<hbm>>
    tpu.wait_indirect_dma semaphore(%arg14 : memref<!tpu.dma_semaphore, #tpu.memory_space<semaphore_mem>>) src(%dma_wait3A_150 : memref<10240x128xf32, #tpu.memory_space<hbm>>) dst(%arg10 : memref<80x128xf32, #tpu.memory_space<vmem>>)
    %dma_start3A_151 = arith.constant 61 : i32
    %dma_start3A_152 = arith.constant 0 : i32
    %dma_start3A_153 = tpu.memref_slice %arg8[%dma_start3A_151, %dma_start3A_152] : memref<64x80xi32, #tpu.memory_space<vmem>> -> memref<1x80xi32, #tpu.memory_space<vmem>>
    %dma_start3A_154 = tpu.memref_squeeze %dma_start3A_153 : memref<1x80xi32, #tpu.memory_space<vmem>> -> memref<80xi32, #tpu.memory_space<vmem>>
    %dma_start3A_155 = arith.constant 0 : i32
    %dma_start3A_156 = arith.constant 0 : i32
    %dma_start3A_157 = tpu.memref_slice %arg12[%dma_start3A_155, %dma_start3A_156] : memref<10240x128xf32, #tpu.memory_space<vmem_shared>> -> memref<10240x128xf32, #tpu.memory_space<vmem_shared>>
    tpu.enqueue_indirect_dma source(%arg10 : memref<80x128xf32, #tpu.memory_space<vmem>>) target(%dma_start3A_157 : memref<10240x128xf32, #tpu.memory_space<vmem_shared>>) offsets(%dma_start3A_154 : memref<80xi32, #tpu.memory_space<vmem>>) semaphore(%arg17 : memref<!tpu.dma_semaphore, #tpu.memory_space<semaphore_mem>>) {add = true}
    %dma_wait3A_158 = arith.constant 4960 : i32
    %dma_wait3A_159 = tpu.memref_slice %arg7[%dma_wait3A_158] : memref<5120xi32, #tpu.memory_space<vmem>> -> memref<80xi32, #tpu.memory_space<vmem>>
    %dma_wait3A_160 = arith.constant 0 : i32
    %dma_wait3A_161 = arith.constant 0 : i32
    %dma_wait3A_162 = tpu.memref_slice %arg2[%dma_wait3A_160, %dma_wait3A_161] : memref<10240x128xf32, #tpu.memory_space<hbm>> -> memref<10240x128xf32, #tpu.memory_space<hbm>>
    tpu.wait_indirect_dma semaphore(%arg15 : memref<!tpu.dma_semaphore, #tpu.memory_space<semaphore_mem>>) src(%dma_wait3A_162 : memref<10240x128xf32, #tpu.memory_space<hbm>>) dst(%arg11 : memref<80x128xf32, #tpu.memory_space<vmem>>)
    %dma_start3A_163 = arith.constant 62 : i32
    %dma_start3A_164 = arith.constant 0 : i32
    %dma_start3A_165 = tpu.memref_slice %arg8[%dma_start3A_163, %dma_start3A_164] : memref<64x80xi32, #tpu.memory_space<vmem>> -> memref<1x80xi32, #tpu.memory_space<vmem>>
    %dma_start3A_166 = tpu.memref_squeeze %dma_start3A_165 : memref<1x80xi32, #tpu.memory_space<vmem>> -> memref<80xi32, #tpu.memory_space<vmem>>
    %dma_start3A_167 = arith.constant 0 : i32
    %dma_start3A_168 = arith.constant 0 : i32
    %dma_start3A_169 = tpu.memref_slice %arg12[%dma_start3A_167, %dma_start3A_168] : memref<10240x128xf32, #tpu.memory_space<vmem_shared>> -> memref<10240x128xf32, #tpu.memory_space<vmem_shared>>
    tpu.enqueue_indirect_dma source(%arg11 : memref<80x128xf32, #tpu.memory_space<vmem>>) target(%dma_start3A_169 : memref<10240x128xf32, #tpu.memory_space<vmem_shared>>) offsets(%dma_start3A_166 : memref<80xi32, #tpu.memory_space<vmem>>) semaphore(%arg18 : memref<!tpu.dma_semaphore, #tpu.memory_space<semaphore_mem>>) {add = true}
    %dma_wait3A_170 = arith.constant 5040 : i32
    %dma_wait3A_171 = tpu.memref_slice %arg7[%dma_wait3A_170] : memref<5120xi32, #tpu.memory_space<vmem>> -> memref<80xi32, #tpu.memory_space<vmem>>
    %dma_wait3A_172 = arith.constant 0 : i32
    %dma_wait3A_173 = arith.constant 0 : i32
    %dma_wait3A_174 = tpu.memref_slice %arg2[%dma_wait3A_172, %dma_wait3A_173] : memref<10240x128xf32, #tpu.memory_space<hbm>> -> memref<10240x128xf32, #tpu.memory_space<hbm>>
    tpu.wait_indirect_dma semaphore(%arg13 : memref<!tpu.dma_semaphore, #tpu.memory_space<semaphore_mem>>) src(%dma_wait3A_174 : memref<10240x128xf32, #tpu.memory_space<hbm>>) dst(%arg9 : memref<80x128xf32, #tpu.memory_space<vmem>>)
    %dma_start3A_175 = arith.constant 63 : i32
    %dma_start3A_176 = arith.constant 0 : i32
    %dma_start3A_177 = tpu.memref_slice %arg8[%dma_start3A_175, %dma_start3A_176] : memref<64x80xi32, #tpu.memory_space<vmem>> -> memref<1x80xi32, #tpu.memory_space<vmem>>
    %dma_start3A_178 = tpu.memref_squeeze %dma_start3A_177 : memref<1x80xi32, #tpu.memory_space<vmem>> -> memref<80xi32, #tpu.memory_space<vmem>>
    %dma_start3A_179 = arith.constant 0 : i32
    %dma_start3A_180 = arith.constant 0 : i32
    %dma_start3A_181 = tpu.memref_slice %arg12[%dma_start3A_179, %dma_start3A_180] : memref<10240x128xf32, #tpu.memory_space<vmem_shared>> -> memref<10240x128xf32, #tpu.memory_space<vmem_shared>>
    tpu.enqueue_indirect_dma source(%arg9 : memref<80x128xf32, #tpu.memory_space<vmem>>) target(%dma_start3A_181 : memref<10240x128xf32, #tpu.memory_space<vmem_shared>>) offsets(%dma_start3A_178 : memref<80xi32, #tpu.memory_space<vmem>>) semaphore(%arg16 : memref<!tpu.dma_semaphore, #tpu.memory_space<semaphore_mem>>) {add = true}
    %dma_wait3A_182 = arith.constant 61 : i32
    %dma_wait3A_183 = arith.constant 0 : i32
    %dma_wait3A_184 = tpu.memref_slice %arg8[%dma_wait3A_182, %dma_wait3A_183] : memref<64x80xi32, #tpu.memory_space<vmem>> -> memref<1x80xi32, #tpu.memory_space<vmem>>
    %dma_wait3A_185 = tpu.memref_squeeze %dma_wait3A_184 : memref<1x80xi32, #tpu.memory_space<vmem>> -> memref<80xi32, #tpu.memory_space<vmem>>
    %dma_wait3A_186 = arith.constant 0 : i32
    %dma_wait3A_187 = arith.constant 0 : i32
    %dma_wait3A_188 = tpu.memref_slice %arg12[%dma_wait3A_186, %dma_wait3A_187] : memref<10240x128xf32, #tpu.memory_space<vmem_shared>> -> memref<10240x128xf32, #tpu.memory_space<vmem_shared>>
    tpu.wait_indirect_dma semaphore(%arg17 : memref<!tpu.dma_semaphore, #tpu.memory_space<semaphore_mem>>) src(%arg10 : memref<80x128xf32, #tpu.memory_space<vmem>>) dst(%dma_wait3A_188 : memref<10240x128xf32, #tpu.memory_space<vmem_shared>>)
    %dma_wait3A_189 = arith.constant 62 : i32
    %dma_wait3A_190 = arith.constant 0 : i32
    %dma_wait3A_191 = tpu.memref_slice %arg8[%dma_wait3A_189, %dma_wait3A_190] : memref<64x80xi32, #tpu.memory_space<vmem>> -> memref<1x80xi32, #tpu.memory_space<vmem>>
    %dma_wait3A_192 = tpu.memref_squeeze %dma_wait3A_191 : memref<1x80xi32, #tpu.memory_space<vmem>> -> memref<80xi32, #tpu.memory_space<vmem>>
    %dma_wait3A_193 = arith.constant 0 : i32
    %dma_wait3A_194 = arith.constant 0 : i32
    %dma_wait3A_195 = tpu.memref_slice %arg12[%dma_wait3A_193, %dma_wait3A_194] : memref<10240x128xf32, #tpu.memory_space<vmem_shared>> -> memref<10240x128xf32, #tpu.memory_space<vmem_shared>>
    tpu.wait_indirect_dma semaphore(%arg18 : memref<!tpu.dma_semaphore, #tpu.memory_space<semaphore_mem>>) src(%arg11 : memref<80x128xf32, #tpu.memory_space<vmem>>) dst(%dma_wait3A_195 : memref<10240x128xf32, #tpu.memory_space<vmem_shared>>)
    %dma_wait3A_196 = arith.constant 63 : i32
    %dma_wait3A_197 = arith.constant 0 : i32
    %dma_wait3A_198 = tpu.memref_slice %arg8[%dma_wait3A_196, %dma_wait3A_197] : memref<64x80xi32, #tpu.memory_space<vmem>> -> memref<1x80xi32, #tpu.memory_space<vmem>>
    %dma_wait3A_199 = tpu.memref_squeeze %dma_wait3A_198 : memref<1x80xi32, #tpu.memory_space<vmem>> -> memref<80xi32, #tpu.memory_space<vmem>>
    %dma_wait3A_200 = arith.constant 0 : i32
    %dma_wait3A_201 = arith.constant 0 : i32
    %dma_wait3A_202 = tpu.memref_slice %arg12[%dma_wait3A_200, %dma_wait3A_201] : memref<10240x128xf32, #tpu.memory_space<vmem_shared>> -> memref<10240x128xf32, #tpu.memory_space<vmem_shared>>
    tpu.wait_indirect_dma semaphore(%arg16 : memref<!tpu.dma_semaphore, #tpu.memory_space<semaphore_mem>>) src(%arg9 : memref<80x128xf32, #tpu.memory_space<vmem>>) dst(%dma_wait3A_202 : memref<10240x128xf32, #tpu.memory_space<vmem_shared>>)
    %barrier3A_203 = arith.constant 0 : index
    tpu.barrier barrier_id(%barrier3A_203)
    %mul3A_204 = arith.constant 640 : i32
    %mul3A_205 = arith.muli %arg1, %mul3A_204 : i32
    %mul3A_206 = arith.constant 640 : i32
    %mul3A_207 = arith.muli %arg1, %mul3A_206 : i32
    "tpu.region"() ({
      %run_scoped3A_208 = tpu.sem_alloc : memref<!tpu.dma_semaphore, #tpu.memory_space<semaphore_mem>>
      %dma_start3A_209 = arith.constant 0 : i32
      %dma_start3A_210 = tpu.memref_slice %arg6[%arg0, %mul3A_207, %dma_start3A_209] : memref<2x10240x128xf32, #tpu.memory_space<hbm>> -> memref<1x640x128xf32, #tpu.memory_space<hbm>>
      %dma_start3A_211 = tpu.memref_squeeze %dma_start3A_210 : memref<1x640x128xf32, #tpu.memory_space<hbm>> -> memref<640x128xf32, #tpu.memory_space<hbm>>
      %dma_start3A_212 = arith.constant 0 : i32
      %dma_start3A_213 = tpu.memref_slice %arg12[%mul3A_205, %dma_start3A_212] : memref<10240x128xf32, #tpu.memory_space<vmem_shared>> -> memref<640x128xf32, #tpu.memory_space<vmem_shared>>
      tpu.enqueue_dma source(%dma_start3A_213 : memref<640x128xf32, #tpu.memory_space<vmem_shared>>) target(%dma_start3A_211 : memref<640x128xf32, #tpu.memory_space<hbm>>) target_semaphore(%run_scoped3A_208 : memref<!tpu.dma_semaphore, #tpu.memory_space<semaphore_mem>>)
      %dma_wait3A_214 = arith.constant 0 : i32
      %dma_wait3A_215 = tpu.memref_slice %arg6[%arg0, %mul3A_207, %dma_wait3A_214] : memref<2x10240x128xf32, #tpu.memory_space<hbm>> -> memref<1x640x128xf32, #tpu.memory_space<hbm>>
      %dma_wait3A_216 = tpu.memref_squeeze %dma_wait3A_215 : memref<1x640x128xf32, #tpu.memory_space<hbm>> -> memref<640x128xf32, #tpu.memory_space<hbm>>
      %dma_wait3A_217 = arith.constant 0 : i32
      %dma_wait3A_218 = tpu.memref_slice %arg12[%mul3A_205, %dma_wait3A_217] : memref<10240x128xf32, #tpu.memory_space<vmem_shared>> -> memref<640x128xf32, #tpu.memory_space<vmem_shared>>
      tpu.wait_dma2 semaphore(%run_scoped3A_208 : memref<!tpu.dma_semaphore, #tpu.memory_space<semaphore_mem>>) src(%dma_wait3A_218 : memref<640x128xf32, #tpu.memory_space<vmem_shared>>) dst(%dma_wait3A_216 : memref<640x128xf32, #tpu.memory_space<hbm>>)
      tpu.yield
    }) : () -> ()
    return
  }
}

module attributes {stable_mosaic.version = 14 : i64} {
  func.func @_tc_g1_body(%arg0: i32, %arg1: memref<1024x128xf32, #tpu.memory_space<vmem>>, %arg2: memref<128x128xf32, #tpu.memory_space<vmem>>, %arg3: memref<32x1024xf32, #tpu.memory_space<vmem>>, %arg4: memref<1024x128xf32, #tpu.memory_space<vmem>>) attributes {dimension_semantics = [#tpu.dimension_semantics<arbitrary>], iteration_bounds = array<i64: 10>, scalar_prefetch = 0 : i64, scratch_operands = 0 : i64, tpu.core_type = #tpu.core_type<tc>, window_params = [{transform_indices = @transform_0, window_bounds = array<i64: 1024, 128>}, {pipeline_mode = #tpu.pipeline_mode<synchronous>, transform_indices = @transform_1, window_bounds = array<i64: 128, 128>}, {transform_indices = @transform_2, window_bounds = array<i64: 32, 1024>}, {transform_indices = @transform_3, window_bounds = array<i64: 1024, 128>}]} {
    %get3A = arith.constant 0 : index
    %get3A_0 = arith.constant 0 : index
    %get3A_1 = vector.load %arg3[%get3A, %get3A_0] : memref<32x1024xf32, #tpu.memory_space<vmem>>, vector<32x1024xf32>
    %reduce_sum3A = arith.constant dense<0.000000e+00> : vector<1024xf32>
    %reduce_sum3A_2 = vector.multi_reduction <add>, %get3A_1, %reduce_sum3A [0] : vector<32x1024xf32> to vector<1024xf32>
    %broadcast_in_dim3A = vector.shape_cast %reduce_sum3A_2 : vector<1024xf32> to vector<1024x1xf32>
    %add3A = arith.constant 1.000000e+00 : f32
    %add3A_3 = vector.broadcast %add3A : f32 to vector<1024x1xf32>
    %add3A_4 = arith.addf %broadcast_in_dim3A, %add3A_3 : vector<1024x1xf32>
    %rsqrt3A = math.rsqrt %add3A_4 : vector<1024x1xf32>
    %get3A_5 = arith.constant 0 : index
    %get3A_6 = arith.constant 0 : index
    %get3A_7 = vector.load %arg1[%get3A_5, %get3A_6] : memref<1024x128xf32, #tpu.memory_space<vmem>>, vector<1024x128xf32>
    %get3A_8 = arith.constant 0 : index
    %get3A_9 = arith.constant 0 : index
    %get3A_10 = vector.load %arg2[%get3A_8, %get3A_9] : memref<128x128xf32, #tpu.memory_space<vmem>>, vector<128x128xf32>
    %dot_general3A = arith.constant dense<0.000000e+00> : vector<1024x128xf32>
    %dot_general3A_11 = tpu.matmul %get3A_7, %get3A_10, %dot_general3A {dimension_numbers = #tpu.dot_dimension_numbers<[1], [0], [0], [1], [0, 0, 1, 1], [], []>, transpose_lhs_hint = false} : vector<1024x128xf32>, vector<128x128xf32>, vector<1024x128xf32> -> vector<1024x128xf32>
    %mul3A = vector.broadcast %rsqrt3A : vector<1024x1xf32> to vector<1024x128xf32>
    %mul3A_12 = arith.mulf %dot_general3A_11, %mul3A : vector<1024x128xf32>
    %swap3A = arith.constant 0 : index
    %swap3A_13 = arith.constant 0 : index
    %swap3A_14 = vector.load %arg4[%swap3A, %swap3A_13] : memref<1024x128xf32, #tpu.memory_space<vmem>>, vector<1024x128xf32>
    tpu.vector_store %arg4[%swap3A, %swap3A_13], %mul3A_12 {strides = array<i32>} : memref<1024x128xf32, #tpu.memory_space<vmem>>, vector<1024x128xf32>,
    return
  }
  func.func @transform_0(%arg0: i32) -> (i32, i32) {
    %c0_i32 = arith.constant 0 : i32
    %c0_i32_0 = arith.constant 0 : i32
    return %arg0, %c0_i32 : i32, i32
  }
  func.func @transform_1(%arg0: i32) -> (i32, i32) {
    %c0_i32 = arith.constant 0 : i32
    %c0_i32_0 = arith.constant 0 : i32
    %c0_i32_1 = arith.constant 0 : i32
    return %c0_i32, %c0_i32_0 : i32, i32
  }
  func.func @transform_2(%arg0: i32) -> (i32, i32) {
    %c0_i32 = arith.constant 0 : i32
    %c0_i32_0 = arith.constant 0 : i32
    return %c0_i32, %arg0 : i32, i32
  }
  func.func @transform_3(%arg0: i32) -> (i32, i32) {
    %c0_i32 = arith.constant 0 : i32
    %c0_i32_0 = arith.constant 0 : i32
    return %arg0, %c0_i32 : i32, i32
  }
}

module attributes {stable_mosaic.version = 14 : i64} {
  func.func @_tc_mid_body(%arg0: i32, %arg1: memref<2x1024x128xf32, #tpu.memory_space<vmem>>, %arg2: memref<1024x128xf32, #tpu.memory_space<vmem>>, %arg3: memref<32x1024xf32, #tpu.memory_space<vmem>>, %arg4: memref<128x128xf32, #tpu.memory_space<vmem>>, %arg5: memref<1x128xf32, #tpu.memory_space<vmem>>, %arg6: memref<1024x128xf32, #tpu.memory_space<vmem>>) attributes {dimension_semantics = [#tpu.dimension_semantics<arbitrary>], iteration_bounds = array<i64: 10>, scalar_prefetch = 0 : i64, scratch_operands = 0 : i64, tpu.core_type = #tpu.core_type<tc>, window_params = [{transform_indices = @transform_0, window_bounds = array<i64: 2, 1024, 128>}, {transform_indices = @transform_1, window_bounds = array<i64: 1024, 128>}, {transform_indices = @transform_2, window_bounds = array<i64: 32, 1024>}, {pipeline_mode = #tpu.pipeline_mode<synchronous>, transform_indices = @transform_3, window_bounds = array<i64: 128, 128>}, {pipeline_mode = #tpu.pipeline_mode<synchronous>, transform_indices = @transform_4, window_bounds = array<i64: 1, 128>}, {transform_indices = @transform_5, window_bounds = array<i64: 1024, 128>}]} {
    %get3A = arith.constant 0 : index
    %get3A_0 = arith.constant 0 : index
    %get3A_1 = vector.load %arg3[%get3A, %get3A_0] : memref<32x1024xf32, #tpu.memory_space<vmem>>, vector<32x1024xf32>
    %reduce_sum3A = arith.constant dense<0.000000e+00> : vector<1024xf32>
    %reduce_sum3A_2 = vector.multi_reduction <add>, %get3A_1, %reduce_sum3A [0] : vector<32x1024xf32> to vector<1024xf32>
    %broadcast_in_dim3A = vector.shape_cast %reduce_sum3A_2 : vector<1024xf32> to vector<1024x1xf32>
    %add3A = arith.constant 1.000000e+00 : f32
    %add3A_3 = vector.broadcast %add3A : f32 to vector<1024x1xf32>
    %add3A_4 = arith.addf %broadcast_in_dim3A, %add3A_3 : vector<1024x1xf32>
    %rsqrt3A = math.rsqrt %add3A_4 : vector<1024x1xf32>
    %get3A_5 = arith.constant 0 : index
    %get3A_6 = arith.constant 0 : index
    %get3A_7 = arith.constant 0 : index
    %get3A_8 = vector.load %arg1[%get3A_5, %get3A_6, %get3A_7] : memref<2x1024x128xf32, #tpu.memory_space<vmem>>, vector<1x1024x128xf32>
    %get3A_9 = vector.shape_cast %get3A_8 : vector<1x1024x128xf32> to vector<1024x128xf32>
    %get3A_10 = arith.constant 1 : index
    %get3A_11 = arith.constant 0 : index
    %get3A_12 = arith.constant 0 : index
    %get3A_13 = vector.load %arg1[%get3A_10, %get3A_11, %get3A_12] : memref<2x1024x128xf32, #tpu.memory_space<vmem>>, vector<1x1024x128xf32>
    %get3A_14 = vector.shape_cast %get3A_13 : vector<1x1024x128xf32> to vector<1024x128xf32>
    %add3A_15 = arith.addf %get3A_9, %get3A_14 : vector<1024x128xf32>
    %get3A_16 = arith.constant 0 : index
    %get3A_17 = arith.constant 0 : index
    %get3A_18 = vector.load %arg2[%get3A_16, %get3A_17] : memref<1024x128xf32, #tpu.memory_space<vmem>>, vector<1024x128xf32>
    %add3A_19 = arith.addf %add3A_15, %get3A_18 : vector<1024x128xf32>
    %mul3A = vector.broadcast %rsqrt3A : vector<1024x1xf32> to vector<1024x128xf32>
    %mul3A_20 = arith.mulf %mul3A, %add3A_19 : vector<1024x128xf32>
    %get3A_21 = arith.constant 0 : index
    %get3A_22 = arith.constant 0 : index
    %get3A_23 = vector.load %arg5[%get3A_21, %get3A_22] : memref<1x128xf32, #tpu.memory_space<vmem>>, vector<1x128xf32>
    %add3A_24 = vector.broadcast %get3A_23 : vector<1x128xf32> to vector<1024x128xf32>
    %add3A_25 = arith.addf %mul3A_20, %add3A_24 : vector<1024x128xf32>
    %max3A = arith.constant 0.000000e+00 : f32
    %max3A_26 = vector.broadcast %max3A : f32 to vector<1024x128xf32>
    %max3A_27 = arith.maximumf %add3A_25, %max3A_26 : vector<1024x128xf32>
    %get3A_28 = arith.constant 0 : index
    %get3A_29 = arith.constant 0 : index
    %get3A_30 = vector.load %arg4[%get3A_28, %get3A_29] : memref<128x128xf32, #tpu.memory_space<vmem>>, vector<128x128xf32>
    %dot_general3A = arith.constant dense<0.000000e+00> : vector<1024x128xf32>
    %dot_general3A_31 = tpu.matmul %max3A_27, %get3A_30, %dot_general3A {dimension_numbers = #tpu.dot_dimension_numbers<[1], [0], [0], [1], [0, 0, 1, 1], [], []>, transpose_lhs_hint = false} : vector<1024x128xf32>, vector<128x128xf32>, vector<1024x128xf32> -> vector<1024x128xf32>
    %mul3A_32 = vector.broadcast %rsqrt3A : vector<1024x1xf32> to vector<1024x128xf32>
    %mul3A_33 = arith.mulf %dot_general3A_31, %mul3A_32 : vector<1024x128xf32>
    %swap3A = arith.constant 0 : index
    %swap3A_34 = arith.constant 0 : index
    %swap3A_35 = vector.load %arg6[%swap3A, %swap3A_34] : memref<1024x128xf32, #tpu.memory_space<vmem>>, vector<1024x128xf32>
    tpu.vector_store %arg6[%swap3A, %swap3A_34], %mul3A_33 {strides = array<i32>} : memref<1024x128xf32, #tpu.memory_space<vmem>>, vector<1024x128xf32>,
    return
  }
  func.func @transform_0(%arg0: i32) -> (i32, i32, i32) {
    %c0_i32 = arith.constant 0 : i32
    %c0_i32_0 = arith.constant 0 : i32
    %c0_i32_1 = arith.constant 0 : i32
    return %c0_i32, %arg0, %c0_i32_0 : i32, i32, i32
  }
  func.func @transform_1(%arg0: i32) -> (i32, i32) {
    %c0_i32 = arith.constant 0 : i32
    %c0_i32_0 = arith.constant 0 : i32
    return %arg0, %c0_i32 : i32, i32
  }
  func.func @transform_2(%arg0: i32) -> (i32, i32) {
    %c0_i32 = arith.constant 0 : i32
    %c0_i32_0 = arith.constant 0 : i32
    return %c0_i32, %arg0 : i32, i32
  }
  func.func @transform_3(%arg0: i32) -> (i32, i32) {
    %c0_i32 = arith.constant 0 : i32
    %c0_i32_0 = arith.constant 0 : i32
    %c0_i32_1 = arith.constant 0 : i32
    return %c0_i32, %c0_i32_0 : i32, i32
  }
  func.func @transform_4(%arg0: i32) -> (i32, i32) {
    %c0_i32 = arith.constant 0 : i32
    %c0_i32_0 = arith.constant 0 : i32
    %c0_i32_1 = arith.constant 0 : i32
    return %c0_i32, %c0_i32_0 : i32, i32
  }
  func.func @transform_5(%arg0: i32) -> (i32, i32) {
    %c0_i32 = arith.constant 0 : i32
    %c0_i32_0 = arith.constant 0 : i32
    return %arg0, %c0_i32 : i32, i32
  }
}

module attributes {stable_mosaic.version = 14 : i64} {
  func.func @_tc_out_body(%arg0: i32, %arg1: memref<2x1024x128xf32, #tpu.memory_space<vmem>>, %arg2: memref<1024x128xf32, #tpu.memory_space<vmem>>, %arg3: memref<32x1024xf32, #tpu.memory_space<vmem>>, %arg4: memref<1x128xf32, #tpu.memory_space<vmem>>, %arg5: memref<1024x128xf32, #tpu.memory_space<vmem>>) attributes {dimension_semantics = [#tpu.dimension_semantics<arbitrary>], iteration_bounds = array<i64: 10>, scalar_prefetch = 0 : i64, scratch_operands = 0 : i64, tpu.core_type = #tpu.core_type<tc>, window_params = [{transform_indices = @transform_0, window_bounds = array<i64: 2, 1024, 128>}, {transform_indices = @transform_1, window_bounds = array<i64: 1024, 128>}, {transform_indices = @transform_2, window_bounds = array<i64: 32, 1024>}, {pipeline_mode = #tpu.pipeline_mode<synchronous>, transform_indices = @transform_3, window_bounds = array<i64: 1, 128>}, {transform_indices = @transform_4, window_bounds = array<i64: 1024, 128>}]} {
    %get3A = arith.constant 0 : index
    %get3A_0 = arith.constant 0 : index
    %get3A_1 = vector.load %arg3[%get3A, %get3A_0] : memref<32x1024xf32, #tpu.memory_space<vmem>>, vector<32x1024xf32>
    %reduce_sum3A = arith.constant dense<0.000000e+00> : vector<1024xf32>
    %reduce_sum3A_2 = vector.multi_reduction <add>, %get3A_1, %reduce_sum3A [0] : vector<32x1024xf32> to vector<1024xf32>
    %broadcast_in_dim3A = vector.shape_cast %reduce_sum3A_2 : vector<1024xf32> to vector<1024x1xf32>
    %add3A = arith.constant 1.000000e+00 : f32
    %add3A_3 = vector.broadcast %add3A : f32 to vector<1024x1xf32>
    %add3A_4 = arith.addf %broadcast_in_dim3A, %add3A_3 : vector<1024x1xf32>
    %rsqrt3A = math.rsqrt %add3A_4 : vector<1024x1xf32>
    %get3A_5 = arith.constant 0 : index
    %get3A_6 = arith.constant 0 : index
    %get3A_7 = arith.constant 0 : index
    %get3A_8 = vector.load %arg1[%get3A_5, %get3A_6, %get3A_7] : memref<2x1024x128xf32, #tpu.memory_space<vmem>>, vector<1x1024x128xf32>
    %get3A_9 = vector.shape_cast %get3A_8 : vector<1x1024x128xf32> to vector<1024x128xf32>
    %get3A_10 = arith.constant 1 : index
    %get3A_11 = arith.constant 0 : index
    %get3A_12 = arith.constant 0 : index
    %get3A_13 = vector.load %arg1[%get3A_10, %get3A_11, %get3A_12] : memref<2x1024x128xf32, #tpu.memory_space<vmem>>, vector<1x1024x128xf32>
    %get3A_14 = vector.shape_cast %get3A_13 : vector<1x1024x128xf32> to vector<1024x128xf32>
    %add3A_15 = arith.addf %get3A_9, %get3A_14 : vector<1024x128xf32>
    %get3A_16 = arith.constant 0 : index
    %get3A_17 = arith.constant 0 : index
    %get3A_18 = vector.load %arg2[%get3A_16, %get3A_17] : memref<1024x128xf32, #tpu.memory_space<vmem>>, vector<1024x128xf32>
    %add3A_19 = arith.addf %add3A_15, %get3A_18 : vector<1024x128xf32>
    %mul3A = vector.broadcast %rsqrt3A : vector<1024x1xf32> to vector<1024x128xf32>
    %mul3A_20 = arith.mulf %mul3A, %add3A_19 : vector<1024x128xf32>
    %get3A_21 = arith.constant 0 : index
    %get3A_22 = arith.constant 0 : index
    %get3A_23 = vector.load %arg4[%get3A_21, %get3A_22] : memref<1x128xf32, #tpu.memory_space<vmem>>, vector<1x128xf32>
    %add3A_24 = vector.broadcast %get3A_23 : vector<1x128xf32> to vector<1024x128xf32>
    %add3A_25 = arith.addf %mul3A_20, %add3A_24 : vector<1024x128xf32>
    %swap3A = arith.constant 0 : index
    %swap3A_26 = arith.constant 0 : index
    %swap3A_27 = vector.load %arg5[%swap3A, %swap3A_26] : memref<1024x128xf32, #tpu.memory_space<vmem>>, vector<1024x128xf32>
    tpu.vector_store %arg5[%swap3A, %swap3A_26], %add3A_25 {strides = array<i32>} : memref<1024x128xf32, #tpu.memory_space<vmem>>, vector<1024x128xf32>,
    return
  }
  func.func @transform_0(%arg0: i32) -> (i32, i32, i32) {
    %c0_i32 = arith.constant 0 : i32
    %c0_i32_0 = arith.constant 0 : i32
    %c0_i32_1 = arith.constant 0 : i32
    return %c0_i32, %arg0, %c0_i32_0 : i32, i32, i32
  }
  func.func @transform_1(%arg0: i32) -> (i32, i32) {
    %c0_i32 = arith.constant 0 : i32
    %c0_i32_0 = arith.constant 0 : i32
    return %arg0, %c0_i32 : i32, i32
  }
  func.func @transform_2(%arg0: i32) -> (i32, i32) {
    %c0_i32 = arith.constant 0 : i32
    %c0_i32_0 = arith.constant 0 : i32
    return %c0_i32, %arg0 : i32, i32
  }
  func.func @transform_3(%arg0: i32) -> (i32, i32) {
    %c0_i32 = arith.constant 0 : i32
    %c0_i32_0 = arith.constant 0 : i32
    %c0_i32_1 = arith.constant 0 : i32
    return %c0_i32, %c0_i32_0 : i32, i32
  }
  func.func @transform_4(%arg0: i32) -> (i32, i32) {
    %c0_i32 = arith.constant 0 : i32
    %c0_i32_0 = arith.constant 0 : i32
    return %arg0, %c0_i32 : i32, i32
  }
}

</mosaic_0001>

<sc_bundles>
// kernel: kernel.11.cloned.1.call-start
scs
__scs_entry_jumppad:
0x0: {  	(pc) =	sbr.rel $0x88, $3  }
0x1: {  	(tag) =	ssettag $0x0;
	lr =	simm.s32 $0x1  }
0x2: {  	[smem:$0x3F9B] =	sst lr;
	_ =	strace $0xD0000000  }
0x3: {  	_ = 	snop  }
0x4: {  	_ = 	snop  }
0x5: {  	_ = 	snop  }
0x6: {  	_ = 	snop  }
0x7: {  	_ = 	snop  }
__scs_overlays_trampoline_lowered:
0x8: {  	[smem:$0x3FAA] =	sst s0  }
0x9: {  	[smem:$0x3FAB] =	sst s1  }
0xa: {  	[smem:$0x3FAC] =	sst s2  }
0xb: {  	[smem:$0x3FAD] =	sst s3  }
0xc: {  	[smem:$0x3FAE] =	sst s4  }
0xd: {  	[smem:$0x3FAF] =	sst s5  }
0xe: {  	[smem:$0x3FB0] =	sst s6  }
0xf: {  	[smem:$0x3FB1] =	sst s7  }
0x10: {  	[smem:$0x3FB2] =	sst s8  }
0x11: {  	[smem:$0x3FB3] =	sst s9;
	s0 =	simm.s32 @!p0 $0x0  }
0x12: {  	s1 =	sld [smem:$0x3F99];
	s0 =	simm.s32 @p0 $0x1  }
0x13: {  	[smem:$0x3FB4] =	sst s0;
	s0 =	simm.s32 @!p1 $0x0  }
0x14: {  	s2 =	sld [smem:$0x3F98];
	s0 =	simm.s32 @p1 $0x1  }
0x15: {  	[smem:$0x3FB5] =	sst s0;
	s0 =	simm.s32 @!p2 $0x0  }
0x16: {  	s3 =	sld [smem:$0x3FDB];
	s0 =	simm.s32 @p2 $0x1  }
0x17: {  	s4 =	simm.s32 $0x1BF5;
	[smem:$0x3FB7] =	sst s0  }
0x18: {  	s0 =	sld [smem:$0x3F9A];
	_ =	swait.ge [sflag:s4], $0x0  }
0x19: {  	s7 =	sld [smem:$0x3F9B]  }
0x1a: {  	s8 =	sadd.s32 $0xFFFFE003, lr  }
0x1b: {  	s9 =	sadd.s32 $0xFFFFFEF7, lr;
	s5 =	simm.s32 $0xFFFFFFFF;
	p2 =	slt.u32 s8, $0xFFFFF086  }
0x1c: {  	p1 =	slt.u32 s9, $0xF7A;
	s5 =	simm.s32 @!p2 $0x0  }
0x1d: {  	s5 =	simm.s32 @p1 $0x1;
	p0 =	seq.s32 s7, s2  }
0x1e: {  	s7 =	smul.u32 @!p0 $0xF7A, s2;
	p2 =	seq.s32 @!p0 s5, $0x0  }
0x1f: {  	s9 =	smul.u32 $0xF7A, s1;
	s8 =	simm.s32 @!p0 $0x1BF5;
	p2 =	por !p2, p0  }
0x20: {  	[sflag:s8] =	ssyncset.s32 @!p0 $0xFFFFF086;
	s6 =	sadd.s32 @!p0 s3, s7;
	s7 =	simm.s32 @!p0 $0x108  }
0x21: {  	s3 =	sadd.s32 s3, s9;
	s6 =	sadd.s32 @!p0 $0x88, s6;
	s7 =	simm.s32 @p2 $0x1082  }
0x22: {  	[simem:s7], [sflag:s8] =	dma.local @!p0 [hbm:s6], $0xF7A  }
0x23: {  	s9 =	sor.u32 $0xD0000000, s2;
	s6 =	simm.s32 $0x108;
	_ =	swait.ge @!p0 [sflag:s8], $0x0  }
0x24: {  	s3 =	sadd.s32 $0x88, s3;
	s6 =	simm.s32 @!p1 $0x1082;
	[sflag:s4] =	ssyncset.s32 $0xFFFFF086  }
0x25: {  	[simem:s6], [sflag:s4] =	dma.local [hbm:s3], $0xF7A  }
0x26: {  	[smem:$0x3F9B] =	sst s1;
	(tag) =	ssettag s2;
	_ =	strace s9  }
0x27: {  	s1 =	sld [smem:$0x3FAB]  }
0x28: {  	s2 =	sld [smem:$0x3FAC]  }
0x29: {  	s4 =	sld [smem:$0x3FAE]  }
0x2a: {  	p0 =	seq.s32 s5, $0x0;
	s5 =	sld [smem:$0x3FAF]  }
0x2b: {  	s6 =	sld [smem:$0x3FB0]  }
0x2c: {  	s7 =	sld [smem:$0x3FB1]  }
0x2d: {  	s3 =	simm.s32 $0x108;
	s8 =	sld [smem:$0x3FB2]  }
0x2e: {  	s3 =	simm.s32 @!p0 $0x1082;
	s9 =	sld [smem:$0x3FB3]  }
0x2f: {  	lr =	sadd.s32 s0, s3;
	s0 =	sld [smem:$0x3FAA]  }
0x30: {  	s3 =	sld [smem:$0x3FAD]  }
0x31: {  	[smem:$0x3FB6] =	sst s10  }
0x32: {  	s10 =	sld [smem:$0x3FB4];
	_ =	sdelay $0x3  }
0x33: {  	p0 =	seq.s32 s10, $0x1;
	s10 =	sld [smem:$0x3FB6];
	_ =	sdelay $0x3  }
0x34: {  	[smem:$0x3FB6] =	sst s10  }
0x35: {  	s10 =	sld [smem:$0x3FB5];
	_ =	sdelay $0x3  }
0x36: {  	p1 =	seq.s32 s10, $0x1;
	s10 =	sld [smem:$0x3FB6];
	_ =	sdelay $0x3  }
0x37: {  	[smem:$0x3FB6] =	sst s10  }
0x38: {  	s10 =	sld [smem:$0x3FB7]  }
0x39: {  	_ = 	snop;
	(pc) =	sbr.ind lr, $3  }
0x3a: {  	_ = 	snop  }
0x3b: {  	_ = 	snop  }
0x3c: {  	p2 =	seq.s32 s10, $0x1;
	s10 =	sld [smem:$0x3FB6]  }
0x3d: {  	_ =	shalt  }
0x3e: {  	_ =	shalt  }
0x3f: {  	_ =	shalt  }
0x40: {  	_ =	shalt  }
0x41: {  	_ =	shalt  }
0x42: {  	_ =	shalt  }
0x43: {  	_ =	shalt  }
0x44: {  	_ =	shalt  }
0x45: {  	_ =	shalt  }
0x46: {  	_ =	shalt  }
0x47: {  	_ =	shalt  }
0x48: {  	_ =	shalt  }
0x49: {  	_ =	shalt  }
0x4a: {  	_ =	shalt  }
0x4b: {  	_ =	shalt  }
0x4c: {  	_ =	shalt  }
0x4d: {  	_ =	shalt  }
0x4e: {  	_ =	shalt  }
0x4f: {  	_ =	shalt  }
0x50: {  	_ =	shalt  }
0x51: {  	_ =	shalt  }
0x52: {  	_ =	shalt  }
0x53: {  	_ =	shalt  }
0x54: {  	_ =	shalt  }
0x55: {  	_ =	shalt  }
0x56: {  	_ =	shalt  }
0x57: {  	_ =	shalt  }
0x58: {  	_ =	shalt  }
0x59: {  	_ =	shalt  }
0x5a: {  	_ =	shalt  }
0x5b: {  	_ =	shalt  }
0x5c: {  	_ =	shalt  }
0x5d: {  	_ =	shalt  }
0x5e: {  	_ =	shalt  }
0x5f: {  	_ =	shalt  }
0x60: {  	_ =	shalt  }
0x61: {  	_ =	shalt  }
0x62: {  	_ =	shalt  }
0x63: {  	_ =	shalt  }
0x64: {  	_ =	shalt  }
0x65: {  	_ =	shalt  }
0x66: {  	_ =	shalt  }
0x67: {  	_ =	shalt  }
0x68: {  	_ =	shalt  }
0x69: {  	_ =	shalt  }
0x6a: {  	_ =	shalt  }
0x6b: {  	_ =	shalt  }
0x6c: {  	_ =	shalt  }
0x6d: {  	_ =	shalt  }
0x6e: {  	_ =	shalt  }
0x6f: {  	_ =	shalt  }
0x70: {  	_ =	shalt  }
0x71: {  	_ =	shalt  }
0x72: {  	_ =	shalt  }
0x73: {  	_ =	shalt  }
0x74: {  	_ =	shalt  }
0x75: {  	_ =	shalt  }
0x76: {  	_ =	shalt  }
0x77: {  	_ =	shalt  }
0x78: {  	_ =	shalt  }
0x79: {  	_ =	shalt  }
0x7a: {  	_ =	shalt  }
0x7b: {  	_ =	shalt  }
0x7c: {  	_ =	shalt  }
0x7d: {  	_ =	shalt  }
0x7e: {  	_ =	shalt  }
0x7f: {  	_ =	shalt  }
0x80: {  	_ =	shalt  }
0x81: {  	_ =	shalt  }
0x82: {  	_ =	shalt  }
0x83: {  	_ =	shalt  }
0x84: {  	_ =	shalt  }
0x85: {  	_ =	shalt  }
0x86: {  	_ =	shalt  }
0x87: {  	_ =	shalt  }
.Lfunc_end0:
.L_simem_size_0:
called_computation.1_lowered:
.L_overlay_start_0:
0x88: {  	s2 =	sld [smem:$0x3FD9]  }
0x89: {  	s3 =	sld [smem:$0x3FFE];
	_ =	sdelay $0x1  }
0x8a: {  	s1 =	srdreg.scid  }
0x8b: {  	s0 =	sand.u32 $0x1, s1  }
0x8c: {  	s17 =	sshll.u32 s0, $0xA;
	s2 =	sadd.s32 s3, s2  }
0x8d: {  	s2 =	sadd.s32 s2, s17  }
0x8e: {  	[smem:$0x3FC2] =	sst s2  }
0x8f: {  	_ = 	snop  }
0x90: {  	s2 =	sld [smem:$0x3FD0];
	(tm) =	ssettm $0x1  }
0x91: {  	s18 =	sld [smem:$0x3FFB];
	_ =	sdelay $0x3  }
0x92: {  	_ =	strace s18  }
0x93: {  	s3 =	sld [smem:$0x3FFC];
	_ =	sdelay $0x3  }
0x94: {  	_ =	strace s3  }
0x95: {  	s3 =	sld [smem:$0x3FFD];
	_ =	sdelay $0x3  }
0x96: {  	_ =	strace s3  }
0x97: {  	_ =	strace $0x8FFFFFFF  }
0x98: {  	s19 =	sld [smem:$0x3FDB];
	_ =	sdelay $0x1  }
0x99: {  	s4 =	simm.s32 $_scs_section_size  }
0x9a: {  	s5 =	simm.s32 $_size__tile_overlayer_lowered;
	s6 =	simm.s32 $_tile_overlayer_lowered  }
0x9b: {  	s22 =	simm.s32 $0x1BFF;
	s21 =	sshll.u32 s6, $0x1;
	s3 =	sadd.s32 s4, s19  }
0x9c: {  	s7 =	simm.s32 $0x0;
	s20 =	sshll.u32 s5, $0x1;
	s5 =	sadd.s32 s21, s3  }
0x9d: {  	[timem:s7], [sflag:s22] =	dma.local [hbm:s5], s20  }
0x9e: {  	_ =	swait.ge [sflag:s22], s20  }
0x9f: {  	s4 =	ssub.s32 $0x0, s20;
	[sflag:s22] =	ssyncset.done $0x0  }
0xa0: {  	[sflag:s22] =	ssyncadd.s32 s4;
	_ =	sdelay $0x1  }
0xa1: {  	s23 =	simm.s32 $0x1B8B  }
0xa2: {  	_ =	swait.ge [sflag:s23], $0x1  }
0xa3: {  	[sflag:s23] =	ssyncset.done $0x0  }
0xa4: {  	s25 =	simm.s32 $0x1B8E;
	s24 =	sld [smem:$0x3FFE];
	[sflag:s23] =	ssyncadd.s32 $0xFFFFFFFF  }
0xa5: {  	s26 =	simm.s32 $execute0_lowered;
	[smem:$0x3FD2] =	sst s25  }
0xa6: {  	s5 =	sshll.u32 s26, $0x1;
	_ =	strace $0x80000049;
	[dreg:$0x1] =	wrdreg $0xFFFFFFFF  }
0xa7: {  	s28 =	simm.s32 $_size_execute0_lowered;
	s3 =	sadd.s32 s3, s5;
	[dreg:$0x0] =	wrdreg $0x0  }
0xa8: {  	s5 =	sshll.u32 s28, $0x1;
	[dreg:$0x2] =	wrdreg s3  }
0xa9: {  	[dreg:$0x3] =	wrdreg s5  }
0xaa: {  	[dreg:$0x4] =	wrdreg $0xC0  }
0xab: {  	_ =	task [dreg:s7], $0x5FFFF  }
0xac: {  	[dreg:$0x1] =	wrdreg $0xFFFFFFFF  }
0xad: {  	[dreg:$0x0] =	wrdreg $0x60  }
0xae: {  	[dreg:$0x2] =	wrdreg s24  }
0xaf: {  	[dreg:$0x3] =	wrdreg s2  }
0xb0: {  	[dreg:$0x4] =	wrdreg $0xAC000  }
0xb1: {  	[dreg:$0x5] =	wrdreg $0x9  }
0xb2: {  	_ =	task.clear_ibuf [dreg:s7], $0x6FFFF;
	_ =	strace $0x90000049  }
0xb3: {  	s29 =	simm.s32 $0x9;
	_ =	strace $0x8000004B  }
0xb4: {  	_ =	swait.ge [sflag:s29], $0x1  }
0xb5: {  	[sflag:s29] =	ssyncadd.s32 $0xFFFFFFFF  }
0xb6: {  	_ =	strace $0x9000004B  }
0xb7: {  	_ =	sfence  }
0xb8: {  	s30 =	sld [smem:$0x0];
	_ =	sdelay $0x2  }
0xb9: {  	s31 =	sshll.u32 s1, $0xD;
	s1 =	sshrl.u32 s1, $0x2  }
0xba: {  	s3 =	sand.u32 $0x4000, s31;
	s1 =	sadd.s32 s1, s30  }
0xbb: {  	s0 =	sor.u32 s3, s0;
	s1 =	sshll.u32 s1, $0x11  }
0xbc: {  	s0 =	sor.u32 s1, s0  }
0xbd: {  	s0 =	sadd.s32 $0x8F2B, s0  }
0xbe: {  	[sflag:s0] =	ssyncadd.remote.s32 $0x1  }
0xbf: {  	_ =	sfence.sel $0xFFFF  }
0xc0: {  	[dreg:$0x0] =	wrdreg $0xFFFFFFFF;
	(pc) =	sbr.abs _section_cstart, $3  }
0xc1: {  	[dreg:$0x1] =	wrdreg $0xFFFFFFFF  }
0xc2: {  	_ =	task.clear_ibuf [dreg:s7], $0x2FFFF;
	_ =	strace $0x9FFFFFFF  }
0xc3: {  	(tm) =	ssettm $0x7FFFFFFF  }
tec
execute0_lowered:
.L_overlay_start_1:
0x0: {  	(tag) =	ssettag $0x1  }
0x1: {  	s0 =	rddreg [dreg:$0x0]  }
0x2: {  	s2 =	rddreg [dreg:$0x1]  }
0x3: {  	s1 =	rddreg [dreg:$0x2]  }
0x4: {  	s3 =	srdreg.scid;
	s13 =	stileid.u32;
	s14 =	simm.s32 $0x7  }
0x5: {  	s16 =	simm.s32 $0x400;
	s28 =	simm.s32 $0x3;
	s29 =	simm.s32 $0x6  }
0x6: {  	s30 =	simm.s32 $0x13B0;
	s31 =	simm.s32 $0x3280;
	s5 =	sand.u32 $0x1, s3  }
0x7: {  	s3 =	simm.s32 $0x0;
	s7 =	smul.u32 $0x14000, s13;
	s4 =	sadd.s32 $0x20E00, s0  }
0x8: {  	s9 =	sadd.s32 $0x16E00, s0;
	s8 =	sadd.s32 $0x2A00, s0;
	s18 =	smul.u32 $0x50000, s13  }
0x9: {  	s12 =	sshll.u32 s13, $0x7;
	s20 =	sshll.u32 s13, $0x6;
	s6 =	smul.u32 $0x140000, s5  }
0xa: {  	[smem:$0x7FF] =	sst s3;
	s17 =	sshll.u32 s5, $0x4;
	s5 =	ssub.s32 $0x2, s5  }
0xb: {  	s19 =	sand.u32 $0x380, s12;
	_ =	strace $0x8000004A;
	[dreg:$0x4] =	wrdreg s8  }
0xc: {  	s11 =	sshrl.u32 s5, $0x1;
	s8 =	sshrl.u32 s18, $0x2;
	s18 =	simm.s32 $0x50  }
0xd: {  	s6 =	sadd.s32 s7, s6;
	s7 =	sor.u32 s13, s17;
	s5 =	ssub.s32 s5, s11  }
0xe: {  	s21 =	sadd.s32 s8, s1;
	s17 =	simm.s32 $0x1400;
	s6 =	sshrl.u32 s6, $0x3  }
0xf: {  	s10 =	sshrl.u32 s7, $0x3;
	s7 =	sshll.u32 s7, $0xB;
	s12 =	smax.u32 s5, $0x1  }
0x10: {  	s13 =	sshrl.u32 s21, $0x3;
	s21 =	simm.s32 $0xA0;
	s5 =	simm.s32 $0x0  }
0x11: {  	s10 =	smul.u32 $0x14000, s10;
	s0 =	sadd.s32 s6, s0;
	s6 =	sor.u32 $0x1C07, s20  }
0x12: {  	s8 =	sadd.s32 s2, s7;
	s20 =	simm.s32 $0x5C00;
	s2 =	simm.s32 $0x3380  }
0x13: {  	s26 =	sadd.s32 $0x400, s8;
	s11 =	sadd.s32 $0x48E00, s0;
	s0 =	simm.s32 $0x3300  }
0x14: {  	s10 =	sor.u32 s19, s10;
	[dreg:$0x7] =	wrdreg s26;
	s19 =	simm.s32 $0x3400  }
0x15: {  	s26 =	simm.s32 $0x5;
	s22 =	sadd.s32 $0xA000, s10;
	s10 =	sshrl.u32 s10, $0x3  }
0x16: {  	s23 =	sshrl.u32 s22, $0x3;
	s24 =	sadd.s32 s9, s10;
	s22 =	simm.s32 $0x8400  }
0x17: {  	[dreg:$0x5] =	wrdreg s24;
	s25 =	sadd.s32 s9, s23;
	s23 =	simm.s32 $0x1  }
0x18: {  	s24 =	simm.s32 $0x4;
	[dreg:$0x6] =	wrdreg s25;
	s25 =	simm.s32 $0x2  }
.LBB2_1:
0x19: {  	s7 =	rddreg [dreg:$0x4]  }
0x1a: {  	[spmem:s13], [sflag:s6] =	dma.local [hbm:s7], $0x2800  }
0x1b: {  	_ =	swait.ge [sflag:s14], $0x2800  }
0x1c: {  	[sflag:s14] =	ssyncset.done $0x0  }
0x1d: {  	[sflag:s14] =	ssyncadd.s32 $0xFFFFD800  }
0x1e: {  	[bflag:$0x0] =	sbarrier.arrive $0xFFFF  }
0x1f: {  	s9 =	simm.s32 $0x80;
	s15 =	rddreg [dreg:$0x5]  }
0x20: {  	[tilespmem:s3], [sflag:$0x7] =	stream.strided.gather [hbm4b:s15+s9], $0x1400, s16, s9, $0x38;
	[tilespmem:$0x1EC00] =	vst v63  }
0x21: {  	_ =	swait.ge [sflag:s14], $0x1400  }
0x22: {  	[sflag:s14] =	ssyncset.done $0x0  }
0x23: {  	[sflag:s14] =	ssyncadd.s32 $0xFFFFEC00  }
0x24: {  	[tilespmem:s17], [sflag:$0x7] =	stream.linear.gather [hbm4b:s8+s3], $0x2000, $0x38;
	[tilespmem:$0x1EC00] =	vst v63  }
0x25: {  	_ =	swait.ge [sflag:s14], $0x2000  }
0x26: {  	[sflag:s14] =	ssyncset.done $0x0  }
0x27: {  	[sflag:s14] =	ssyncadd.s32 $0xFFFFE000  }
0x28: {  	[tilespmem:s19], [sflag:$0x1] =	stream.indirect.gather [hbm4b:s4+s18], $0x80, s3, s18, $0xb8;
	[tilespmem:$0x1EC00] =	vst v63  }
0x29: {  	_ = 	snop  }
0x2a: {  	[tilespmem:s20], [sflag:$0x2] =	stream.indirect.gather [hbm4b:s4+s18], $0x80, s18, s18, $0xb8;
	[tilespmem:$0x1EC00] =	vst v63  }
0x2b: {  	_ = 	snop  }
0x2c: {  	[tilespmem:s22], [sflag:$0x3] =	stream.indirect.gather [hbm4b:s4+s18], $0x80, s21, s18, $0xb8;
	[tilespmem:$0x1EC00] =	vst v63  }
0x2d: {  	_ =	swait.ge [sflag:s23], $0x2800  }
0x2e: {  	[sflag:s23] =	ssyncset.done $0x0  }
0x2f: {  	[sflag:s23] =	ssyncadd.s32 $0xFFFFD800  }
0x30: {  	[spmem:s1] =	stream.indirect.scatter.add.f32 [tilespmem:s19], [sflag:$0x4], $0x80, s17, s18, $0xb8;
	[tilespmem:$0x1EC00] =	vst v63  }
0x31: {  	_ =	swait.ge [sflag:s24], $0x2800  }
0x32: {  	[sflag:s24] =	ssyncset.done $0x0  }
0x33: {  	s10 =	simm.s32 $0xF0;
	[sflag:s24] =	ssyncadd.s32 $0xFFFFD800  }
0x34: {  	[tilespmem:s19], [sflag:$0x1] =	stream.indirect.gather [hbm4b:s4+s18], $0x80, s10, s18, $0xb8;
	[tilespmem:$0x1EC00] =	vst v63  }
0x35: {  	_ =	swait.ge [sflag:s25], $0x2800  }
0x36: {  	[sflag:s25] =	ssyncset.done $0x0  }
0x37: {  	s15 =	simm.s32 $0x1480;
	[sflag:s25] =	ssyncadd.s32 $0xFFFFD800  }
0x38: {  	[spmem:s1] =	stream.indirect.scatter.add.f32 [tilespmem:s20], [sflag:$0x5], $0x80, s15, s18, $0xb8;
	[tilespmem:$0x1EC00] =	vst v63  }
0x39: {  	_ =	swait.ge [sflag:s26], $0x2800  }
0x3a: {  	[sflag:s26] =	ssyncset.done $0x0  }
0x3b: {  	s9 =	simm.s32 $0x140;
	[sflag:s26] =	ssyncadd.s32 $0xFFFFD800  }
0x3c: {  	[tilespmem:s20], [sflag:$0x2] =	stream.indirect.gather [hbm4b:s4+s18], $0x80, s9, s18, $0xb8;
	[tilespmem:$0x1EC00] =	vst v63  }
0x3d: {  	_ =	swait.ge [sflag:s28], $0x2800  }
0x3e: {  	[sflag:s28] =	ssyncset.done $0x0  }
0x3f: {  	s10 =	simm.s32 $0x1500;
	[sflag:s28] =	ssyncadd.s32 $0xFFFFD800  }
0x40: {  	[spmem:s1] =	stream.indirect.scatter.add.f32 [tilespmem:s22], [sflag:$0x6], $0x80, s10, s18, $0xb8;
	[tilespmem:$0x1EC00] =	vst v63  }
0x41: {  	_ =	swait.ge [sflag:s29], $0x2800  }
0x42: {  	[sflag:s29] =	ssyncset.done $0x0  }
0x43: {  	s15 =	simm.s32 $0x190;
	[sflag:s29] =	ssyncadd.s32 $0xFFFFD800  }
0x44: {  	[tilespmem:s22], [sflag:$0x3] =	stream.indirect.gather [hbm4b:s4+s18], $0x80, s15, s18, $0xb8;
	[tilespmem:$0x1EC00] =	vst v63  }
0x45: {  	_ =	swait.ge [sflag:s23], $0x2800  }
0x46: {  	s7 =	simm.s32 $0x3C0;
	[sflag:s23] =	ssyncset.done $0x0  }
0x47: {  	s9 =	simm.s32 $0x1680;
	s15 =	simm.s32 $0x1580;
	[sflag:s23] =	ssyncadd.s32 $0xFFFFD800  }
.LBB2_2:
0x48: {  	[spmem:s1] =	stream.indirect.scatter.add.f32 [tilespmem:s19], [sflag:$0x4], $0x80, s15, s18, $0xb8;
	[tilespmem:$0x1EC00] =	vst v63  }
0x49: {  	s15 =	smov.u32 s7  }
0x4a: {  	p0 =	sne.s32 s7, $0x4740;
	s7 =	sadd.s32 $0x3C0, s7;
	_ =	swait.ge [sflag:s24], $0x2800  }
0x4b: {  	s15 =	sshra.s32 s15, $0x2;
	[sflag:s24] =	ssyncset.done $0x0  }
0x4c: {  	s10 =	sadd.s32 $0xF0, s15;
	[sflag:s24] =	ssyncadd.s32 $0xFFFFD800  }
0x4d: {  	[tilespmem:s19], [sflag:$0x1] =	stream.indirect.gather [hbm4b:s4+s18], $0x80, s10, s18, $0xb8;
	[tilespmem:$0x1EC00] =	vst v63  }
0x4e: {  	_ =	swait.ge [sflag:s25], $0x2800  }
0x4f: {  	[sflag:s25] =	ssyncset.done $0x0  }
0x50: {  	s10 =	sadd.s32 $0xFFFFFF80, s9;
	[sflag:s25] =	ssyncadd.s32 $0xFFFFD800  }
0x51: {  	[spmem:s1] =	stream.indirect.scatter.add.f32 [tilespmem:s20], [sflag:$0x5], $0x80, s10, s18, $0xb8;
	[tilespmem:$0x1EC00] =	vst v63  }
0x52: {  	_ =	swait.ge [sflag:s26], $0x2800  }
0x53: {  	[sflag:s26] =	ssyncset.done $0x0  }
0x54: {  	s10 =	sadd.s32 $0x140, s15;
	[sflag:s26] =	ssyncadd.s32 $0xFFFFD800  }
0x55: {  	[tilespmem:s20], [sflag:$0x2] =	stream.indirect.gather [hbm4b:s4+s18], $0x80, s10, s18, $0xb8;
	[tilespmem:$0x1EC00] =	vst v63  }
0x56: {  	_ =	swait.ge [sflag:s28], $0x2800  }
0x57: {  	[sflag:s28] =	ssyncset.done $0x0  }
0x58: {  	[sflag:s28] =	ssyncadd.s32 $0xFFFFD800  }
0x59: {  	[spmem:s1] =	stream.indirect.scatter.add.f32 [tilespmem:s22], [sflag:$0x6], $0x80, s9, s18, $0xb8;
	[tilespmem:$0x1EC00] =	vst v63  }
0x5a: {  	_ =	swait.ge [sflag:s29], $0x2800  }
0x5b: {  	[sflag:s29] =	ssyncset.done $0x0  }
.Ltmp0:
0x5c: {  	s10 =	sadd.s32 $0x190, s15;
	[sflag:s29] =	ssyncadd.s32 $0xFFFFD800;
	(pc) =	sbr.rel @p0 .LBB2_2-.Ltmp0, $4  }
0x5d: {  	[tilespmem:s22], [sflag:$0x3] =	stream.indirect.gather [hbm4b:s4+s18], $0x80, s10, s18, $0xb8;
	[tilespmem:$0x1EC00] =	vst v63  }
0x5e: {  	_ =	swait.ge [sflag:s23], $0x2800  }
0x5f: {  	[sflag:s23] =	ssyncset.done $0x0  }
0x60: {  	s15 =	sadd.s32 $0x80, s9;
	s9 =	sadd.s32 $0x180, s9;
	[sflag:s23] =	ssyncadd.s32 $0xFFFFD800  }
0x61: {  	[spmem:s1] =	stream.indirect.scatter.add.f32 [tilespmem:s19], [sflag:$0x4], $0x80, s15, s18, $0xb8;
	[tilespmem:$0x1EC00] =	vst v63  }
0x62: {  	_ =	swait.ge [sflag:s24], $0x2800  }
0x63: {  	[sflag:s24] =	ssyncset.done $0x0  }
0x64: {  	[sflag:s24] =	ssyncadd.s32 $0xFFFFD800  }
0x65: {  	[tilespmem:s19], [sflag:$0x1] =	stream.indirect.gather [hbm4b:s4+s18], $0x80, s30, s18, $0xb8;
	[tilespmem:$0x1EC00] =	vst v63  }
0x66: {  	_ =	swait.ge [sflag:s25], $0x2800  }
0x67: {  	[sflag:s25] =	ssyncset.done $0x0  }
0x68: {  	[sflag:s25] =	ssyncadd.s32 $0xFFFFD800  }
0x69: {  	[spmem:s1] =	stream.indirect.scatter.add.f32 [tilespmem:s20], [sflag:$0x5], $0x80, s31, s18, $0xb8;
	[tilespmem:$0x1EC00] =	vst v63  }
0x6a: {  	_ =	swait.ge [sflag:s28], $0x2800  }
0x6b: {  	[sflag:s28] =	ssyncset.done $0x0  }
0x6c: {  	[sflag:s28] =	ssyncadd.s32 $0xFFFFD800  }
0x6d: {  	[spmem:s1] =	stream.indirect.scatter.add.f32 [tilespmem:s22], [sflag:$0x6], $0x80, s0, s18, $0xb8;
	[tilespmem:$0x1EC00] =	vst v63  }
0x6e: {  	_ =	swait.ge [sflag:s23], $0x2800  }
0x6f: {  	[sflag:s23] =	ssyncset.done $0x0  }
0x70: {  	[sflag:s23] =	ssyncadd.s32 $0xFFFFD800  }
0x71: {  	[spmem:s1] =	stream.indirect.scatter.add.f32 [tilespmem:s19], [sflag:$0x4], $0x80, s2, s18, $0xb8;
	[tilespmem:$0x1EC00] =	vst v63  }
0x72: {  	_ =	swait.ge [sflag:s26], $0x2800  }
0x73: {  	[sflag:s26] =	ssyncset.done $0x0  }
0x74: {  	[sflag:s26] =	ssyncadd.s32 $0xFFFFD800  }
0x75: {  	_ =	swait.ge [sflag:s29], $0x2800  }
0x76: {  	[sflag:s29] =	ssyncset.done $0x0  }
0x77: {  	[sflag:s29] =	ssyncadd.s32 $0xFFFFD800  }
0x78: {  	_ =	swait.ge [sflag:s24], $0x2800  }
0x79: {  	s7 =	simm.s32 $0x0;
	[sflag:s24] =	ssyncset.done $0x0  }
0x7a: {  	s10 =	simm.s32 $0x80;
	s9 =	rddreg [dreg:$0x6];
	[sflag:s24] =	ssyncadd.s32 $0xFFFFD800  }
0x7b: {  	[tilespmem:s7], [sflag:$0x7] =	stream.strided.gather [hbm4b:s9+s10], $0x1400, s16, s10, $0x38;
	[tilespmem:$0x1EC00] =	vst v63  }
0x7c: {  	_ =	swait.ge [sflag:s14], $0x1400  }
0x7d: {  	[sflag:s14] =	ssyncset.done $0x0  }
0x7e: {  	s15 =	rddreg [dreg:$0x7];
	[sflag:s14] =	ssyncadd.s32 $0xFFFFEC00  }
0x7f: {  	[tilespmem:s17], [sflag:$0x7] =	stream.linear.gather [hbm4b:s15+s7], $0x2000, $0x38;
	[tilespmem:$0x1EC00] =	vst v63  }
0x80: {  	_ =	swait.ge [sflag:s14], $0x2000  }
0x81: {  	[sflag:s14] =	ssyncset.done $0x0  }
0x82: {  	[sflag:s14] =	ssyncadd.s32 $0xFFFFE000  }
0x83: {  	[tilespmem:s19], [sflag:$0x1] =	stream.indirect.gather [hbm4b:s4+s18], $0x80, s7, s18, $0xb8;
	[tilespmem:$0x1EC00] =	vst v63  }
0x84: {  	_ = 	snop  }
0x85: {  	[tilespmem:s20], [sflag:$0x2] =	stream.indirect.gather [hbm4b:s4+s18], $0x80, s18, s18, $0xb8;
	[tilespmem:$0x1EC00] =	vst v63  }
0x86: {  	_ = 	snop  }
0x87: {  	[tilespmem:s22], [sflag:$0x3] =	stream.indirect.gather [hbm4b:s4+s18], $0x80, s21, s18, $0xb8;
	[tilespmem:$0x1EC00] =	vst v63  }
0x88: {  	_ =	swait.ge [sflag:s23], $0x2800  }
0x89: {  	[sflag:s23] =	ssyncset.done $0x0  }
0x8a: {  	[sflag:s23] =	ssyncadd.s32 $0xFFFFD800  }
0x8b: {  	[spmem:s1] =	stream.indirect.scatter.add.f32 [tilespmem:s19], [sflag:$0x4], $0x80, s17, s18, $0xb8;
	[tilespmem:$0x1EC00] =	vst v63  }
0x8c: {  	_ =	swait.ge [sflag:s24], $0x2800  }
0x8d: {  	[sflag:s24] =	ssyncset.done $0x0  }
0x8e: {  	s10 =	simm.s32 $0xF0;
	[sflag:s24] =	ssyncadd.s32 $0xFFFFD800  }
0x8f: {  	[tilespmem:s19], [sflag:$0x1] =	stream.indirect.gather [hbm4b:s4+s18], $0x80, s10, s18, $0xb8;
	[tilespmem:$0x1EC00] =	vst v63  }
0x90: {  	_ =	swait.ge [sflag:s25], $0x2800  }
0x91: {  	[sflag:s25] =	ssyncset.done $0x0  }
0x92: {  	s15 =	simm.s32 $0x1480;
	[sflag:s25] =	ssyncadd.s32 $0xFFFFD800  }
0x93: {  	[spmem:s1] =	stream.indirect.scatter.add.f32 [tilespmem:s20], [sflag:$0x5], $0x80, s15, s18, $0xb8;
	[tilespmem:$0x1EC00] =	vst v63  }
0x94: {  	_ =	swait.ge [sflag:s26], $0x2800  }
0x95: {  	[sflag:s26] =	ssyncset.done $0x0  }
0x96: {  	s9 =	simm.s32 $0x140;
	[sflag:s26] =	ssyncadd.s32 $0xFFFFD800  }
0x97: {  	[tilespmem:s20], [sflag:$0x2] =	stream.indirect.gather [hbm4b:s4+s18], $0x80, s9, s18, $0xb8;
	[tilespmem:$0x1EC00] =	vst v63  }
0x98: {  	_ =	swait.ge [sflag:s28], $0x2800  }
0x99: {  	[sflag:s28] =	ssyncset.done $0x0  }
0x9a: {  	s10 =	simm.s32 $0x1500;
	[sflag:s28] =	ssyncadd.s32 $0xFFFFD800  }
0x9b: {  	[spmem:s1] =	stream.indirect.scatter.add.f32 [tilespmem:s22], [sflag:$0x6], $0x80, s10, s18, $0xb8;
	[tilespmem:$0x1EC00] =	vst v63  }
0x9c: {  	_ =	swait.ge [sflag:s29], $0x2800  }
0x9d: {  	[sflag:s29] =	ssyncset.done $0x0  }
0x9e: {  	s15 =	simm.s32 $0x190;
	[sflag:s29] =	ssyncadd.s32 $0xFFFFD800  }
0x9f: {  	[tilespmem:s22], [sflag:$0x3] =	stream.indirect.gather [hbm4b:s4+s18], $0x80, s15, s18, $0xb8;
	[tilespmem:$0x1EC00] =	vst v63  }
0xa0: {  	_ =	swait.ge [sflag:s23], $0x2800  }
0xa1: {  	s7 =	simm.s32 $0x3C0;
	[sflag:s23] =	ssyncset.done $0x0  }
0xa2: {  	s9 =	simm.s32 $0x1680;
	s15 =	simm.s32 $0x1580;
	[sflag:s23] =	ssyncadd.s32 $0xFFFFD800  }
.LBB2_4:
0xa3: {  	[spmem:s1] =	stream.indirect.scatter.add.f32 [tilespmem:s19], [sflag:$0x4], $0x80, s15, s18, $0xb8;
	[tilespmem:$0x1EC00] =	vst v63  }
0xa4: {  	s10 =	smov.u32 s7  }
0xa5: {  	p0 =	sne.s32 s7, $0x4740;
	s7 =	sadd.s32 $0x3C0, s7;
	_ =	swait.ge [sflag:s24], $0x2800  }
0xa6: {  	s10 =	sshra.s32 s10, $0x2;
	[sflag:s24] =	ssyncset.done $0x0  }
0xa7: {  	s15 =	sadd.s32 $0xF0, s10;
	[sflag:s24] =	ssyncadd.s32 $0xFFFFD800  }
0xa8: {  	[tilespmem:s19], [sflag:$0x1] =	stream.indirect.gather [hbm4b:s4+s18], $0x80, s15, s18, $0xb8;
	[tilespmem:$0x1EC00] =	vst v63  }
0xa9: {  	_ =	swait.ge [sflag:s25], $0x2800  }
0xaa: {  	[sflag:s25] =	ssyncset.done $0x0  }
0xab: {  	s15 =	sadd.s32 $0xFFFFFF80, s9;
	[sflag:s25] =	ssyncadd.s32 $0xFFFFD800  }
0xac: {  	[spmem:s1] =	stream.indirect.scatter.add.f32 [tilespmem:s20], [sflag:$0x5], $0x80, s15, s18, $0xb8;
	[tilespmem:$0x1EC00] =	vst v63  }
0xad: {  	_ =	swait.ge [sflag:s26], $0x2800  }
0xae: {  	[sflag:s26] =	ssyncset.done $0x0  }
0xaf: {  	s15 =	sadd.s32 $0x140, s10;
	[sflag:s26] =	ssyncadd.s32 $0xFFFFD800  }
0xb0: {  	[tilespmem:s20], [sflag:$0x2] =	stream.indirect.gather [hbm4b:s4+s18], $0x80, s15, s18, $0xb8;
	[tilespmem:$0x1EC00] =	vst v63  }
0xb1: {  	_ =	swait.ge [sflag:s28], $0x2800  }
0xb2: {  	[sflag:s28] =	ssyncset.done $0x0  }
0xb3: {  	[sflag:s28] =	ssyncadd.s32 $0xFFFFD800  }
0xb4: {  	[spmem:s1] =	stream.indirect.scatter.add.f32 [tilespmem:s22], [sflag:$0x6], $0x80, s9, s18, $0xb8;
	[tilespmem:$0x1EC00] =	vst v63  }
0xb5: {  	_ =	swait.ge [sflag:s29], $0x2800  }
0xb6: {  	[sflag:s29] =	ssyncset.done $0x0  }
.Ltmp1:
0xb7: {  	s10 =	sadd.s32 $0x190, s10;
	[sflag:s29] =	ssyncadd.s32 $0xFFFFD800;
	(pc) =	sbr.rel @p0 .LBB2_4-.Ltmp1, $4  }
0xb8: {  	[tilespmem:s22], [sflag:$0x3] =	stream.indirect.gather [hbm4b:s4+s18], $0x80, s10, s18, $0xb8;
	[tilespmem:$0x1EC00] =	vst v63  }
0xb9: {  	_ =	swait.ge [sflag:s23], $0x2800  }
0xba: {  	[sflag:s23] =	ssyncset.done $0x0  }
0xbb: {  	s15 =	sadd.s32 $0x80, s9;
	s9 =	sadd.s32 $0x180, s9;
	[sflag:s23] =	ssyncadd.s32 $0xFFFFD800  }
0xbc: {  	[spmem:s1] =	stream.indirect.scatter.add.f32 [tilespmem:s19], [sflag:$0x4], $0x80, s15, s18, $0xb8;
	[tilespmem:$0x1EC00] =	vst v63  }
0xbd: {  	_ =	swait.ge [sflag:s24], $0x2800  }
0xbe: {  	[sflag:s24] =	ssyncset.done $0x0  }
0xbf: {  	[sflag:s24] =	ssyncadd.s32 $0xFFFFD800  }
0xc0: {  	[tilespmem:s19], [sflag:$0x1] =	stream.indirect.gather [hbm4b:s4+s18], $0x80, s30, s18, $0xb8;
	[tilespmem:$0x1EC00] =	vst v63  }
0xc1: {  	_ =	swait.ge [sflag:s25], $0x2800  }
0xc2: {  	[sflag:s25] =	ssyncset.done $0x0  }
0xc3: {  	[sflag:s25] =	ssyncadd.s32 $0xFFFFD800  }
0xc4: {  	[spmem:s1] =	stream.indirect.scatter.add.f32 [tilespmem:s20], [sflag:$0x5], $0x80, s31, s18, $0xb8;
	[tilespmem:$0x1EC00] =	vst v63  }
0xc5: {  	_ =	swait.ge [sflag:s28], $0x2800  }
0xc6: {  	[sflag:s28] =	ssyncset.done $0x0  }
0xc7: {  	[sflag:s28] =	ssyncadd.s32 $0xFFFFD800  }
0xc8: {  	[spmem:s1] =	stream.indirect.scatter.add.f32 [tilespmem:s22], [sflag:$0x6], $0x80, s0, s18, $0xb8;
	[tilespmem:$0x1EC00] =	vst v63  }
0xc9: {  	_ =	swait.ge [sflag:s23], $0x2800  }
0xca: {  	[sflag:s23] =	ssyncset.done $0x0  }
0xcb: {  	[sflag:s23] =	ssyncadd.s32 $0xFFFFD800  }
0xcc: {  	[spmem:s1] =	stream.indirect.scatter.add.f32 [tilespmem:s19], [sflag:$0x4], $0x80, s2, s18, $0xb8;
	[tilespmem:$0x1EC00] =	vst v63  }
0xcd: {  	_ =	swait.ge [sflag:s26], $0x2800  }
0xce: {  	[sflag:s26] =	ssyncset.done $0x0  }
0xcf: {  	[sflag:s26] =	ssyncadd.s32 $0xFFFFD800  }
0xd0: {  	_ =	swait.ge [sflag:s29], $0x2800  }
0xd1: {  	[sflag:s29] =	ssyncset.done $0x0  }
0xd2: {  	[sflag:s29] =	ssyncadd.s32 $0xFFFFD800  }
0xd3: {  	_ =	swait.ge [sflag:s24], $0x2800  }
0xd4: {  	s5 =	sadd.s32 $0x1, s5;
	[sflag:s24] =	ssyncset.done $0x0  }
0xd5: {  	p0 =	sne.s32 s5, s12;
	[sflag:s24] =	ssyncadd.s32 $0xFFFFD800  }
.Ltmp2:
0xd6: {  	[bflag:$0x0] =	sbarrier.arrive $0xFFFF;
	(pc) =	sbr.rel @p0 .LBB2_1-.Ltmp2, $4  }
0xd7: {  	[hbm:s11], [sflag:s6] =	dma.local [spmem:s13], $0x2800  }
0xd8: {  	_ =	swait.ge [sflag:s14], $0x2800  }
0xd9: {  	[sflag:s14] =	ssyncset.done $0x0  }
0xda: {  	[sflag:s14] =	ssyncadd.s32 $0xFFFFD800  }
0xdb: {  	_ =	sfence.sel $0x180000  }
0xdc: {  	[bflag:$0x0] =	sbarrier.arrive $0xFFFF  }
0xdd: {  	_ =	strace $0x9000004A  }
0xde: {  	s0 =	stileid.u32;
	[bflag:$0x2] =	sbarrier.arrive $0xFFFF  }
0xdf: {  	p0 =	sne.s32 s0, $0x0;
	s0 =	rddreg [dreg:$0x3]  }
0xe0: {  	s0 =	sadd.s32 @!p0 $0x100000, s0  }
0xe1: {  	[sflag:s0] =	ssyncadd.tile.s32 @!p0 $0x1;
	_ =	shalt  }
.Lfunc_end2:
_tile_overlayer_lowered:
.L_overlay_start_2:
0xe2: {  	(tag) =	ssettag $0x2  }
0xe3: {  	s0 =	rddreg [dreg:$0x0];
	s2 =	stileid.u32  }
0xe4: {  	s1 =	rddreg [dreg:$0x1];
	p0 =	sne.s32 s2, $0x0  }
0xe5: {  	s3 =	rddreg [dreg:$0x2];
	[bflag:$0x3] =	sbarrier.arrive $0xFFFF;
	s2 =	simm.s32 @!p0 $0x1C07  }
0xe6: {  	[timem:s3], [sflag:s2] =	dma.local @!p0 [hbm:s0], s1  }
0xe7: {  	s0 =	simm.s32 @!p0 $0x7  }
0xe8: {  	_ =	swait.ge @!p0 [sflag:s0], s1  }
0xe9: {  	s1 =	ssub.s32 @!p0 $0x0, s1;
	[sflag:s0] =	ssyncset.done @!p0 $0x0  }
0xea: {  	[sflag:s0] =	ssyncadd.s32 @!p0 s1  }
0xeb: {  	[bflag:$0x3] =	sbarrier.arrive $0xFFFF  }
0xec: {  	_ =	shalt  }

// kernel: kernel.14.cloned.1.call-start
scs
__scs_entry_jumppad:
0x0: {  	(pc) =	sbr.rel $0x88, $3  }
0x1: {  	(tag) =	ssettag $0x0;
	lr =	simm.s32 $0x1  }
0x2: {  	[smem:$0x3F9B] =	sst lr;
	_ =	strace $0xD0000000  }
0x3: {  	_ = 	snop  }
0x4: {  	_ = 	snop  }
0x5: {  	_ = 	snop  }
0x6: {  	_ = 	snop  }
0x7: {  	_ = 	snop  }
__scs_overlays_trampoline_lowered:
0x8: {  	[smem:$0x3FAA] =	sst s0  }
0x9: {  	[smem:$0x3FAB] =	sst s1  }
0xa: {  	[smem:$0x3FAC] =	sst s2  }
0xb: {  	[smem:$0x3FAD] =	sst s3  }
0xc: {  	[smem:$0x3FAE] =	sst s4  }
0xd: {  	[smem:$0x3FAF] =	sst s5  }
0xe: {  	[smem:$0x3FB0] =	sst s6  }
0xf: {  	[smem:$0x3FB1] =	sst s7  }
0x10: {  	[smem:$0x3FB2] =	sst s8  }
0x11: {  	[smem:$0x3FB3] =	sst s9;
	s0 =	simm.s32 @!p0 $0x0  }
0x12: {  	s1 =	sld [smem:$0x3F99];
	s0 =	simm.s32 @p0 $0x1  }
0x13: {  	[smem:$0x3FB4] =	sst s0;
	s0 =	simm.s32 @!p1 $0x0  }
0x14: {  	s2 =	sld [smem:$0x3F98];
	s0 =	simm.s32 @p1 $0x1  }
0x15: {  	[smem:$0x3FB5] =	sst s0;
	s0 =	simm.s32 @!p2 $0x0  }
0x16: {  	s3 =	sld [smem:$0x3FDB];
	s0 =	simm.s32 @p2 $0x1  }
0x17: {  	s4 =	simm.s32 $0x1BF5;
	[smem:$0x3FB7] =	sst s0  }
0x18: {  	s0 =	sld [smem:$0x3F9A];
	_ =	swait.ge [sflag:s4], $0x0  }
0x19: {  	s7 =	sld [smem:$0x3F9B]  }
0x1a: {  	s8 =	sadd.s32 $0xFFFFE003, lr  }
0x1b: {  	s9 =	sadd.s32 $0xFFFFFEF7, lr;
	s5 =	simm.s32 $0xFFFFFFFF;
	p2 =	slt.u32 s8, $0xFFFFF086  }
0x1c: {  	p1 =	slt.u32 s9, $0xF7A;
	s5 =	simm.s32 @!p2 $0x0  }
0x1d: {  	s5 =	simm.s32 @p1 $0x1;
	p0 =	seq.s32 s7, s2  }
0x1e: {  	s7 =	smul.u32 @!p0 $0xF7A, s2;
	p2 =	seq.s32 @!p0 s5, $0x0  }
0x1f: {  	s9 =	smul.u32 $0xF7A, s1;
	s8 =	simm.s32 @!p0 $0x1BF5;
	p2 =	por !p2, p0  }
0x20: {  	[sflag:s8] =	ssyncset.s32 @!p0 $0xFFFFF086;
	s6 =	sadd.s32 @!p0 s3, s7;
	s7 =	simm.s32 @!p0 $0x108  }
0x21: {  	s3 =	sadd.s32 s3, s9;
	s6 =	sadd.s32 @!p0 $0x88, s6;
	s7 =	simm.s32 @p2 $0x1082  }
0x22: {  	[simem:s7], [sflag:s8] =	dma.local @!p0 [hbm:s6], $0xF7A  }
0x23: {  	s9 =	sor.u32 $0xD0000000, s2;
	s6 =	simm.s32 $0x108;
	_ =	swait.ge @!p0 [sflag:s8], $0x0  }
0x24: {  	s3 =	sadd.s32 $0x88, s3;
	s6 =	simm.s32 @!p1 $0x1082;
	[sflag:s4] =	ssyncset.s32 $0xFFFFF086  }
0x25: {  	[simem:s6], [sflag:s4] =	dma.local [hbm:s3], $0xF7A  }
0x26: {  	[smem:$0x3F9B] =	sst s1;
	(tag) =	ssettag s2;
	_ =	strace s9  }
0x27: {  	s1 =	sld [smem:$0x3FAB]  }
0x28: {  	s2 =	sld [smem:$0x3FAC]  }
0x29: {  	s4 =	sld [smem:$0x3FAE]  }
0x2a: {  	p0 =	seq.s32 s5, $0x0;
	s5 =	sld [smem:$0x3FAF]  }
0x2b: {  	s6 =	sld [smem:$0x3FB0]  }
0x2c: {  	s7 =	sld [smem:$0x3FB1]  }
0x2d: {  	s3 =	simm.s32 $0x108;
	s8 =	sld [smem:$0x3FB2]  }
0x2e: {  	s3 =	simm.s32 @!p0 $0x1082;
	s9 =	sld [smem:$0x3FB3]  }
0x2f: {  	lr =	sadd.s32 s0, s3;
	s0 =	sld [smem:$0x3FAA]  }
0x30: {  	s3 =	sld [smem:$0x3FAD]  }
0x31: {  	[smem:$0x3FB6] =	sst s10  }
0x32: {  	s10 =	sld [smem:$0x3FB4];
	_ =	sdelay $0x3  }
0x33: {  	p0 =	seq.s32 s10, $0x1;
	s10 =	sld [smem:$0x3FB6];
	_ =	sdelay $0x3  }
0x34: {  	[smem:$0x3FB6] =	sst s10  }
0x35: {  	s10 =	sld [smem:$0x3FB5];
	_ =	sdelay $0x3  }
0x36: {  	p1 =	seq.s32 s10, $0x1;
	s10 =	sld [smem:$0x3FB6];
	_ =	sdelay $0x3  }
0x37: {  	[smem:$0x3FB6] =	sst s10  }
0x38: {  	s10 =	sld [smem:$0x3FB7]  }
0x39: {  	_ = 	snop;
	(pc) =	sbr.ind lr, $3  }
0x3a: {  	_ = 	snop  }
0x3b: {  	_ = 	snop  }
0x3c: {  	p2 =	seq.s32 s10, $0x1;
	s10 =	sld [smem:$0x3FB6]  }
0x3d: {  	_ =	shalt  }
0x3e: {  	_ =	shalt  }
0x3f: {  	_ =	shalt  }
0x40: {  	_ =	shalt  }
0x41: {  	_ =	shalt  }
0x42: {  	_ =	shalt  }
0x43: {  	_ =	shalt  }
0x44: {  	_ =	shalt  }
0x45: {  	_ =	shalt  }
0x46: {  	_ =	shalt  }
0x47: {  	_ =	shalt  }
0x48: {  	_ =	shalt  }
0x49: {  	_ =	shalt  }
0x4a: {  	_ =	shalt  }
0x4b: {  	_ =	shalt  }
0x4c: {  	_ =	shalt  }
0x4d: {  	_ =	shalt  }
0x4e: {  	_ =	shalt  }
0x4f: {  	_ =	shalt  }
0x50: {  	_ =	shalt  }
0x51: {  	_ =	shalt  }
0x52: {  	_ =	shalt  }
0x53: {  	_ =	shalt  }
0x54: {  	_ =	shalt  }
0x55: {  	_ =	shalt  }
0x56: {  	_ =	shalt  }
0x57: {  	_ =	shalt  }
0x58: {  	_ =	shalt  }
0x59: {  	_ =	shalt  }
0x5a: {  	_ =	shalt  }
0x5b: {  	_ =	shalt  }
0x5c: {  	_ =	shalt  }
0x5d: {  	_ =	shalt  }
0x5e: {  	_ =	shalt  }
0x5f: {  	_ =	shalt  }
0x60: {  	_ =	shalt  }
0x61: {  	_ =	shalt  }
0x62: {  	_ =	shalt  }
0x63: {  	_ =	shalt  }
0x64: {  	_ =	shalt  }
0x65: {  	_ =	shalt  }
0x66: {  	_ =	shalt  }
0x67: {  	_ =	shalt  }
0x68: {  	_ =	shalt  }
0x69: {  	_ =	shalt  }
0x6a: {  	_ =	shalt  }
0x6b: {  	_ =	shalt  }
0x6c: {  	_ =	shalt  }
0x6d: {  	_ =	shalt  }
0x6e: {  	_ =	shalt  }
0x6f: {  	_ =	shalt  }
0x70: {  	_ =	shalt  }
0x71: {  	_ =	shalt  }
0x72: {  	_ =	shalt  }
0x73: {  	_ =	shalt  }
0x74: {  	_ =	shalt  }
0x75: {  	_ =	shalt  }
0x76: {  	_ =	shalt  }
0x77: {  	_ =	shalt  }
0x78: {  	_ =	shalt  }
0x79: {  	_ =	shalt  }
0x7a: {  	_ =	shalt  }
0x7b: {  	_ =	shalt  }
0x7c: {  	_ =	shalt  }
0x7d: {  	_ =	shalt  }
0x7e: {  	_ =	shalt  }
0x7f: {  	_ =	shalt  }
0x80: {  	_ =	shalt  }
0x81: {  	_ =	shalt  }
0x82: {  	_ =	shalt  }
0x83: {  	_ =	shalt  }
0x84: {  	_ =	shalt  }
0x85: {  	_ =	shalt  }
0x86: {  	_ =	shalt  }
0x87: {  	_ =	shalt  }
.Lfunc_end0:
.L_simem_size_0:
called_computation.2_lowered:
.L_overlay_start_0:
0x88: {  	s2 =	sld [smem:$0x3FD9]  }
0x89: {  	s3 =	sld [smem:$0x3FFE];
	_ =	sdelay $0x1  }
0x8a: {  	s1 =	srdreg.scid  }
0x8b: {  	s0 =	sand.u32 $0x1, s1  }
0x8c: {  	s17 =	sshll.u32 s0, $0xA;
	s2 =	sadd.s32 s3, s2  }
0x8d: {  	s2 =	sadd.s32 s2, s17  }
0x8e: {  	[smem:$0x3FC2] =	sst s2  }
0x8f: {  	_ = 	snop  }
0x90: {  	s2 =	sld [smem:$0x3FD0];
	(tm) =	ssettm $0x1  }
0x91: {  	s18 =	sld [smem:$0x3FFB];
	_ =	sdelay $0x3  }
0x92: {  	_ =	strace s18  }
0x93: {  	s3 =	sld [smem:$0x3FFC];
	_ =	sdelay $0x3  }
0x94: {  	_ =	strace s3  }
0x95: {  	s3 =	sld [smem:$0x3FFD];
	_ =	sdelay $0x3  }
0x96: {  	_ =	strace s3  }
0x97: {  	_ =	strace $0x8FFFFFFF  }
0x98: {  	s19 =	sld [smem:$0x3FDB];
	_ =	sdelay $0x1  }
0x99: {  	s4 =	simm.s32 $_scs_section_size  }
0x9a: {  	s5 =	simm.s32 $_size__tile_overlayer_lowered;
	s6 =	simm.s32 $_tile_overlayer_lowered  }
0x9b: {  	s22 =	simm.s32 $0x1BFF;
	s21 =	sshll.u32 s6, $0x1;
	s3 =	sadd.s32 s4, s19  }
0x9c: {  	s7 =	simm.s32 $0x0;
	s20 =	sshll.u32 s5, $0x1;
	s5 =	sadd.s32 s21, s3  }
0x9d: {  	[timem:s7], [sflag:s22] =	dma.local [hbm:s5], s20  }
0x9e: {  	_ =	swait.ge [sflag:s22], s20  }
0x9f: {  	s4 =	ssub.s32 $0x0, s20;
	[sflag:s22] =	ssyncset.done $0x0  }
0xa0: {  	[sflag:s22] =	ssyncadd.s32 s4;
	_ =	sdelay $0x1  }
0xa1: {  	s23 =	simm.s32 $0x1B8B  }
0xa2: {  	_ =	swait.ge [sflag:s23], $0x1  }
0xa3: {  	[sflag:s23] =	ssyncset.done $0x0  }
0xa4: {  	s25 =	simm.s32 $0x1B8E;
	s24 =	sld [smem:$0x3FFE];
	[sflag:s23] =	ssyncadd.s32 $0xFFFFFFFF  }
0xa5: {  	s26 =	simm.s32 $execute0_lowered;
	[smem:$0x3FD2] =	sst s25  }
0xa6: {  	s5 =	sshll.u32 s26, $0x1;
	_ =	strace $0x8000004C;
	[dreg:$0x1] =	wrdreg $0xFFFFFFFF  }
0xa7: {  	s28 =	simm.s32 $_size_execute0_lowered;
	s3 =	sadd.s32 s3, s5;
	[dreg:$0x0] =	wrdreg $0x0  }
0xa8: {  	s5 =	sshll.u32 s28, $0x1;
	[dreg:$0x2] =	wrdreg s3  }
0xa9: {  	[dreg:$0x3] =	wrdreg s5  }
0xaa: {  	[dreg:$0x4] =	wrdreg $0xC0  }
0xab: {  	_ =	task [dreg:s7], $0x5FFFF  }
0xac: {  	[dreg:$0x1] =	wrdreg $0xFFFFFFFF  }
0xad: {  	[dreg:$0x0] =	wrdreg $0x60  }
0xae: {  	[dreg:$0x2] =	wrdreg s24  }
0xaf: {  	[dreg:$0x3] =	wrdreg s2  }
0xb0: {  	[dreg:$0x4] =	wrdreg $0xAC000  }
0xb1: {  	[dreg:$0x5] =	wrdreg $0x9  }
0xb2: {  	_ =	task.clear_ibuf [dreg:s7], $0x6FFFF;
	_ =	strace $0x9000004C  }
0xb3: {  	s29 =	simm.s32 $0x9;
	_ =	strace $0x8000004E  }
0xb4: {  	_ =	swait.ge [sflag:s29], $0x1  }
0xb5: {  	[sflag:s29] =	ssyncadd.s32 $0xFFFFFFFF  }
0xb6: {  	_ =	strace $0x9000004E  }
0xb7: {  	_ =	sfence  }
0xb8: {  	s30 =	sld [smem:$0x0];
	_ =	sdelay $0x2  }
0xb9: {  	s31 =	sshll.u32 s1, $0xD;
	s1 =	sshrl.u32 s1, $0x2  }
0xba: {  	s3 =	sand.u32 $0x4000, s31;
	s1 =	sadd.s32 s1, s30  }
0xbb: {  	s0 =	sor.u32 s3, s0;
	s1 =	sshll.u32 s1, $0x11  }
0xbc: {  	s0 =	sor.u32 s1, s0  }
0xbd: {  	s0 =	sadd.s32 $0x8F2B, s0  }
0xbe: {  	[sflag:s0] =	ssyncadd.remote.s32 $0x1  }
0xbf: {  	_ =	sfence.sel $0xFFFF  }
0xc0: {  	[dreg:$0x0] =	wrdreg $0xFFFFFFFF;
	(pc) =	sbr.abs _section_cstart, $3  }
0xc1: {  	[dreg:$0x1] =	wrdreg $0xFFFFFFFF  }
0xc2: {  	_ =	task.clear_ibuf [dreg:s7], $0x2FFFF;
	_ =	strace $0x9FFFFFFF  }
0xc3: {  	(tm) =	ssettm $0x7FFFFFFF  }
tec
execute0_lowered:
.L_overlay_start_1:
0x0: {  	(tag) =	ssettag $0x1  }
0x1: {  	s0 =	rddreg [dreg:$0x0]  }
0x2: {  	s2 =	rddreg [dreg:$0x1]  }
0x3: {  	s1 =	rddreg [dreg:$0x2]  }
0x4: {  	s3 =	srdreg.scid;
	s13 =	stileid.u32;
	s14 =	simm.s32 $0x7  }
0x5: {  	s16 =	simm.s32 $0x400;
	s28 =	simm.s32 $0x3;
	s29 =	simm.s32 $0x6  }
0x6: {  	s30 =	simm.s32 $0x13B0;
	s31 =	simm.s32 $0x3280;
	s5 =	sand.u32 $0x1, s3  }
0x7: {  	s3 =	simm.s32 $0x0;
	s7 =	smul.u32 $0x14000, s13;
	s4 =	sadd.s32 $0x20E00, s0  }
0x8: {  	s9 =	sadd.s32 $0x16E00, s0;
	s8 =	sadd.s32 $0x2A00, s0;
	s18 =	smul.u32 $0x50000, s13  }
0x9: {  	s12 =	sshll.u32 s13, $0x7;
	s20 =	sshll.u32 s13, $0x6;
	s6 =	smul.u32 $0x140000, s5  }
0xa: {  	[smem:$0x7FF] =	sst s3;
	s17 =	sshll.u32 s5, $0x4;
	s5 =	ssub.s32 $0x2, s5  }
0xb: {  	s19 =	sand.u32 $0x380, s12;
	_ =	strace $0x8000004D;
	[dreg:$0x4] =	wrdreg s8  }
0xc: {  	s11 =	sshrl.u32 s5, $0x1;
	s8 =	sshrl.u32 s18, $0x2;
	s18 =	simm.s32 $0x50  }
0xd: {  	s6 =	sadd.s32 s7, s6;
	s7 =	sor.u32 s13, s17;
	s5 =	ssub.s32 s5, s11  }
0xe: {  	s21 =	sadd.s32 s8, s1;
	s17 =	simm.s32 $0x1400;
	s6 =	sshrl.u32 s6, $0x3  }
0xf: {  	s10 =	sshrl.u32 s7, $0x3;
	s7 =	sshll.u32 s7, $0xB;
	s12 =	smax.u32 s5, $0x1  }
0x10: {  	s13 =	sshrl.u32 s21, $0x3;
	s21 =	simm.s32 $0xA0;
	s5 =	simm.s32 $0x0  }
0x11: {  	s10 =	smul.u32 $0x14000, s10;
	s0 =	sadd.s32 s6, s0;
	s6 =	sor.u32 $0x1C07, s20  }
0x12: {  	s8 =	sadd.s32 s2, s7;
	s20 =	simm.s32 $0x5C00;
	s2 =	simm.s32 $0x3380  }
0x13: {  	s26 =	sadd.s32 $0x400, s8;
	s11 =	sadd.s32 $0x48E00, s0;
	s0 =	simm.s32 $0x3300  }
0x14: {  	s10 =	sor.u32 s19, s10;
	[dreg:$0x7] =	wrdreg s26;
	s19 =	simm.s32 $0x3400  }
0x15: {  	s26 =	simm.s32 $0x5;
	s22 =	sadd.s32 $0xA000, s10;
	s10 =	sshrl.u32 s10, $0x3  }
0x16: {  	s23 =	sshrl.u32 s22, $0x3;
	s24 =	sadd.s32 s9, s10;
	s22 =	simm.s32 $0x8400  }
0x17: {  	[dreg:$0x5] =	wrdreg s24;
	s25 =	sadd.s32 s9, s23;
	s23 =	simm.s32 $0x1  }
0x18: {  	s24 =	simm.s32 $0x4;
	[dreg:$0x6] =	wrdreg s25;
	s25 =	simm.s32 $0x2  }
.LBB2_1:
0x19: {  	s7 =	rddreg [dreg:$0x4]  }
0x1a: {  	[spmem:s13], [sflag:s6] =	dma.local [hbm:s7], $0x2800  }
0x1b: {  	_ =	swait.ge [sflag:s14], $0x2800  }
0x1c: {  	[sflag:s14] =	ssyncset.done $0x0  }
0x1d: {  	[sflag:s14] =	ssyncadd.s32 $0xFFFFD800  }
0x1e: {  	[bflag:$0x0] =	sbarrier.arrive $0xFFFF  }
0x1f: {  	s9 =	simm.s32 $0x80;
	s15 =	rddreg [dreg:$0x5]  }
0x20: {  	[tilespmem:s3], [sflag:$0x7] =	stream.strided.gather [hbm4b:s15+s9], $0x1400, s16, s9, $0x38;
	[tilespmem:$0x1EC00] =	vst v63  }
0x21: {  	_ =	swait.ge [sflag:s14], $0x1400  }
0x22: {  	[sflag:s14] =	ssyncset.done $0x0  }
0x23: {  	[sflag:s14] =	ssyncadd.s32 $0xFFFFEC00  }
0x24: {  	[tilespmem:s17], [sflag:$0x7] =	stream.linear.gather [hbm4b:s8+s3], $0x2000, $0x38;
	[tilespmem:$0x1EC00] =	vst v63  }
0x25: {  	_ =	swait.ge [sflag:s14], $0x2000  }
0x26: {  	[sflag:s14] =	ssyncset.done $0x0  }
0x27: {  	[sflag:s14] =	ssyncadd.s32 $0xFFFFE000  }
0x28: {  	[tilespmem:s19], [sflag:$0x1] =	stream.indirect.gather [hbm4b:s4+s18], $0x80, s3, s18, $0xb8;
	[tilespmem:$0x1EC00] =	vst v63  }
0x29: {  	_ = 	snop  }
0x2a: {  	[tilespmem:s20], [sflag:$0x2] =	stream.indirect.gather [hbm4b:s4+s18], $0x80, s18, s18, $0xb8;
	[tilespmem:$0x1EC00] =	vst v63  }
0x2b: {  	_ = 	snop  }
0x2c: {  	[tilespmem:s22], [sflag:$0x3] =	stream.indirect.gather [hbm4b:s4+s18], $0x80, s21, s18, $0xb8;
	[tilespmem:$0x1EC00] =	vst v63  }
0x2d: {  	_ =	swait.ge [sflag:s23], $0x2800  }
0x2e: {  	[sflag:s23] =	ssyncset.done $0x0  }
0x2f: {  	[sflag:s23] =	ssyncadd.s32 $0xFFFFD800  }
0x30: {  	[spmem:s1] =	stream.indirect.scatter.add.f32 [tilespmem:s19], [sflag:$0x4], $0x80, s17, s18, $0xb8;
	[tilespmem:$0x1EC00] =	vst v63  }
0x31: {  	_ =	swait.ge [sflag:s24], $0x2800  }
0x32: {  	[sflag:s24] =	ssyncset.done $0x0  }
0x33: {  	s10 =	simm.s32 $0xF0;
	[sflag:s24] =	ssyncadd.s32 $0xFFFFD800  }
0x34: {  	[tilespmem:s19], [sflag:$0x1] =	stream.indirect.gather [hbm4b:s4+s18], $0x80, s10, s18, $0xb8;
	[tilespmem:$0x1EC00] =	vst v63  }
0x35: {  	_ =	swait.ge [sflag:s25], $0x2800  }
0x36: {  	[sflag:s25] =	ssyncset.done $0x0  }
0x37: {  	s15 =	simm.s32 $0x1480;
	[sflag:s25] =	ssyncadd.s32 $0xFFFFD800  }
0x38: {  	[spmem:s1] =	stream.indirect.scatter.add.f32 [tilespmem:s20], [sflag:$0x5], $0x80, s15, s18, $0xb8;
	[tilespmem:$0x1EC00] =	vst v63  }
0x39: {  	_ =	swait.ge [sflag:s26], $0x2800  }
0x3a: {  	[sflag:s26] =	ssyncset.done $0x0  }
0x3b: {  	s9 =	simm.s32 $0x140;
	[sflag:s26] =	ssyncadd.s32 $0xFFFFD800  }
0x3c: {  	[tilespmem:s20], [sflag:$0x2] =	stream.indirect.gather [hbm4b:s4+s18], $0x80, s9, s18, $0xb8;
	[tilespmem:$0x1EC00] =	vst v63  }
0x3d: {  	_ =	swait.ge [sflag:s28], $0x2800  }
0x3e: {  	[sflag:s28] =	ssyncset.done $0x0  }
0x3f: {  	s10 =	simm.s32 $0x1500;
	[sflag:s28] =	ssyncadd.s32 $0xFFFFD800  }
0x40: {  	[spmem:s1] =	stream.indirect.scatter.add.f32 [tilespmem:s22], [sflag:$0x6], $0x80, s10, s18, $0xb8;
	[tilespmem:$0x1EC00] =	vst v63  }
0x41: {  	_ =	swait.ge [sflag:s29], $0x2800  }
0x42: {  	[sflag:s29] =	ssyncset.done $0x0  }
0x43: {  	s15 =	simm.s32 $0x190;
	[sflag:s29] =	ssyncadd.s32 $0xFFFFD800  }
0x44: {  	[tilespmem:s22], [sflag:$0x3] =	stream.indirect.gather [hbm4b:s4+s18], $0x80, s15, s18, $0xb8;
	[tilespmem:$0x1EC00] =	vst v63  }
0x45: {  	_ =	swait.ge [sflag:s23], $0x2800  }
0x46: {  	s7 =	simm.s32 $0x3C0;
	[sflag:s23] =	ssyncset.done $0x0  }
0x47: {  	s9 =	simm.s32 $0x1680;
	s15 =	simm.s32 $0x1580;
	[sflag:s23] =	ssyncadd.s32 $0xFFFFD800  }
.LBB2_2:
0x48: {  	[spmem:s1] =	stream.indirect.scatter.add.f32 [tilespmem:s19], [sflag:$0x4], $0x80, s15, s18, $0xb8;
	[tilespmem:$0x1EC00] =	vst v63  }
0x49: {  	s15 =	smov.u32 s7  }
0x4a: {  	p0 =	sne.s32 s7, $0x4740;
	s7 =	sadd.s32 $0x3C0, s7;
	_ =	swait.ge [sflag:s24], $0x2800  }
0x4b: {  	s15 =	sshra.s32 s15, $0x2;
	[sflag:s24] =	ssyncset.done $0x0  }
0x4c: {  	s10 =	sadd.s32 $0xF0, s15;
	[sflag:s24] =	ssyncadd.s32 $0xFFFFD800  }
0x4d: {  	[tilespmem:s19], [sflag:$0x1] =	stream.indirect.gather [hbm4b:s4+s18], $0x80, s10, s18, $0xb8;
	[tilespmem:$0x1EC00] =	vst v63  }
0x4e: {  	_ =	swait.ge [sflag:s25], $0x2800  }
0x4f: {  	[sflag:s25] =	ssyncset.done $0x0  }
0x50: {  	s10 =	sadd.s32 $0xFFFFFF80, s9;
	[sflag:s25] =	ssyncadd.s32 $0xFFFFD800  }
0x51: {  	[spmem:s1] =	stream.indirect.scatter.add.f32 [tilespmem:s20], [sflag:$0x5], $0x80, s10, s18, $0xb8;
	[tilespmem:$0x1EC00] =	vst v63  }
0x52: {  	_ =	swait.ge [sflag:s26], $0x2800  }
0x53: {  	[sflag:s26] =	ssyncset.done $0x0  }
0x54: {  	s10 =	sadd.s32 $0x140, s15;
	[sflag:s26] =	ssyncadd.s32 $0xFFFFD800  }
0x55: {  	[tilespmem:s20], [sflag:$0x2] =	stream.indirect.gather [hbm4b:s4+s18], $0x80, s10, s18, $0xb8;
	[tilespmem:$0x1EC00] =	vst v63  }
0x56: {  	_ =	swait.ge [sflag:s28], $0x2800  }
0x57: {  	[sflag:s28] =	ssyncset.done $0x0  }
0x58: {  	[sflag:s28] =	ssyncadd.s32 $0xFFFFD800  }
0x59: {  	[spmem:s1] =	stream.indirect.scatter.add.f32 [tilespmem:s22], [sflag:$0x6], $0x80, s9, s18, $0xb8;
	[tilespmem:$0x1EC00] =	vst v63  }
0x5a: {  	_ =	swait.ge [sflag:s29], $0x2800  }
0x5b: {  	[sflag:s29] =	ssyncset.done $0x0  }
.Ltmp0:
0x5c: {  	s10 =	sadd.s32 $0x190, s15;
	[sflag:s29] =	ssyncadd.s32 $0xFFFFD800;
	(pc) =	sbr.rel @p0 .LBB2_2-.Ltmp0, $4  }
0x5d: {  	[tilespmem:s22], [sflag:$0x3] =	stream.indirect.gather [hbm4b:s4+s18], $0x80, s10, s18, $0xb8;
	[tilespmem:$0x1EC00] =	vst v63  }
0x5e: {  	_ =	swait.ge [sflag:s23], $0x2800  }
0x5f: {  	[sflag:s23] =	ssyncset.done $0x0  }
0x60: {  	s15 =	sadd.s32 $0x80, s9;
	s9 =	sadd.s32 $0x180, s9;
	[sflag:s23] =	ssyncadd.s32 $0xFFFFD800  }
0x61: {  	[spmem:s1] =	stream.indirect.scatter.add.f32 [tilespmem:s19], [sflag:$0x4], $0x80, s15, s18, $0xb8;
	[tilespmem:$0x1EC00] =	vst v63  }
0x62: {  	_ =	swait.ge [sflag:s24], $0x2800  }
0x63: {  	[sflag:s24] =	ssyncset.done $0x0  }
0x64: {  	[sflag:s24] =	ssyncadd.s32 $0xFFFFD800  }
0x65: {  	[tilespmem:s19], [sflag:$0x1] =	stream.indirect.gather [hbm4b:s4+s18], $0x80, s30, s18, $0xb8;
	[tilespmem:$0x1EC00] =	vst v63  }
0x66: {  	_ =	swait.ge [sflag:s25], $0x2800  }
0x67: {  	[sflag:s25] =	ssyncset.done $0x0  }
0x68: {  	[sflag:s25] =	ssyncadd.s32 $0xFFFFD800  }
0x69: {  	[spmem:s1] =	stream.indirect.scatter.add.f32 [tilespmem:s20], [sflag:$0x5], $0x80, s31, s18, $0xb8;
	[tilespmem:$0x1EC00] =	vst v63  }
0x6a: {  	_ =	swait.ge [sflag:s28], $0x2800  }
0x6b: {  	[sflag:s28] =	ssyncset.done $0x0  }
0x6c: {  	[sflag:s28] =	ssyncadd.s32 $0xFFFFD800  }
0x6d: {  	[spmem:s1] =	stream.indirect.scatter.add.f32 [tilespmem:s22], [sflag:$0x6], $0x80, s0, s18, $0xb8;
	[tilespmem:$0x1EC00] =	vst v63  }
0x6e: {  	_ =	swait.ge [sflag:s23], $0x2800  }
0x6f: {  	[sflag:s23] =	ssyncset.done $0x0  }
0x70: {  	[sflag:s23] =	ssyncadd.s32 $0xFFFFD800  }
0x71: {  	[spmem:s1] =	stream.indirect.scatter.add.f32 [tilespmem:s19], [sflag:$0x4], $0x80, s2, s18, $0xb8;
	[tilespmem:$0x1EC00] =	vst v63  }
0x72: {  	_ =	swait.ge [sflag:s26], $0x2800  }
0x73: {  	[sflag:s26] =	ssyncset.done $0x0  }
0x74: {  	[sflag:s26] =	ssyncadd.s32 $0xFFFFD800  }
0x75: {  	_ =	swait.ge [sflag:s29], $0x2800  }
0x76: {  	[sflag:s29] =	ssyncset.done $0x0  }
0x77: {  	[sflag:s29] =	ssyncadd.s32 $0xFFFFD800  }
0x78: {  	_ =	swait.ge [sflag:s24], $0x2800  }
0x79: {  	s7 =	simm.s32 $0x0;
	[sflag:s24] =	ssyncset.done $0x0  }
0x7a: {  	s10 =	simm.s32 $0x80;
	s9 =	rddreg [dreg:$0x6];
	[sflag:s24] =	ssyncadd.s32 $0xFFFFD800  }
0x7b: {  	[tilespmem:s7], [sflag:$0x7] =	stream.strided.gather [hbm4b:s9+s10], $0x1400, s16, s10, $0x38;
	[tilespmem:$0x1EC00] =	vst v63  }
0x7c: {  	_ =	swait.ge [sflag:s14], $0x1400  }
0x7d: {  	[sflag:s14] =	ssyncset.done $0x0  }
0x7e: {  	s15 =	rddreg [dreg:$0x7];
	[sflag:s14] =	ssyncadd.s32 $0xFFFFEC00  }
0x7f: {  	[tilespmem:s17], [sflag:$0x7] =	stream.linear.gather [hbm4b:s15+s7], $0x2000, $0x38;
	[tilespmem:$0x1EC00] =	vst v63  }
0x80: {  	_ =	swait.ge [sflag:s14], $0x2000  }
0x81: {  	[sflag:s14] =	ssyncset.done $0x0  }
0x82: {  	[sflag:s14] =	ssyncadd.s32 $0xFFFFE000  }
0x83: {  	[tilespmem:s19], [sflag:$0x1] =	stream.indirect.gather [hbm4b:s4+s18], $0x80, s7, s18, $0xb8;
	[tilespmem:$0x1EC00] =	vst v63  }
0x84: {  	_ = 	snop  }
0x85: {  	[tilespmem:s20], [sflag:$0x2] =	stream.indirect.gather [hbm4b:s4+s18], $0x80, s18, s18, $0xb8;
	[tilespmem:$0x1EC00] =	vst v63  }
0x86: {  	_ = 	snop  }
0x87: {  	[tilespmem:s22], [sflag:$0x3] =	stream.indirect.gather [hbm4b:s4+s18], $0x80, s21, s18, $0xb8;
	[tilespmem:$0x1EC00] =	vst v63  }
0x88: {  	_ =	swait.ge [sflag:s23], $0x2800  }
0x89: {  	[sflag:s23] =	ssyncset.done $0x0  }
0x8a: {  	[sflag:s23] =	ssyncadd.s32 $0xFFFFD800  }
0x8b: {  	[spmem:s1] =	stream.indirect.scatter.add.f32 [tilespmem:s19], [sflag:$0x4], $0x80, s17, s18, $0xb8;
	[tilespmem:$0x1EC00] =	vst v63  }
0x8c: {  	_ =	swait.ge [sflag:s24], $0x2800  }
0x8d: {  	[sflag:s24] =	ssyncset.done $0x0  }
0x8e: {  	s10 =	simm.s32 $0xF0;
	[sflag:s24] =	ssyncadd.s32 $0xFFFFD800  }
0x8f: {  	[tilespmem:s19], [sflag:$0x1] =	stream.indirect.gather [hbm4b:s4+s18], $0x80, s10, s18, $0xb8;
	[tilespmem:$0x1EC00] =	vst v63  }
0x90: {  	_ =	swait.ge [sflag:s25], $0x2800  }
0x91: {  	[sflag:s25] =	ssyncset.done $0x0  }
0x92: {  	s15 =	simm.s32 $0x1480;
	[sflag:s25] =	ssyncadd.s32 $0xFFFFD800  }
0x93: {  	[spmem:s1] =	stream.indirect.scatter.add.f32 [tilespmem:s20], [sflag:$0x5], $0x80, s15, s18, $0xb8;
	[tilespmem:$0x1EC00] =	vst v63  }
0x94: {  	_ =	swait.ge [sflag:s26], $0x2800  }
0x95: {  	[sflag:s26] =	ssyncset.done $0x0  }
0x96: {  	s9 =	simm.s32 $0x140;
	[sflag:s26] =	ssyncadd.s32 $0xFFFFD800  }
0x97: {  	[tilespmem:s20], [sflag:$0x2] =	stream.indirect.gather [hbm4b:s4+s18], $0x80, s9, s18, $0xb8;
	[tilespmem:$0x1EC00] =	vst v63  }
0x98: {  	_ =	swait.ge [sflag:s28], $0x2800  }
0x99: {  	[sflag:s28] =	ssyncset.done $0x0  }
0x9a: {  	s10 =	simm.s32 $0x1500;
	[sflag:s28] =	ssyncadd.s32 $0xFFFFD800  }
0x9b: {  	[spmem:s1] =	stream.indirect.scatter.add.f32 [tilespmem:s22], [sflag:$0x6], $0x80, s10, s18, $0xb8;
	[tilespmem:$0x1EC00] =	vst v63  }
0x9c: {  	_ =	swait.ge [sflag:s29], $0x2800  }
0x9d: {  	[sflag:s29] =	ssyncset.done $0x0  }
0x9e: {  	s15 =	simm.s32 $0x190;
	[sflag:s29] =	ssyncadd.s32 $0xFFFFD800  }
0x9f: {  	[tilespmem:s22], [sflag:$0x3] =	stream.indirect.gather [hbm4b:s4+s18], $0x80, s15, s18, $0xb8;
	[tilespmem:$0x1EC00] =	vst v63  }
0xa0: {  	_ =	swait.ge [sflag:s23], $0x2800  }
0xa1: {  	s7 =	simm.s32 $0x3C0;
	[sflag:s23] =	ssyncset.done $0x0  }
0xa2: {  	s9 =	simm.s32 $0x1680;
	s15 =	simm.s32 $0x1580;
	[sflag:s23] =	ssyncadd.s32 $0xFFFFD800  }
.LBB2_4:
0xa3: {  	[spmem:s1] =	stream.indirect.scatter.add.f32 [tilespmem:s19], [sflag:$0x4], $0x80, s15, s18, $0xb8;
	[tilespmem:$0x1EC00] =	vst v63  }
0xa4: {  	s10 =	smov.u32 s7  }
0xa5: {  	p0 =	sne.s32 s7, $0x4740;
	s7 =	sadd.s32 $0x3C0, s7;
	_ =	swait.ge [sflag:s24], $0x2800  }
0xa6: {  	s10 =	sshra.s32 s10, $0x2;
	[sflag:s24] =	ssyncset.done $0x0  }
0xa7: {  	s15 =	sadd.s32 $0xF0, s10;
	[sflag:s24] =	ssyncadd.s32 $0xFFFFD800  }
0xa8: {  	[tilespmem:s19], [sflag:$0x1] =	stream.indirect.gather [hbm4b:s4+s18], $0x80, s15, s18, $0xb8;
	[tilespmem:$0x1EC00] =	vst v63  }
0xa9: {  	_ =	swait.ge [sflag:s25], $0x2800  }
0xaa: {  	[sflag:s25] =	ssyncset.done $0x0  }
0xab: {  	s15 =	sadd.s32 $0xFFFFFF80, s9;
	[sflag:s25] =	ssyncadd.s32 $0xFFFFD800  }
0xac: {  	[spmem:s1] =	stream.indirect.scatter.add.f32 [tilespmem:s20], [sflag:$0x5], $0x80, s15, s18, $0xb8;
	[tilespmem:$0x1EC00] =	vst v63  }
0xad: {  	_ =	swait.ge [sflag:s26], $0x2800  }
0xae: {  	[sflag:s26] =	ssyncset.done $0x0  }
0xaf: {  	s15 =	sadd.s32 $0x140, s10;
	[sflag:s26] =	ssyncadd.s32 $0xFFFFD800  }
0xb0: {  	[tilespmem:s20], [sflag:$0x2] =	stream.indirect.gather [hbm4b:s4+s18], $0x80, s15, s18, $0xb8;
	[tilespmem:$0x1EC00] =	vst v63  }
0xb1: {  	_ =	swait.ge [sflag:s28], $0x2800  }
0xb2: {  	[sflag:s28] =	ssyncset.done $0x0  }
0xb3: {  	[sflag:s28] =	ssyncadd.s32 $0xFFFFD800  }
0xb4: {  	[spmem:s1] =	stream.indirect.scatter.add.f32 [tilespmem:s22], [sflag:$0x6], $0x80, s9, s18, $0xb8;
	[tilespmem:$0x1EC00] =	vst v63  }
0xb5: {  	_ =	swait.ge [sflag:s29], $0x2800  }
0xb6: {  	[sflag:s29] =	ssyncset.done $0x0  }
.Ltmp1:
0xb7: {  	s10 =	sadd.s32 $0x190, s10;
	[sflag:s29] =	ssyncadd.s32 $0xFFFFD800;
	(pc) =	sbr.rel @p0 .LBB2_4-.Ltmp1, $4  }
0xb8: {  	[tilespmem:s22], [sflag:$0x3] =	stream.indirect.gather [hbm4b:s4+s18], $0x80, s10, s18, $0xb8;
	[tilespmem:$0x1EC00] =	vst v63  }
0xb9: {  	_ =	swait.ge [sflag:s23], $0x2800  }
0xba: {  	[sflag:s23] =	ssyncset.done $0x0  }
0xbb: {  	s15 =	sadd.s32 $0x80, s9;
	s9 =	sadd.s32 $0x180, s9;
	[sflag:s23] =	ssyncadd.s32 $0xFFFFD800  }
0xbc: {  	[spmem:s1] =	stream.indirect.scatter.add.f32 [tilespmem:s19], [sflag:$0x4], $0x80, s15, s18, $0xb8;
	[tilespmem:$0x1EC00] =	vst v63  }
0xbd: {  	_ =	swait.ge [sflag:s24], $0x2800  }
0xbe: {  	[sflag:s24] =	ssyncset.done $0x0  }
0xbf: {  	[sflag:s24] =	ssyncadd.s32 $0xFFFFD800  }
0xc0: {  	[tilespmem:s19], [sflag:$0x1] =	stream.indirect.gather [hbm4b:s4+s18], $0x80, s30, s18, $0xb8;
	[tilespmem:$0x1EC00] =	vst v63  }
0xc1: {  	_ =	swait.ge [sflag:s25], $0x2800  }
0xc2: {  	[sflag:s25] =	ssyncset.done $0x0  }
0xc3: {  	[sflag:s25] =	ssyncadd.s32 $0xFFFFD800  }
0xc4: {  	[spmem:s1] =	stream.indirect.scatter.add.f32 [tilespmem:s20], [sflag:$0x5], $0x80, s31, s18, $0xb8;
	[tilespmem:$0x1EC00] =	vst v63  }
0xc5: {  	_ =	swait.ge [sflag:s28], $0x2800  }
0xc6: {  	[sflag:s28] =	ssyncset.done $0x0  }
0xc7: {  	[sflag:s28] =	ssyncadd.s32 $0xFFFFD800  }
0xc8: {  	[spmem:s1] =	stream.indirect.scatter.add.f32 [tilespmem:s22], [sflag:$0x6], $0x80, s0, s18, $0xb8;
	[tilespmem:$0x1EC00] =	vst v63  }
0xc9: {  	_ =	swait.ge [sflag:s23], $0x2800  }
0xca: {  	[sflag:s23] =	ssyncset.done $0x0  }
0xcb: {  	[sflag:s23] =	ssyncadd.s32 $0xFFFFD800  }
0xcc: {  	[spmem:s1] =	stream.indirect.scatter.add.f32 [tilespmem:s19], [sflag:$0x4], $0x80, s2, s18, $0xb8;
	[tilespmem:$0x1EC00] =	vst v63  }
0xcd: {  	_ =	swait.ge [sflag:s26], $0x2800  }
0xce: {  	[sflag:s26] =	ssyncset.done $0x0  }
0xcf: {  	[sflag:s26] =	ssyncadd.s32 $0xFFFFD800  }
0xd0: {  	_ =	swait.ge [sflag:s29], $0x2800  }
0xd1: {  	[sflag:s29] =	ssyncset.done $0x0  }
0xd2: {  	[sflag:s29] =	ssyncadd.s32 $0xFFFFD800  }
0xd3: {  	_ =	swait.ge [sflag:s24], $0x2800  }
0xd4: {  	s5 =	sadd.s32 $0x1, s5;
	[sflag:s24] =	ssyncset.done $0x0  }
0xd5: {  	p0 =	sne.s32 s5, s12;
	[sflag:s24] =	ssyncadd.s32 $0xFFFFD800  }
.Ltmp2:
0xd6: {  	[bflag:$0x0] =	sbarrier.arrive $0xFFFF;
	(pc) =	sbr.rel @p0 .LBB2_1-.Ltmp2, $4  }
0xd7: {  	[hbm:s11], [sflag:s6] =	dma.local [spmem:s13], $0x2800  }
0xd8: {  	_ =	swait.ge [sflag:s14], $0x2800  }
0xd9: {  	[sflag:s14] =	ssyncset.done $0x0  }
0xda: {  	[sflag:s14] =	ssyncadd.s32 $0xFFFFD800  }
0xdb: {  	_ =	sfence.sel $0x180000  }
0xdc: {  	[bflag:$0x0] =	sbarrier.arrive $0xFFFF  }
0xdd: {  	_ =	strace $0x9000004D  }
0xde: {  	s0 =	stileid.u32;
	[bflag:$0x2] =	sbarrier.arrive $0xFFFF  }
0xdf: {  	p0 =	sne.s32 s0, $0x0;
	s0 =	rddreg [dreg:$0x3]  }
0xe0: {  	s0 =	sadd.s32 @!p0 $0x100000, s0  }
0xe1: {  	[sflag:s0] =	ssyncadd.tile.s32 @!p0 $0x1;
	_ =	shalt  }
.Lfunc_end2:
_tile_overlayer_lowered:
.L_overlay_start_2:
0xe2: {  	(tag) =	ssettag $0x2  }
0xe3: {  	s0 =	rddreg [dreg:$0x0];
	s2 =	stileid.u32  }
0xe4: {  	s1 =	rddreg [dreg:$0x1];
	p0 =	sne.s32 s2, $0x0  }
0xe5: {  	s3 =	rddreg [dreg:$0x2];
	[bflag:$0x3] =	sbarrier.arrive $0xFFFF;
	s2 =	simm.s32 @!p0 $0x1C07  }
0xe6: {  	[timem:s3], [sflag:s2] =	dma.local @!p0 [hbm:s0], s1  }
0xe7: {  	s0 =	simm.s32 @!p0 $0x7  }
0xe8: {  	_ =	swait.ge @!p0 [sflag:s0], s1  }
0xe9: {  	s1 =	ssub.s32 @!p0 $0x0, s1;
	[sflag:s0] =	ssyncset.done @!p0 $0x0  }
0xea: {  	[sflag:s0] =	ssyncadd.s32 @!p0 s1  }
0xeb: {  	[bflag:$0x3] =	sbarrier.arrive $0xFFFF  }
0xec: {  	_ =	shalt  }

// kernel: kernel.8.cloned.1.call-start
scs
__scs_entry_jumppad:
0x0: {  	(pc) =	sbr.rel $0x88, $3  }
0x1: {  	(tag) =	ssettag $0x0;
	lr =	simm.s32 $0x1  }
0x2: {  	[smem:$0x3F9B] =	sst lr;
	_ =	strace $0xD0000000  }
0x3: {  	_ = 	snop  }
0x4: {  	_ = 	snop  }
0x5: {  	_ = 	snop  }
0x6: {  	_ = 	snop  }
0x7: {  	_ = 	snop  }
__scs_overlays_trampoline_lowered:
0x8: {  	[smem:$0x3FAA] =	sst s0  }
0x9: {  	[smem:$0x3FAB] =	sst s1  }
0xa: {  	[smem:$0x3FAC] =	sst s2  }
0xb: {  	[smem:$0x3FAD] =	sst s3  }
0xc: {  	[smem:$0x3FAE] =	sst s4  }
0xd: {  	[smem:$0x3FAF] =	sst s5  }
0xe: {  	[smem:$0x3FB0] =	sst s6  }
0xf: {  	[smem:$0x3FB1] =	sst s7  }
0x10: {  	[smem:$0x3FB2] =	sst s8  }
0x11: {  	[smem:$0x3FB3] =	sst s9;
	s0 =	simm.s32 @!p0 $0x0  }
0x12: {  	s1 =	sld [smem:$0x3F99];
	s0 =	simm.s32 @p0 $0x1  }
0x13: {  	[smem:$0x3FB4] =	sst s0;
	s0 =	simm.s32 @!p1 $0x0  }
0x14: {  	s2 =	sld [smem:$0x3F98];
	s0 =	simm.s32 @p1 $0x1  }
0x15: {  	[smem:$0x3FB5] =	sst s0;
	s0 =	simm.s32 @!p2 $0x0  }
0x16: {  	s3 =	sld [smem:$0x3FDB];
	s0 =	simm.s32 @p2 $0x1  }
0x17: {  	s4 =	simm.s32 $0x1BF5;
	[smem:$0x3FB7] =	sst s0  }
0x18: {  	s0 =	sld [smem:$0x3F9A];
	_ =	swait.ge [sflag:s4], $0x0  }
0x19: {  	s7 =	sld [smem:$0x3F9B]  }
0x1a: {  	s8 =	sadd.s32 $0xFFFFE003, lr  }
0x1b: {  	s9 =	sadd.s32 $0xFFFFFEF7, lr;
	s5 =	simm.s32 $0xFFFFFFFF;
	p2 =	slt.u32 s8, $0xFFFFF086  }
0x1c: {  	p1 =	slt.u32 s9, $0xF7A;
	s5 =	simm.s32 @!p2 $0x0  }
0x1d: {  	s5 =	simm.s32 @p1 $0x1;
	p0 =	seq.s32 s7, s2  }
0x1e: {  	s7 =	smul.u32 @!p0 $0xF7A, s2;
	p2 =	seq.s32 @!p0 s5, $0x0  }
0x1f: {  	s9 =	smul.u32 $0xF7A, s1;
	s8 =	simm.s32 @!p0 $0x1BF5;
	p2 =	por !p2, p0  }
0x20: {  	[sflag:s8] =	ssyncset.s32 @!p0 $0xFFFFF086;
	s6 =	sadd.s32 @!p0 s3, s7;
	s7 =	simm.s32 @!p0 $0x108  }
0x21: {  	s3 =	sadd.s32 s3, s9;
	s6 =	sadd.s32 @!p0 $0x88, s6;
	s7 =	simm.s32 @p2 $0x1082  }
0x22: {  	[simem:s7], [sflag:s8] =	dma.local @!p0 [hbm:s6], $0xF7A  }
0x23: {  	s9 =	sor.u32 $0xD0000000, s2;
	s6 =	simm.s32 $0x108;
	_ =	swait.ge @!p0 [sflag:s8], $0x0  }
0x24: {  	s3 =	sadd.s32 $0x88, s3;
	s6 =	simm.s32 @!p1 $0x1082;
	[sflag:s4] =	ssyncset.s32 $0xFFFFF086  }
0x25: {  	[simem:s6], [sflag:s4] =	dma.local [hbm:s3], $0xF7A  }
0x26: {  	[smem:$0x3F9B] =	sst s1;
	(tag) =	ssettag s2;
	_ =	strace s9  }
0x27: {  	s1 =	sld [smem:$0x3FAB]  }
0x28: {  	s2 =	sld [smem:$0x3FAC]  }
0x29: {  	s4 =	sld [smem:$0x3FAE]  }
0x2a: {  	p0 =	seq.s32 s5, $0x0;
	s5 =	sld [smem:$0x3FAF]  }
0x2b: {  	s6 =	sld [smem:$0x3FB0]  }
0x2c: {  	s7 =	sld [smem:$0x3FB1]  }
0x2d: {  	s3 =	simm.s32 $0x108;
	s8 =	sld [smem:$0x3FB2]  }
0x2e: {  	s3 =	simm.s32 @!p0 $0x1082;
	s9 =	sld [smem:$0x3FB3]  }
0x2f: {  	lr =	sadd.s32 s0, s3;
	s0 =	sld [smem:$0x3FAA]  }
0x30: {  	s3 =	sld [smem:$0x3FAD]  }
0x31: {  	[smem:$0x3FB6] =	sst s10  }
0x32: {  	s10 =	sld [smem:$0x3FB4];
	_ =	sdelay $0x3  }
0x33: {  	p0 =	seq.s32 s10, $0x1;
	s10 =	sld [smem:$0x3FB6];
	_ =	sdelay $0x3  }
0x34: {  	[smem:$0x3FB6] =	sst s10  }
0x35: {  	s10 =	sld [smem:$0x3FB5];
	_ =	sdelay $0x3  }
0x36: {  	p1 =	seq.s32 s10, $0x1;
	s10 =	sld [smem:$0x3FB6];
	_ =	sdelay $0x3  }
0x37: {  	[smem:$0x3FB6] =	sst s10  }
0x38: {  	s10 =	sld [smem:$0x3FB7]  }
0x39: {  	_ = 	snop;
	(pc) =	sbr.ind lr, $3  }
0x3a: {  	_ = 	snop  }
0x3b: {  	_ = 	snop  }
0x3c: {  	p2 =	seq.s32 s10, $0x1;
	s10 =	sld [smem:$0x3FB6]  }
0x3d: {  	_ =	shalt  }
0x3e: {  	_ =	shalt  }
0x3f: {  	_ =	shalt  }
0x40: {  	_ =	shalt  }
0x41: {  	_ =	shalt  }
0x42: {  	_ =	shalt  }
0x43: {  	_ =	shalt  }
0x44: {  	_ =	shalt  }
0x45: {  	_ =	shalt  }
0x46: {  	_ =	shalt  }
0x47: {  	_ =	shalt  }
0x48: {  	_ =	shalt  }
0x49: {  	_ =	shalt  }
0x4a: {  	_ =	shalt  }
0x4b: {  	_ =	shalt  }
0x4c: {  	_ =	shalt  }
0x4d: {  	_ =	shalt  }
0x4e: {  	_ =	shalt  }
0x4f: {  	_ =	shalt  }
0x50: {  	_ =	shalt  }
0x51: {  	_ =	shalt  }
0x52: {  	_ =	shalt  }
0x53: {  	_ =	shalt  }
0x54: {  	_ =	shalt  }
0x55: {  	_ =	shalt  }
0x56: {  	_ =	shalt  }
0x57: {  	_ =	shalt  }
0x58: {  	_ =	shalt  }
0x59: {  	_ =	shalt  }
0x5a: {  	_ =	shalt  }
0x5b: {  	_ =	shalt  }
0x5c: {  	_ =	shalt  }
0x5d: {  	_ =	shalt  }
0x5e: {  	_ =	shalt  }
0x5f: {  	_ =	shalt  }
0x60: {  	_ =	shalt  }
0x61: {  	_ =	shalt  }
0x62: {  	_ =	shalt  }
0x63: {  	_ =	shalt  }
0x64: {  	_ =	shalt  }
0x65: {  	_ =	shalt  }
0x66: {  	_ =	shalt  }
0x67: {  	_ =	shalt  }
0x68: {  	_ =	shalt  }
0x69: {  	_ =	shalt  }
0x6a: {  	_ =	shalt  }
0x6b: {  	_ =	shalt  }
0x6c: {  	_ =	shalt  }
0x6d: {  	_ =	shalt  }
0x6e: {  	_ =	shalt  }
0x6f: {  	_ =	shalt  }
0x70: {  	_ =	shalt  }
0x71: {  	_ =	shalt  }
0x72: {  	_ =	shalt  }
0x73: {  	_ =	shalt  }
0x74: {  	_ =	shalt  }
0x75: {  	_ =	shalt  }
0x76: {  	_ =	shalt  }
0x77: {  	_ =	shalt  }
0x78: {  	_ =	shalt  }
0x79: {  	_ =	shalt  }
0x7a: {  	_ =	shalt  }
0x7b: {  	_ =	shalt  }
0x7c: {  	_ =	shalt  }
0x7d: {  	_ =	shalt  }
0x7e: {  	_ =	shalt  }
0x7f: {  	_ =	shalt  }
0x80: {  	_ =	shalt  }
0x81: {  	_ =	shalt  }
0x82: {  	_ =	shalt  }
0x83: {  	_ =	shalt  }
0x84: {  	_ =	shalt  }
0x85: {  	_ =	shalt  }
0x86: {  	_ =	shalt  }
0x87: {  	_ =	shalt  }
.Lfunc_end0:
.L_simem_size_0:
called_computation_lowered:
.L_overlay_start_0:
0x88: {  	s2 =	sld [smem:$0x3FD9]  }
0x89: {  	s3 =	sld [smem:$0x3FFE];
	_ =	sdelay $0x1  }
0x8a: {  	s1 =	srdreg.scid  }
0x8b: {  	s0 =	sand.u32 $0x1, s1  }
0x8c: {  	s16 =	sshll.u32 s0, $0xA;
	s2 =	sadd.s32 s3, s2  }
0x8d: {  	s2 =	sadd.s32 s2, s16  }
0x8e: {  	[smem:$0x3FC2] =	sst s2  }
0x8f: {  	_ = 	snop  }
0x90: {  	(tm) =	ssettm $0x1  }
0x91: {  	s17 =	sld [smem:$0x3FFB];
	_ =	sdelay $0x3  }
0x92: {  	_ =	strace s17  }
0x93: {  	s2 =	sld [smem:$0x3FFC];
	_ =	sdelay $0x3  }
0x94: {  	_ =	strace s2  }
0x95: {  	s2 =	sld [smem:$0x3FFD];
	_ =	sdelay $0x3  }
0x96: {  	_ =	strace s2  }
0x97: {  	_ =	strace $0x8FFFFFFF  }
0x98: {  	s18 =	sld [smem:$0x3FDB];
	_ =	sdelay $0x1  }
0x99: {  	s19 =	simm.s32 $_scs_section_size  }
0x9a: {  	s4 =	simm.s32 $_size__tile_overlayer_lowered;
	s5 =	simm.s32 $_tile_overlayer_lowered  }
0x9b: {  	s22 =	simm.s32 $0x1BFF;
	s21 =	sshll.u32 s5, $0x1;
	s2 =	sadd.s32 s19, s18  }
0x9c: {  	s6 =	simm.s32 $0x0;
	s20 =	sshll.u32 s4, $0x1;
	s4 =	sadd.s32 s21, s2  }
0x9d: {  	[timem:s6], [sflag:s22] =	dma.local [hbm:s4], s20  }
0x9e: {  	_ =	swait.ge [sflag:s22], s20  }
0x9f: {  	s3 =	ssub.s32 $0x0, s20;
	[sflag:s22] =	ssyncset.done $0x0  }
0xa0: {  	[sflag:s22] =	ssyncadd.s32 s3;
	_ =	sdelay $0x1  }
0xa1: {  	s23 =	simm.s32 $0x1B8B  }
0xa2: {  	_ =	swait.ge [sflag:s23], $0x1  }
0xa3: {  	[sflag:s23] =	ssyncset.done $0x0  }
0xa4: {  	s25 =	simm.s32 $0x1B8E;
	s24 =	sld [smem:$0x3FFE];
	[sflag:s23] =	ssyncadd.s32 $0xFFFFFFFF  }
0xa5: {  	s26 =	simm.s32 $execute0_lowered;
	[smem:$0x3FD2] =	sst s25  }
0xa6: {  	s4 =	sshll.u32 s26, $0x1;
	_ =	strace $0x80000046;
	[dreg:$0x1] =	wrdreg $0xFFFFFFFF  }
0xa7: {  	s28 =	simm.s32 $_size_execute0_lowered;
	s2 =	sadd.s32 s2, s4;
	[dreg:$0x0] =	wrdreg $0x0  }
0xa8: {  	s4 =	sshll.u32 s28, $0x1;
	[dreg:$0x2] =	wrdreg s2  }
0xa9: {  	[dreg:$0x3] =	wrdreg s4  }
0xaa: {  	[dreg:$0x4] =	wrdreg $0xC0  }
0xab: {  	_ =	task [dreg:s6], $0x5FFFF  }
0xac: {  	[dreg:$0x1] =	wrdreg $0xFFFFFFFF  }
0xad: {  	[dreg:$0x0] =	wrdreg $0x60  }
0xae: {  	[dreg:$0x2] =	wrdreg s24  }
0xaf: {  	[dreg:$0x3] =	wrdreg $0x9  }
0xb0: {  	_ =	task.clear_ibuf [dreg:s6], $0x4FFFF;
	_ =	strace $0x90000046  }
0xb1: {  	s29 =	simm.s32 $0x9;
	_ =	strace $0x80000048  }
0xb2: {  	_ =	swait.ge [sflag:s29], $0x1  }
0xb3: {  	[sflag:s29] =	ssyncadd.s32 $0xFFFFFFFF  }
0xb4: {  	_ =	strace $0x90000048  }
0xb5: {  	_ =	sfence  }
0xb6: {  	s30 =	sld [smem:$0x0];
	_ =	sdelay $0x2  }
0xb7: {  	s31 =	sshll.u32 s1, $0xD;
	s1 =	sshrl.u32 s1, $0x2  }
0xb8: {  	s3 =	sand.u32 $0x4000, s31;
	s1 =	sadd.s32 s1, s30  }
0xb9: {  	s0 =	sor.u32 s3, s0;
	s1 =	sshll.u32 s1, $0x11  }
0xba: {  	s0 =	sor.u32 s1, s0  }
0xbb: {  	s0 =	sadd.s32 $0x8F2B, s0  }
0xbc: {  	[sflag:s0] =	ssyncadd.remote.s32 $0x1  }
0xbd: {  	_ =	sfence.sel $0xFFFF  }
0xbe: {  	[dreg:$0x0] =	wrdreg $0xFFFFFFFF;
	(pc) =	sbr.abs _section_cstart, $3  }
0xbf: {  	[dreg:$0x1] =	wrdreg $0xFFFFFFFF  }
0xc0: {  	_ =	task.clear_ibuf [dreg:s6], $0x2FFFF;
	_ =	strace $0x9FFFFFFF  }
0xc1: {  	(tm) =	ssettm $0x7FFFFFFF  }
tec
execute0_lowered:
.L_overlay_start_1:
0x0: {  	(tag) =	ssettag $0x1  }
0x1: {  	s0 =	srdreg.scid  }
0x2: {  	s4 =	rddreg [dreg:$0x0];
	s3 =	sand.u32 $0x1, s0  }
0x3: {  	s2 =	simm.s32 $0x0;
	s0 =	stileid.u32;
	s1 =	sshll.u32 s3, $0x4  }
0x4: {  	s8 =	simm.s32 $0x400;
	s9 =	simm.s32 $0x1;
	s1 =	sor.u32 s0, s1  }
0x5: {  	s10 =	simm.s32 $0x2780;
	s11 =	simm.s32 $0x0;
	s5 =	sshrl.u32 s1, $0x3  }
0x6: {  	[smem:$0x7FF] =	sst s2;
	s6 =	sshll.u32 s0, $0x7;
	s7 =	smul.u32 $0x13C00, s5  }
0x7: {  	s30 =	ssub.s32 $0x2, s3;
	s6 =	sand.u32 $0x380, s6;
	s5 =	smul.u32 $0x14000, s5  }
0x8: {  	s3 =	sadd.s32 $0xC800, s4;
	s31 =	sshrl.u32 s30, $0x1;
	s7 =	sor.u32 s6, s7  }
0x9: {  	s1 =	rddreg [dreg:$0x1];
	s5 =	sor.u32 s6, s5;
	s7 =	sshrl.u32 s7, $0x3  }
0xa: {  	_ =	strace $0x80000047;
	s5 =	sshrl.u32 s5, $0x3;
	s29 =	sadd.s32 s7, s4  }
0xb: {  	s5 =	sadd.s32 s5, s4;
	s7 =	ssub.s32 s30, s31;
	s4 =	sadd.s32 $0x2A00, s29  }
0xc: {  	v0 =	vimm.f32 $1.000000000e+00;
	s5 =	sadd.s32 $0xCE00, s5;
	s6 =	smax.u32 s7, $0x1;
	s7 =	simm.s32 $0x80  }
.LBB2_1:
0xd: {  	[tilespmem:s2], [sflag:$0x1] =	stream.strided.gather [hbm4b:s4+s7], $0x2780, s8, s7, $0x38;
	[tilespmem:$0x4F80] =	vst v63  }
0xe: {  	_ =	swait.ge [sflag:s9], $0x2780  }
0xf: {  	[sflag:s9] =	ssyncset.done $0x0  }
0x10: {  	[sflag:s9] =	ssyncadd.s32 $0xFFFFD880  }
0x11: {  	[tilespmem:s10], [sflag:$0x1] =	stream.linear.gather [hbm4b:s3+s2], $0x2800, $0x38;
	[tilespmem:$0x4F80] =	vst v63  }
0x12: {  	_ =	swait.ge [sflag:s9], $0x2800  }
0x13: {  	[sflag:s9] =	ssyncset.done $0x0  }
0x14: {  	s13 =	simm.s32 $0x0;
	s12 =	simm.s32 $0x40;
	[sflag:s9] =	ssyncadd.s32 $0xFFFFD800  }
.LBB2_2:
0x15: {  	p0 =	sne.s32 s12, $0x9C00;
	v1 =	vld [tilespmem:s13+$0x0];
	_ =	sdelay $0x3  }
.Ltmp0:
0x16: {  	(pc) =	sbr.rel @p0 .LBB2_2-.Ltmp0, $2  }
0x17: {  	_ =	sdelay $0x2  }
0x18: {  	s13 =	sshra.s32 s12, $0x2;
	s12 =	sadd.s32 $0x40, s12;
	[tilespmem:v1+s10+$0x0] =	vst.idx.add.f32.msk $0xffff, v0  }
0x19: {  	v1 =	vld [tilespmem:s13+$0x0];
	_ =	sdelay $0x5  }
0x1a: {  	s11 =	sadd.s32 $0x1, s11  }
0x1b: {  	p0 =	sne.s32 s11, s6  }
.Ltmp1:
0x1c: {  	[tilespmem:v1+s10+$0x0] =	vst.idx.add.f32.msk $0xffff, v0;
	(pc) =	sbr.rel @p0 .LBB2_1-.Ltmp1, $4  }
0x1d: {  	[hbm4b:s5+s7] =	stream.strided.scatter [tilespmem:s10], [sflag:$0x1], $0x2800, s8, s7, $0x38;
	[tilespmem:$0x4F80] =	vst v63  }
0x1e: {  	_ =	swait.ge [sflag:s9], $0x2800  }
0x1f: {  	[sflag:s9] =	ssyncset.done $0x0  }
0x20: {  	[sflag:s9] =	ssyncadd.s32 $0xFFFFD800  }
0x21: {  	_ =	sfence.sel $0x180000  }
0x22: {  	[bflag:$0x0] =	sbarrier.arrive $0xFFFF  }
0x23: {  	p0 =	sne.s32 s0, $0x0;
	_ =	strace $0x90000047  }
0x24: {  	s0 =	sadd.s32 @!p0 $0x100000, s1;
	[bflag:$0x2] =	sbarrier.arrive $0xFFFF  }
0x25: {  	[sflag:s0] =	ssyncadd.tile.s32 @!p0 $0x1;
	_ =	shalt  }
.Lfunc_end2:
_tile_overlayer_lowered:
.L_overlay_start_2:
0x26: {  	(tag) =	ssettag $0x2  }
0x27: {  	s0 =	rddreg [dreg:$0x0];
	s2 =	stileid.u32  }
0x28: {  	s1 =	rddreg [dreg:$0x1];
	p0 =	sne.s32 s2, $0x0  }
0x29: {  	s3 =	rddreg [dreg:$0x2];
	[bflag:$0x3] =	sbarrier.arrive $0xFFFF;
	s2 =	simm.s32 @!p0 $0x1C01  }
0x2a: {  	[timem:s3], [sflag:s2] =	dma.local @!p0 [hbm:s0], s1  }
0x2b: {  	s0 =	simm.s32 @!p0 $0x1  }
0x2c: {  	_ =	swait.ge @!p0 [sflag:s0], s1  }
0x2d: {  	s1 =	ssub.s32 @!p0 $0x0, s1;
	[sflag:s0] =	ssyncset.done @!p0 $0x0  }
0x2e: {  	[sflag:s0] =	ssyncadd.s32 @!p0 s1  }
0x2f: {  	[bflag:$0x3] =	sbarrier.arrive $0xFFFF  }
0x30: {  	_ =	shalt  }

</sc_bundles>
